<compile_context>
chip_gen: v7x
topology: tpu7x:2x2x1
jax: 0.10.2.dev20260603
libtpu: 0.0.44.dev20260713+nightly
codegen_flags: <defaults>
</compile_context>

<pallas_src>
import functools

import jax
import jax.numpy as jnp
from jax import lax
from jax.experimental import pallas as pl
from jax.experimental.pallas import tpu as pltpu
from jax.experimental.pallas import tpu_sc as plsc

_IOU_THR = 0.5
_SCORE_THR = 0.05
_MAX_OUT = 100
_Q1 = 20
_QSTEP = 24
_L = 16
_KP = 128
_IMAX = 2**31 - 1


@functools.lru_cache(maxsize=None)
def _build(B, N, C):
    L = _L
    Npad = -(-N // L) * L
    NV = Npad // L
    KP = _KP
    neg = jnp.float32(-jnp.inf)

    mesh = plsc.VectorSubcoreMesh(core_axis_name="c", subcore_axis_name="s")
    ncores = mesh.num_cores
    nsub = mesh.num_subcores
    assert B <= ncores and C <= nsub and C <= L

    def body(scores_hbm, boxes_hbm, ob_hbm, os_hbm, oc_hbm,
             s_ref, y1_ref, x1_ref, y2_ref, x2_ref, ar_ref,
             outs_ref, outi_ref, meta_ref,
             mS_ref, mI_ref, mM_ref,
             selS_ref, selC_ref, selB_ref, selV_ref, selK_ref,
             ob_ref, os_ref, oc_ref,
             shS_ref, shI_ref, shM_ref):
        cid = lax.axis_index("c")
        sid = lax.axis_index("s")
        lanes = lax.iota(jnp.int32, L)
        lane0 = lanes == 0
        zero16 = jnp.zeros((L,), jnp.int32)
        one16 = jnp.full((L,), 1, jnp.int32)
        is_img = cid < B
        is_cls = jnp.logical_and(sid < C, is_img)

        @pl.when(is_cls)
        def _():
            pltpu.sync_copy(scores_hbm.at[cid, sid], s_ref)
            pltpu.sync_copy(boxes_hbm.at[cid, 0], y1_ref)
            pltpu.sync_copy(boxes_hbm.at[cid, 1], x1_ref)
            pltpu.sync_copy(boxes_hbm.at[cid, 2], y2_ref)
            pltpu.sync_copy(boxes_hbm.at[cid, 3], x2_ref)

        @pl.when(jnp.logical_not(is_cls))
        def _():
            def garbage_clear(i, _):
                s_ref[pl.ds(i * L, L)] = jnp.full((L,), neg)
                return 0
            lax.fori_loop(0, NV, garbage_clear, 0)

        def init_body(i, carry):
            bestv, besti = carry
            ds = pl.ds(i * L, L)
            y1 = y1_ref[ds]
            x1 = x1_ref[ds]
            y2 = y2_ref[ds]
            x2 = x2_ref[ds]
            ar_ref[ds] = (y2 - y1) * (x2 - x1)
            s = s_ref[ds]
            s = jnp.where(s > _SCORE_THR, s, neg)
            s_ref[ds] = s
            gt = s > bestv
            bestv = jnp.where(gt, s, bestv)
            besti = jnp.where(gt, jnp.full((L,), i, jnp.int32), besti)
            return bestv, besti

        bestv, besti = lax.fori_loop(
            0, NV, init_body,
            (jnp.full((L,), neg), jnp.zeros((L,), jnp.int32)), unroll=2)
        m0 = jnp.max(bestv)
        bi0 = jnp.min(jnp.where(bestv == m0, besti * L + lanes,
                                jnp.int32(_IMAX)))

        def zero_body(i, _):
            ds = pl.ds(i * L, L)
            outs_ref[ds] = jnp.full((L,), neg)
            outi_ref[ds] = jnp.zeros((L,), jnp.int32)
            return 0

        lax.fori_loop(0, KP // L, zero_body, 0)

        c24 = jnp.float32(2.0**-24)

        def produce_cond(carry):
            k, mA, _, _, _, _, target = carry
            return jnp.logical_and(k < target, mA > neg)

        def produce_body(carry):
            k, mA, biA, mB, biB, hasB, target = carry
            ks = jnp.full((L,), k, jnp.int32)
            plsc.store_scatter(outs_ref, [ks], jnp.full((L,), mA), mask=lane0)
            plsc.store_scatter(outi_ref, [ks],
                               jnp.full((L,), biA, jnp.int32), mask=lane0)
            hasBb = hasB > 0
            maskB = jnp.logical_and(lane0, hasBb)
            ks1 = jnp.full((L,), k + 1, jnp.int32)
            plsc.store_scatter(outs_ref, [ks1], jnp.full((L,), mB), mask=maskB)
            plsc.store_scatter(outi_ref, [ks1],
                               jnp.full((L,), biB, jnp.int32), mask=maskB)
            k = k + 1 + hasB
            biBe = jnp.where(hasBb, biB, biA)
            bisA = jnp.full((L,), biA, jnp.int32)
            bisB = jnp.full((L,), biBe, jnp.int32)
            ay1 = plsc.load_gather(y1_ref, [bisA])
            ax1 = plsc.load_gather(x1_ref, [bisA])
            ay2 = plsc.load_gather(y2_ref, [bisA])
            ax2 = plsc.load_gather(x2_ref, [bisA])
            aar = plsc.load_gather(ar_ref, [bisA])
            by1 = plsc.load_gather(y1_ref, [bisB])
            bx1 = plsc.load_gather(x1_ref, [bisB])
            by2 = plsc.load_gather(y2_ref, [bisB])
            bx2 = plsc.load_gather(x2_ref, [bisB])
            bar = plsc.load_gather(ar_ref, [bisB])
            plsc.store_scatter(s_ref, [bisA], jnp.full((L,), neg), mask=lane0)
            plsc.store_scatter(s_ref, [bisB], jnp.full((L,), neg), mask=lane0)

            def sup(i, carry2):
                b1, i1, b2, i2 = carry2
                ds = pl.ds(i * L, L)
                y1 = y1_ref[ds]
                x1 = x1_ref[ds]
                y2 = y2_ref[ds]
                x2 = x2_ref[ds]
                s = s_ref[ds]
                ar = ar_ref[ds]
                iA = (jnp.maximum(jnp.minimum(y2, ay2) - jnp.maximum(y1, ay1), 0.0)
                      * jnp.maximum(jnp.minimum(x2, ax2) - jnp.maximum(x1, ax1), 0.0))
                uA = (ar + aar) - iA
                supA = (2.0 * iA - uA) > uA * c24
                iB = (jnp.maximum(jnp.minimum(y2, by2) - jnp.maximum(y1, by1), 0.0)
                      * jnp.maximum(jnp.minimum(x2, bx2) - jnp.maximum(x1, bx1), 0.0))
                uB = (ar + bar) - iB
                supB = (2.0 * iB - uB) > uB * c24
                s = jnp.where(jnp.logical_or(supA, supB), neg, s)
                s_ref[ds] = s
                blk = jnp.full((L,), i, jnp.int32)
                gt1 = s > b1
                gt2 = s > b2
                b2 = jnp.where(gt1, b1, jnp.where(gt2, s, b2))
                i2 = jnp.where(gt1, i1, jnp.where(gt2, blk, i2))
                b1 = jnp.where(gt1, s, b1)
                i1 = jnp.where(gt1, blk, i1)
                return b1, i1, b2, i2

            b1v, i1v, b2v, i2v = lax.fori_loop(
                0, NV, sup,
                (jnp.full((L,), neg), jnp.zeros((L,), jnp.int32),
                 jnp.full((L,), neg), jnp.zeros((L,), jnp.int32)), unroll=2)
            M1 = jnp.max(b1v)
            f1 = i1v * L + lanes
            B1 = jnp.min(jnp.where(b1v == M1, f1, jnp.int32(_IMAX)))
            l1 = jnp.bitwise_and(B1, L - 1)
            b1p = jnp.where(lanes == l1, b2v, b1v)
            fp = jnp.where(lanes == l1, i2v * L + lanes, f1)
            M2 = jnp.max(b1p)
            B2 = jnp.min(jnp.where(b1p == M2, fp, jnp.int32(_IMAX)))
            bis1 = jnp.full((L,), B1, jnp.int32)
            bis2 = jnp.full((L,), B2, jnp.int32)
            p1y1 = plsc.load_gather(y1_ref, [bis1])
            p1x1 = plsc.load_gather(x1_ref, [bis1])
            p1y2 = plsc.load_gather(y2_ref, [bis1])
            p1x2 = plsc.load_gather(x2_ref, [bis1])
            p1ar = plsc.load_gather(ar_ref, [bis1])
            p2y1 = plsc.load_gather(y1_ref, [bis2])
            p2x1 = plsc.load_gather(x1_ref, [bis2])
            p2y2 = plsc.load_gather(y2_ref, [bis2])
            p2x2 = plsc.load_gather(x2_ref, [bis2])
            p2ar = plsc.load_gather(ar_ref, [bis2])
            i12 = (jnp.maximum(jnp.minimum(p1y2, p2y2) - jnp.maximum(p1y1, p2y1), 0.0)
                   * jnp.maximum(jnp.minimum(p1x2, p2x2) - jnp.maximum(p1x1, p2x1), 0.0))
            u12 = (p1ar + p2ar) - i12
            sup12 = (2.0 * i12 - u12) > u12 * c24
            sup12s = jnp.max(jnp.where(sup12, jnp.int32(1), jnp.int32(0)))
            hasB_new = jnp.where(
                jnp.logical_and(M2 > neg, sup12s == 0),
                jnp.int32(1), jnp.int32(0))
            return k, M1, B1, M2, B2, hasB_new, target

        def round_cond(carry):
            done = carry[7]
            rounds = carry[8]
            return jnp.logical_and(done == 0, rounds < 8)

        def round_body(carry):
            k, m, bi, mB, biB, hasB, target, done, rounds = carry
            k, m, bi, mB, biB, hasB, _ = lax.while_loop(
                produce_cond, produce_body, (k, m, bi, mB, biB, hasB, target))
            pltpu.sync_copy(outs_ref, shS_ref.at[cid, sid])
            pltpu.sync_copy(outi_ref, shI_ref.at[cid, sid])
            exh = jnp.where(m > neg, jnp.int32(0), jnp.int32(1))
            plsc.store_scatter(meta_ref, [zero16],
                               jnp.full((L,), k, jnp.int32), mask=lane0)
            plsc.store_scatter(meta_ref, [one16],
                               jnp.full((L,), exh, jnp.int32), mask=lane0)
            pltpu.sync_copy(meta_ref, shM_ref.at[cid, sid])
            plsc.subcore_barrier()
            pltpu.sync_copy(shS_ref.at[cid], mS_ref)
            pltpu.sync_copy(shM_ref.at[cid], mM_ref)
            plsc.subcore_barrier()
            prod = plsc.load_gather(mM_ref, [lanes, zero16])
            exhv = plsc.load_gather(mM_ref, [lanes, one16])

            def sim(_, ptrs):
                heads = plsc.load_gather(mS_ref, [lanes, ptrs])
                mm = jnp.max(heads)
                valid = mm > neg
                csel = jnp.min(jnp.where(heads == mm, lanes, jnp.int32(_IMAX)))
                csel = jnp.minimum(csel, L - 1)
                ptrs = jnp.where(
                    jnp.logical_and(lanes == csel, valid), ptrs + 1, ptrs)
                return ptrs

            ptrs = lax.fori_loop(0, _MAX_OUT, sim, zero16)
            need = jnp.logical_and(
                jnp.logical_and(ptrs == prod, exhv == 0),
                prod < _MAX_OUT)
            done2 = jnp.where(jnp.any(need), jnp.int32(0), jnp.int32(1))
            my_need = jnp.max(jnp.where(
                jnp.logical_and(lanes == sid, need), jnp.int32(1),
                jnp.int32(0)))
            new_target = jnp.where(
                my_need > 0,
                jnp.minimum(k + jnp.int32(_QSTEP), jnp.int32(_MAX_OUT)),
                jnp.int32(0))
            return k, m, bi, mB, biB, hasB, new_target, done2, rounds + 1

        lax.while_loop(
            round_cond, round_body,
            (jnp.int32(0), m0, bi0, m0, jnp.int32(0), jnp.int32(0),
             jnp.int32(_Q1), jnp.int32(0), jnp.int32(0)))

        @pl.when(jnp.logical_and(sid == 0, is_img))
        def _():
            pltpu.sync_copy(shI_ref.at[cid], mI_ref)

            def z1(i, _):
                ob_ref[pl.ds(i * L, L)] = jnp.zeros((L,), jnp.float32)
                return 0

            lax.fori_loop(0, (KP * 4) // L, z1, 0)

            def z2(i, _):
                ds = pl.ds(i * L, L)
                os_ref[ds] = jnp.zeros((L,), jnp.float32)
                oc_ref[ds] = jnp.zeros((L,), jnp.int32)
                selV_ref[ds] = jnp.zeros((L,), jnp.int32)
                selB_ref[ds] = jnp.zeros((L,), jnp.int32)
                return 0

            lax.fori_loop(0, KP // L, z2, 0)

            def sel_body(kk, ptrs):
                heads = plsc.load_gather(mS_ref, [lanes, ptrs])
                mm = jnp.max(heads)
                valid = mm > neg
                csel = jnp.min(jnp.where(heads == mm, lanes, jnp.int32(_IMAX)))
                csel = jnp.minimum(csel, L - 1)
                psel = jnp.max(jnp.where(lanes == csel, ptrs, 0))
                cs = jnp.full((L,), csel, jnp.int32)
                bk = jnp.max(plsc.load_gather(
                    mI_ref, [cs, jnp.full((L,), psel, jnp.int32)]))
                ks = jnp.full((L,), kk, jnp.int32)
                plsc.store_scatter(selS_ref, [ks], jnp.full((L,), mm),
                                   mask=lane0)
                plsc.store_scatter(selC_ref, [ks], cs, mask=lane0)
                plsc.store_scatter(selB_ref, [ks],
                                   jnp.full((L,), bk, jnp.int32), mask=lane0)
                vflag = jnp.where(valid, jnp.int32(1), jnp.int32(0))
                plsc.store_scatter(selV_ref, [ks],
                                   jnp.full((L,), vflag, jnp.int32),
                                   mask=lane0)
                ptrs = jnp.where(jnp.logical_and(lanes == csel, valid),
                                 ptrs + 1, ptrs)
                return ptrs

            lax.fori_loop(0, _MAX_OUT, sel_body, zero16)

            def dedup_body(kk, _):
                ks = jnp.full((L,), kk, jnp.int32)
                bk = jnp.max(plsc.load_gather(selB_ref, [ks]))
                vk = jnp.max(plsc.load_gather(selV_ref, [ks]))
                bks = jnp.full((L,), bk, jnp.int32)

                def scan_j(j, acc):
                    ds = pl.ds(j * L, L)
                    jidx = j * L + lanes
                    hit = jnp.logical_and(
                        jnp.logical_and(selB_ref[ds] == bks,
                                        selV_ref[ds] > 0),
                        jidx < kk)
                    return jnp.logical_or(acc, jnp.any(hit))

                dup = lax.fori_loop(0, KP // L, scan_j, jnp.bool_(False))
                keep = jnp.logical_and(vk > 0, jnp.logical_not(dup))
                kflag = jnp.where(keep, jnp.int32(1), jnp.int32(0))
                plsc.store_scatter(selK_ref, [ks],
                                   jnp.full((L,), kflag, jnp.int32),
                                   mask=lane0)
                return 0

            lax.fori_loop(0, _MAX_OUT, dedup_body, 0)

            def comp_body(kk, ptr):
                ks = jnp.full((L,), kk, jnp.int32)
                keep = jnp.max(plsc.load_gather(selK_ref, [ks]))
                keepb = keep > 0
                mval = jnp.max(plsc.load_gather(selS_ref, [ks]))
                cs = jnp.max(plsc.load_gather(selC_ref, [ks]))
                bk = jnp.max(plsc.load_gather(selB_ref, [ks]))
                ps = jnp.full((L,), ptr, jnp.int32)
                m0m = jnp.logical_and(lane0, keepb)
                plsc.store_scatter(os_ref, [ps], jnp.full((L,), mval),
                                   mask=m0m)
                plsc.store_scatter(oc_ref, [ps],
                                   jnp.full((L,), cs, jnp.int32), mask=m0m)
                bks = jnp.full((L,), bk, jnp.int32)
                cy1 = plsc.load_gather(y1_ref, [bks])
                cx1 = plsc.load_gather(x1_ref, [bks])
                cy2 = plsc.load_gather(y2_ref, [bks])
                cx2 = plsc.load_gather(x2_ref, [bks])
                cv = jnp.where(lanes == 0, cy1,
                               jnp.where(lanes == 1, cx1,
                                         jnp.where(lanes == 2, cy2, cx2)))
                plsc.store_scatter(ob_ref, [ptr * 4 + lanes], cv,
                                   mask=jnp.logical_and(lanes < 4, keepb))
                return ptr + jnp.where(keepb, jnp.int32(1), jnp.int32(0))

            lax.fori_loop(0, _MAX_OUT, comp_body, jnp.int32(0))
            pltpu.sync_copy(ob_ref, ob_hbm.at[cid])
            pltpu.sync_copy(os_ref, os_hbm.at[cid])
            pltpu.sync_copy(oc_ref, oc_hbm.at[cid])

    return pl.kernel(
        body,
        out_type=[jax.ShapeDtypeStruct((B, KP * 4), jnp.float32),
                  jax.ShapeDtypeStruct((B, KP), jnp.float32),
                  jax.ShapeDtypeStruct((B, KP), jnp.int32)],
        mesh=mesh,
        compiler_params=pltpu.CompilerParams(needs_layout_passes=False),
        scratch_types=[
            pltpu.VMEM((Npad,), jnp.float32),
            pltpu.VMEM((Npad,), jnp.float32),
            pltpu.VMEM((Npad,), jnp.float32),
            pltpu.VMEM((Npad,), jnp.float32),
            pltpu.VMEM((Npad,), jnp.float32),
            pltpu.VMEM((Npad,), jnp.float32),
            pltpu.VMEM((KP,), jnp.float32),
            pltpu.VMEM((KP,), jnp.int32),
            pltpu.VMEM((8,), jnp.int32),
            pltpu.VMEM((L, KP), jnp.float32),
            pltpu.VMEM((L, KP), jnp.int32),
            pltpu.VMEM((L, 8), jnp.int32),
            pltpu.VMEM((KP,), jnp.float32),
            pltpu.VMEM((KP,), jnp.int32),
            pltpu.VMEM((KP,), jnp.int32),
            pltpu.VMEM((KP,), jnp.int32),
            pltpu.VMEM((KP,), jnp.int32),
            pltpu.VMEM((KP * 4,), jnp.float32),
            pltpu.VMEM((KP,), jnp.float32),
            pltpu.VMEM((KP,), jnp.int32),
            pltpu.VMEM_SHARED((ncores, nsub, KP), jnp.float32),
            pltpu.VMEM_SHARED((ncores, nsub, KP), jnp.int32),
            pltpu.VMEM_SHARED((ncores, nsub, 8), jnp.int32),
        ],
    )


@jax.jit
def kernel(boxes, scores):
    B, N, C = scores.shape
    Npad = -(-N // _L) * _L
    scores_t = jnp.transpose(scores, (0, 2, 1)).astype(jnp.float32)
    boxes_t = jnp.transpose(boxes, (0, 2, 1)).astype(jnp.float32)
    if Npad != N:
        scores_t = jnp.pad(scores_t, ((0, 0), (0, 0), (0, Npad - N)))
        boxes_t = jnp.pad(boxes_t, ((0, 0), (0, 0), (0, Npad - N)))
    run = _build(B, N, C)
    obF, osF, ocF = run(scores_t, boxes_t)
    out_boxes = obF.reshape(B, _KP, 4)[:, :_MAX_OUT]
    out_scores = osF[:, :_MAX_OUT]
    out_classes = ocF[:, :_MAX_OUT]
    return out_boxes, out_scores, out_classes

# --- scband reference (transcript-rebuilt; emitter-appended) ---
"""Pipeline reference for scband-multi-class-nms-1769526526007 (READ-ONLY COPY).

The authoritative reference and input builder live on the scoring server;
editing this copy changes nothing except your own understanding.
"""

import jax, jax.numpy as jnp
import numpy as np

IOU_THRESHOLD = 0.5
SCORE_THRESHOLD = 0.05
MAX_OUT = 100


def setup_inputs(seed: int = 0) -> dict:
    key = jax.random.key(seed)
    k1, k2, k3 = jax.random.split(key, 3)
    B, N, C = 2, 5000, 10
    tl = jax.random.uniform(k1, (B, N, 2)) * 0.8
    wh = jax.random.uniform(k2, (B, N, 2)) * 0.2 + 0.01
    # boxes in (y1, x1, y2, x2) order, as expected by the module
    boxes = jnp.concatenate([tl, tl + wh], axis=-1)
    scores = jax.random.uniform(k3, (B, N, C))
    return {"boxes": boxes, "scores": scores}


def _nms_image(boxes, scores, iou_thr, score_thr, max_out):
    # boxes: [N,4] (y1,x1,y2,x2); scores: [N,C]
    N, C = scores.shape
    M = N * C
    boxes_m = jnp.tile(boxes, (C, 1))                 # boxes.repeat(C,1)
    box_ind = jnp.tile(jnp.arange(N), C)              # arange(N).repeat(C)
    scores_m = scores.T.reshape(-1)                   # scores.transpose(1,0).flatten()
    classes_m = jnp.repeat(jnp.arange(C), N)          # arange(C).repeat_interleave(N)
    b = jax.lax.stop_gradient(boxes_m)
    s = jax.lax.stop_gradient(scores_m)
    # score threshold filter (filtered boxes can never be selected nor suppress)
    s = jnp.where(s > score_thr, s, -jnp.inf)
    areas = (b[:, 2] - b[:, 0]) * (b[:, 3] - b[:, 1])
    idx_all = jnp.arange(M)
    sel_l, val_l = [], []
    for _ in range(max_out):
        i = jnp.argmax(s)
        v = s[i] > -jnp.inf
        sel_l.append(i)
        val_l.append(v)
        # IoU of box i with all boxes (coordinate permutation y1x1y2x2 vs x1y1x2y2 is IoU-invariant)
        yy1 = jnp.maximum(b[:, 0], b[i, 0])
        xx1 = jnp.maximum(b[:, 1], b[i, 1])
        yy2 = jnp.minimum(b[:, 2], b[i, 2])
        xx2 = jnp.minimum(b[:, 3], b[i, 3])
        inter = jnp.maximum(yy2 - yy1, 0.0) * jnp.maximum(xx2 - xx1, 0.0)
        iou = inter / (areas + areas[i] - inter)
        # batched_nms semantics: suppression only within the same class
        suppress = (iou > iou_thr) & (classes_m == classes_m[i])
        suppress = suppress | (idx_all == i)
        s = jnp.where(suppress & v, -jnp.inf, s)
    sel = jnp.stack(sel_l)
    valid = jnp.stack(val_l)
    # keep only the first occurrence of each original box index (unique box dedup)
    bi = box_ind[sel]
    K = max_out
    eq = bi[:, None] == bi[None, :]
    earlier = jnp.tril(jnp.ones((K, K), dtype=bool), k=-1)
    dup = jnp.any(eq & earlier & valid[None, :], axis=1)
    keep = valid & ~dup
    # compact kept entries to the front (put_ with arange => contiguous prefix, zero-padded)
    order = jnp.argsort(jnp.where(keep, 0, 1))
    keep_s = keep[order]
    sel_s = sel[order]
    out_b = jnp.where(keep_s[:, None], boxes_m[sel_s], 0.0)
    out_s = jnp.where(keep_s, scores_m[sel_s], 0.0)
    out_c = jnp.where(keep_s, classes_m[sel_s], 0)
    return out_b, out_s, out_c


def reference(boxes, scores):
    outs = [_nms_image(boxes[i], scores[i], IOU_THRESHOLD, SCORE_THRESHOLD, MAX_OUT)
            for i in range(boxes.shape[0])]
    out_boxes = jnp.stack([o[0] for o in outs])
    out_scores = jnp.stack([o[1] for o in outs])
    out_classes = jnp.stack([o[2] for o in outs])
    return out_boxes, out_scores, out_classes

if __name__ == "__main__":
    import jax
    _d = setup_inputs()
    print(jax.jit(kernel)(*tuple(_d.values())))

</pallas_src>

<mosaic_0001>
#map = affine_map<(d0, d1) -> (0, 0, 0)>
#map1 = affine_map<(d0, d1) -> (0)>
#map2 = affine_map<(d0, d1) -> (0, 0)>
module attributes {stable_mosaic.version = 14 : i64} {
  func.func @_rewritten_body(%arg0: i32, %arg1: i32, %arg2: memref<2x10x5008xf32, #tpu.memory_space<hbm>>, %arg3: memref<2x4x5008xf32, #tpu.memory_space<hbm>>, %arg4: memref<1xf32, #tpu.memory_space<hbm>>, %arg5: memref<2x512xf32, #tpu.memory_space<hbm>>, %arg6: memref<2x128xf32, #tpu.memory_space<hbm>>, %arg7: memref<2x128xi32, #tpu.memory_space<hbm>>, %arg8: memref<5008xf32, #tpu.memory_space<vmem>>, %arg9: memref<5008xf32, #tpu.memory_space<vmem>>, %arg10: memref<5008xf32, #tpu.memory_space<vmem>>, %arg11: memref<5008xf32, #tpu.memory_space<vmem>>, %arg12: memref<5008xf32, #tpu.memory_space<vmem>>, %arg13: memref<5008xf32, #tpu.memory_space<vmem>>, %arg14: memref<128xf32, #tpu.memory_space<vmem>>, %arg15: memref<128xi32, #tpu.memory_space<vmem>>, %arg16: memref<8xi32, #tpu.memory_space<vmem>>, %arg17: memref<16x128xf32, #tpu.memory_space<vmem>>, %arg18: memref<16x128xi32, #tpu.memory_space<vmem>>, %arg19: memref<16x8xi32, #tpu.memory_space<vmem>>, %arg20: memref<128xf32, #tpu.memory_space<vmem>>, %arg21: memref<128xi32, #tpu.memory_space<vmem>>, %arg22: memref<128xi32, #tpu.memory_space<vmem>>, %arg23: memref<128xi32, #tpu.memory_space<vmem>>, %arg24: memref<128xi32, #tpu.memory_space<vmem>>, %arg25: memref<512xf32, #tpu.memory_space<vmem>>, %arg26: memref<128xf32, #tpu.memory_space<vmem>>, %arg27: memref<128xi32, #tpu.memory_space<vmem>>, %arg28: memref<2x16x128xf32, #tpu.memory_space<vmem_shared>>, %arg29: memref<2x16x128xi32, #tpu.memory_space<vmem_shared>>, %arg30: memref<2x16x8xi32, #tpu.memory_space<vmem_shared>>) attributes {dimension_semantics = [#tpu.dimension_semantics<core_parallel>, #tpu.dimension_semantics<subcore_parallel>], iteration_bounds = array<i64: 2, 16>, scalar_prefetch = 0 : i64, scratch_operands = 23 : i64, tpu.core_type = #tpu.core_type<sc_vector_subcore>, window_params = [{transform_indices = #map}, {transform_indices = #map}, {transform_indices = #map1}, {transform_indices = #map2}, {transform_indices = #map2}, {transform_indices = #map2}]} {
    %empty_ref3A = memref.alloca() : memref<16xf32, #tpu.memory_space<vmem>>
    "tpu.region"() ({
      %run_scoped3A = tpu.sem_alloc : memref<!tpu.dma_semaphore, #tpu.memory_space<semaphore_mem>>
      %dma_start3A = arith.constant 0 : i32
      %dma_start3A_84 = tpu.memref_slice %empty_ref3A[%dma_start3A] : memref<16xf32, #tpu.memory_space<vmem>> -> memref<1xf32, #tpu.memory_space<vmem>>
      %dma_start3A_85 = arith.constant 0 : i32
      %dma_start3A_86 = tpu.memref_slice %empty_ref3A[%dma_start3A_85] : memref<16xf32, #tpu.memory_space<vmem>> -> memref<1xf32, #tpu.memory_space<vmem>>
      tpu.enqueue_dma source(%arg4 : memref<1xf32, #tpu.memory_space<hbm>>) target(%dma_start3A_86 : memref<1xf32, #tpu.memory_space<vmem>>) target_semaphore(%run_scoped3A : memref<!tpu.dma_semaphore, #tpu.memory_space<semaphore_mem>>)
      %dma_wait3A = arith.constant 0 : i32
      %dma_wait3A_87 = tpu.memref_slice %empty_ref3A[%dma_wait3A] : memref<16xf32, #tpu.memory_space<vmem>> -> memref<1xf32, #tpu.memory_space<vmem>>
      %dma_wait3A_88 = arith.constant 0 : i32
      %dma_wait3A_89 = tpu.memref_slice %empty_ref3A[%dma_wait3A_88] : memref<16xf32, #tpu.memory_space<vmem>> -> memref<1xf32, #tpu.memory_space<vmem>>
      tpu.wait_dma2 semaphore(%run_scoped3A : memref<!tpu.dma_semaphore, #tpu.memory_space<semaphore_mem>>) src(%arg4 : memref<1xf32, #tpu.memory_space<hbm>>) dst(%dma_wait3A_89 : memref<1xf32, #tpu.memory_space<vmem>>)
      tpu.yield
    }) : () -> ()
    %get3A = arith.constant 0 : index
    %get3A_0 = tpu.vector_load %empty_ref3A[%get3A] {strides = array<i32>} : memref<16xf32, #tpu.memory_space<vmem>>, vector<16xf32>,
    %slice3A = vector.extract_strided_slice %get3A_0 {offsets = [0], sizes = [1], strides = [1]} : vector<16xf32> to vector<1xf32>
    %squeeze3A = vector.extract %slice3A[0] : f32 from vector<1xf32>
    %iota3A = tpu.iota {dimensions = array<i32: 0>} : vector<16xi32>
    %eq3A = arith.constant 0 : i32
    %eq3A_1 = vector.broadcast %eq3A : i32 to vector<16xi32>
    %eq3A_2 = arith.cmpi eq, %iota3A, %eq3A_1 : vector<16xi32>
    %broadcast_in_dim3A = arith.constant 0 : i32
    %broadcast_in_dim3A_3 = vector.broadcast %broadcast_in_dim3A : i32 to vector<16xi32>
    %broadcast_in_dim3A_4 = arith.constant 1 : i32
    %broadcast_in_dim3A_5 = vector.broadcast %broadcast_in_dim3A_4 : i32 to vector<16xi32>
    %lt3A = arith.constant 2 : i32
    %lt3A_6 = arith.cmpi slt, %arg0, %lt3A : i32
    %lt3A_7 = arith.constant 10 : i32
    %lt3A_8 = arith.cmpi slt, %arg1, %lt3A_7 : i32
    %and3A = arith.andi %lt3A_8, %lt3A_6 : i1
    %convert_element_type3A = arith.extui %and3A : i1 to i32
    %cond3A = arith.constant 0 : i32
    %cond3A_9 = arith.cmpi ne, %convert_element_type3A, %cond3A : i32
    scf.if %cond3A_9 {
      "tpu.region"() ({
        %run_scoped3A_87 = tpu.sem_alloc : memref<!tpu.dma_semaphore, #tpu.memory_space<semaphore_mem>>
        %dma_start3A = arith.constant 0 : i32
        %dma_start3A_88 = tpu.memref_slice %arg2[%arg0, %arg1, %dma_start3A] : memref<2x10x5008xf32, #tpu.memory_space<hbm>> -> memref<1x1x5008xf32, #tpu.memory_space<hbm>>
        %dma_start3A_89 = tpu.memref_squeeze %dma_start3A_88 : memref<1x1x5008xf32, #tpu.memory_space<hbm>> -> memref<5008xf32, #tpu.memory_space<hbm>>
        %dma_start3A_90 = arith.constant 0 : i32
        %dma_start3A_91 = tpu.memref_slice %arg2[%arg0, %arg1, %dma_start3A_90] : memref<2x10x5008xf32, #tpu.memory_space<hbm>> -> memref<1x1x5008xf32, #tpu.memory_space<hbm>>
        %dma_start3A_92 = tpu.memref_squeeze %dma_start3A_91 : memref<1x1x5008xf32, #tpu.memory_space<hbm>> -> memref<5008xf32, #tpu.memory_space<hbm>>
        tpu.enqueue_dma source(%dma_start3A_92 : memref<5008xf32, #tpu.memory_space<hbm>>) target(%arg8 : memref<5008xf32, #tpu.memory_space<vmem>>) target_semaphore(%run_scoped3A_87 : memref<!tpu.dma_semaphore, #tpu.memory_space<semaphore_mem>>)
        %dma_wait3A = arith.constant 0 : i32
        %dma_wait3A_93 = tpu.memref_slice %arg2[%arg0, %arg1, %dma_wait3A] : memref<2x10x5008xf32, #tpu.memory_space<hbm>> -> memref<1x1x5008xf32, #tpu.memory_space<hbm>>
        %dma_wait3A_94 = tpu.memref_squeeze %dma_wait3A_93 : memref<1x1x5008xf32, #tpu.memory_space<hbm>> -> memref<5008xf32, #tpu.memory_space<hbm>>
        %dma_wait3A_95 = arith.constant 0 : i32
        %dma_wait3A_96 = tpu.memref_slice %arg2[%arg0, %arg1, %dma_wait3A_95] : memref<2x10x5008xf32, #tpu.memory_space<hbm>> -> memref<1x1x5008xf32, #tpu.memory_space<hbm>>
        %dma_wait3A_97 = tpu.memref_squeeze %dma_wait3A_96 : memref<1x1x5008xf32, #tpu.memory_space<hbm>> -> memref<5008xf32, #tpu.memory_space<hbm>>
        tpu.wait_dma2 semaphore(%run_scoped3A_87 : memref<!tpu.dma_semaphore, #tpu.memory_space<semaphore_mem>>) src(%dma_wait3A_97 : memref<5008xf32, #tpu.memory_space<hbm>>) dst(%arg8 : memref<5008xf32, #tpu.memory_space<vmem>>)
        tpu.yield
      }) : () -> ()
      %run_scoped3A = arith.constant 0 : i32
      "tpu.region"() ({
        %run_scoped3A_87 = tpu.sem_alloc : memref<!tpu.dma_semaphore, #tpu.memory_space<semaphore_mem>>
        %dma_start3A = arith.constant 0 : i32
        %dma_start3A_88 = tpu.memref_slice %arg3[%arg0, %run_scoped3A, %dma_start3A] : memref<2x4x5008xf32, #tpu.memory_space<hbm>> -> memref<1x1x5008xf32, #tpu.memory_space<hbm>>
        %dma_start3A_89 = tpu.memref_squeeze %dma_start3A_88 : memref<1x1x5008xf32, #tpu.memory_space<hbm>> -> memref<5008xf32, #tpu.memory_space<hbm>>
        %dma_start3A_90 = arith.constant 0 : i32
        %dma_start3A_91 = tpu.memref_slice %arg3[%arg0, %run_scoped3A, %dma_start3A_90] : memref<2x4x5008xf32, #tpu.memory_space<hbm>> -> memref<1x1x5008xf32, #tpu.memory_space<hbm>>
        %dma_start3A_92 = tpu.memref_squeeze %dma_start3A_91 : memref<1x1x5008xf32, #tpu.memory_space<hbm>> -> memref<5008xf32, #tpu.memory_space<hbm>>
        tpu.enqueue_dma source(%dma_start3A_92 : memref<5008xf32, #tpu.memory_space<hbm>>) target(%arg9 : memref<5008xf32, #tpu.memory_space<vmem>>) target_semaphore(%run_scoped3A_87 : memref<!tpu.dma_semaphore, #tpu.memory_space<semaphore_mem>>)
        %dma_wait3A = arith.constant 0 : i32
        %dma_wait3A_93 = tpu.memref_slice %arg3[%arg0, %run_scoped3A, %dma_wait3A] : memref<2x4x5008xf32, #tpu.memory_space<hbm>> -> memref<1x1x5008xf32, #tpu.memory_space<hbm>>
        %dma_wait3A_94 = tpu.memref_squeeze %dma_wait3A_93 : memref<1x1x5008xf32, #tpu.memory_space<hbm>> -> memref<5008xf32, #tpu.memory_space<hbm>>
        %dma_wait3A_95 = arith.constant 0 : i32
        %dma_wait3A_96 = tpu.memref_slice %arg3[%arg0, %run_scoped3A, %dma_wait3A_95] : memref<2x4x5008xf32, #tpu.memory_space<hbm>> -> memref<1x1x5008xf32, #tpu.memory_space<hbm>>
        %dma_wait3A_97 = tpu.memref_squeeze %dma_wait3A_96 : memref<1x1x5008xf32, #tpu.memory_space<hbm>> -> memref<5008xf32, #tpu.memory_space<hbm>>
        tpu.wait_dma2 semaphore(%run_scoped3A_87 : memref<!tpu.dma_semaphore, #tpu.memory_space<semaphore_mem>>) src(%dma_wait3A_97 : memref<5008xf32, #tpu.memory_space<hbm>>) dst(%arg9 : memref<5008xf32, #tpu.memory_space<vmem>>)
        tpu.yield
      }) : () -> ()
      %run_scoped3A_84 = arith.constant 1 : i32
      "tpu.region"() ({
        %run_scoped3A_87 = tpu.sem_alloc : memref<!tpu.dma_semaphore, #tpu.memory_space<semaphore_mem>>
        %dma_start3A = arith.constant 0 : i32
        %dma_start3A_88 = tpu.memref_slice %arg3[%arg0, %run_scoped3A_84, %dma_start3A] : memref<2x4x5008xf32, #tpu.memory_space<hbm>> -> memref<1x1x5008xf32, #tpu.memory_space<hbm>>
        %dma_start3A_89 = tpu.memref_squeeze %dma_start3A_88 : memref<1x1x5008xf32, #tpu.memory_space<hbm>> -> memref<5008xf32, #tpu.memory_space<hbm>>
        %dma_start3A_90 = arith.constant 0 : i32
        %dma_start3A_91 = tpu.memref_slice %arg3[%arg0, %run_scoped3A_84, %dma_start3A_90] : memref<2x4x5008xf32, #tpu.memory_space<hbm>> -> memref<1x1x5008xf32, #tpu.memory_space<hbm>>
        %dma_start3A_92 = tpu.memref_squeeze %dma_start3A_91 : memref<1x1x5008xf32, #tpu.memory_space<hbm>> -> memref<5008xf32, #tpu.memory_space<hbm>>
        tpu.enqueue_dma source(%dma_start3A_92 : memref<5008xf32, #tpu.memory_space<hbm>>) target(%arg10 : memref<5008xf32, #tpu.memory_space<vmem>>) target_semaphore(%run_scoped3A_87 : memref<!tpu.dma_semaphore, #tpu.memory_space<semaphore_mem>>)
        %dma_wait3A = arith.constant 0 : i32
        %dma_wait3A_93 = tpu.memref_slice %arg3[%arg0, %run_scoped3A_84, %dma_wait3A] : memref<2x4x5008xf32, #tpu.memory_space<hbm>> -> memref<1x1x5008xf32, #tpu.memory_space<hbm>>
        %dma_wait3A_94 = tpu.memref_squeeze %dma_wait3A_93 : memref<1x1x5008xf32, #tpu.memory_space<hbm>> -> memref<5008xf32, #tpu.memory_space<hbm>>
        %dma_wait3A_95 = arith.constant 0 : i32
        %dma_wait3A_96 = tpu.memref_slice %arg3[%arg0, %run_scoped3A_84, %dma_wait3A_95] : memref<2x4x5008xf32, #tpu.memory_space<hbm>> -> memref<1x1x5008xf32, #tpu.memory_space<hbm>>
        %dma_wait3A_97 = tpu.memref_squeeze %dma_wait3A_96 : memref<1x1x5008xf32, #tpu.memory_space<hbm>> -> memref<5008xf32, #tpu.memory_space<hbm>>
        tpu.wait_dma2 semaphore(%run_scoped3A_87 : memref<!tpu.dma_semaphore, #tpu.memory_space<semaphore_mem>>) src(%dma_wait3A_97 : memref<5008xf32, #tpu.memory_space<hbm>>) dst(%arg10 : memref<5008xf32, #tpu.memory_space<vmem>>)
        tpu.yield
      }) : () -> ()
      %run_scoped3A_85 = arith.constant 2 : i32
      "tpu.region"() ({
        %run_scoped3A_87 = tpu.sem_alloc : memref<!tpu.dma_semaphore, #tpu.memory_space<semaphore_mem>>
        %dma_start3A = arith.constant 0 : i32
        %dma_start3A_88 = tpu.memref_slice %arg3[%arg0, %run_scoped3A_85, %dma_start3A] : memref<2x4x5008xf32, #tpu.memory_space<hbm>> -> memref<1x1x5008xf32, #tpu.memory_space<hbm>>
        %dma_start3A_89 = tpu.memref_squeeze %dma_start3A_88 : memref<1x1x5008xf32, #tpu.memory_space<hbm>> -> memref<5008xf32, #tpu.memory_space<hbm>>
        %dma_start3A_90 = arith.constant 0 : i32
        %dma_start3A_91 = tpu.memref_slice %arg3[%arg0, %run_scoped3A_85, %dma_start3A_90] : memref<2x4x5008xf32, #tpu.memory_space<hbm>> -> memref<1x1x5008xf32, #tpu.memory_space<hbm>>
        %dma_start3A_92 = tpu.memref_squeeze %dma_start3A_91 : memref<1x1x5008xf32, #tpu.memory_space<hbm>> -> memref<5008xf32, #tpu.memory_space<hbm>>
        tpu.enqueue_dma source(%dma_start3A_92 : memref<5008xf32, #tpu.memory_space<hbm>>) target(%arg11 : memref<5008xf32, #tpu.memory_space<vmem>>) target_semaphore(%run_scoped3A_87 : memref<!tpu.dma_semaphore, #tpu.memory_space<semaphore_mem>>)
        %dma_wait3A = arith.constant 0 : i32
        %dma_wait3A_93 = tpu.memref_slice %arg3[%arg0, %run_scoped3A_85, %dma_wait3A] : memref<2x4x5008xf32, #tpu.memory_space<hbm>> -> memref<1x1x5008xf32, #tpu.memory_space<hbm>>
        %dma_wait3A_94 = tpu.memref_squeeze %dma_wait3A_93 : memref<1x1x5008xf32, #tpu.memory_space<hbm>> -> memref<5008xf32, #tpu.memory_space<hbm>>
        %dma_wait3A_95 = arith.constant 0 : i32
        %dma_wait3A_96 = tpu.memref_slice %arg3[%arg0, %run_scoped3A_85, %dma_wait3A_95] : memref<2x4x5008xf32, #tpu.memory_space<hbm>> -> memref<1x1x5008xf32, #tpu.memory_space<hbm>>
        %dma_wait3A_97 = tpu.memref_squeeze %dma_wait3A_96 : memref<1x1x5008xf32, #tpu.memory_space<hbm>> -> memref<5008xf32, #tpu.memory_space<hbm>>
        tpu.wait_dma2 semaphore(%run_scoped3A_87 : memref<!tpu.dma_semaphore, #tpu.memory_space<semaphore_mem>>) src(%dma_wait3A_97 : memref<5008xf32, #tpu.memory_space<hbm>>) dst(%arg11 : memref<5008xf32, #tpu.memory_space<vmem>>)
        tpu.yield
      }) : () -> ()
      %run_scoped3A_86 = arith.constant 3 : i32
      "tpu.region"() ({
        %run_scoped3A_87 = tpu.sem_alloc : memref<!tpu.dma_semaphore, #tpu.memory_space<semaphore_mem>>
        %dma_start3A = arith.constant 0 : i32
        %dma_start3A_88 = tpu.memref_slice %arg3[%arg0, %run_scoped3A_86, %dma_start3A] : memref<2x4x5008xf32, #tpu.memory_space<hbm>> -> memref<1x1x5008xf32, #tpu.memory_space<hbm>>
        %dma_start3A_89 = tpu.memref_squeeze %dma_start3A_88 : memref<1x1x5008xf32, #tpu.memory_space<hbm>> -> memref<5008xf32, #tpu.memory_space<hbm>>
        %dma_start3A_90 = arith.constant 0 : i32
        %dma_start3A_91 = tpu.memref_slice %arg3[%arg0, %run_scoped3A_86, %dma_start3A_90] : memref<2x4x5008xf32, #tpu.memory_space<hbm>> -> memref<1x1x5008xf32, #tpu.memory_space<hbm>>
        %dma_start3A_92 = tpu.memref_squeeze %dma_start3A_91 : memref<1x1x5008xf32, #tpu.memory_space<hbm>> -> memref<5008xf32, #tpu.memory_space<hbm>>
        tpu.enqueue_dma source(%dma_start3A_92 : memref<5008xf32, #tpu.memory_space<hbm>>) target(%arg12 : memref<5008xf32, #tpu.memory_space<vmem>>) target_semaphore(%run_scoped3A_87 : memref<!tpu.dma_semaphore, #tpu.memory_space<semaphore_mem>>)
        %dma_wait3A = arith.constant 0 : i32
        %dma_wait3A_93 = tpu.memref_slice %arg3[%arg0, %run_scoped3A_86, %dma_wait3A] : memref<2x4x5008xf32, #tpu.memory_space<hbm>> -> memref<1x1x5008xf32, #tpu.memory_space<hbm>>
        %dma_wait3A_94 = tpu.memref_squeeze %dma_wait3A_93 : memref<1x1x5008xf32, #tpu.memory_space<hbm>> -> memref<5008xf32, #tpu.memory_space<hbm>>
        %dma_wait3A_95 = arith.constant 0 : i32
        %dma_wait3A_96 = tpu.memref_slice %arg3[%arg0, %run_scoped3A_86, %dma_wait3A_95] : memref<2x4x5008xf32, #tpu.memory_space<hbm>> -> memref<1x1x5008xf32, #tpu.memory_space<hbm>>
        %dma_wait3A_97 = tpu.memref_squeeze %dma_wait3A_96 : memref<1x1x5008xf32, #tpu.memory_space<hbm>> -> memref<5008xf32, #tpu.memory_space<hbm>>
        tpu.wait_dma2 semaphore(%run_scoped3A_87 : memref<!tpu.dma_semaphore, #tpu.memory_space<semaphore_mem>>) src(%dma_wait3A_97 : memref<5008xf32, #tpu.memory_space<hbm>>) dst(%arg12 : memref<5008xf32, #tpu.memory_space<vmem>>)
        tpu.yield
      }) : () -> ()
    } else {
    }
    %not3A = arith.constant true
    %not3A_10 = arith.xori %and3A, %not3A : i1
    %convert_element_type3A_11 = arith.extui %not3A_10 : i1 to i32
    %cond3A_12 = arith.constant 0 : i32
    %cond3A_13 = arith.cmpi ne, %convert_element_type3A_11, %cond3A_12 : i32
    scf.if %cond3A_13 {
      %scan3A_84 = arith.constant 0 : i32
      %scan3A_85 = arith.constant 0 : i32
      %scan3A_86 = arith.constant 313 : i32
      %scan3A_87 = arith.addi %scan3A_85, %scan3A_86 : i32
      %scan3A_88 = arith.constant 1 : i32
      %scan3A_89 = scf.for %scan3A_91 = %scan3A_85 to %scan3A_87 step %scan3A_88 iter_args(%scan3A_92 = %scan3A_84) -> (i32)  : i32 {
        %broadcast_in_dim3A_93 = vector.broadcast %squeeze3A : f32 to vector<16xf32>
        %mul3A_94 = arith.constant 16 : i32
        %mul3A_95 = arith.muli %scan3A_91, %mul3A_94 : i32
        %swap3A_96 = arith.index_cast %mul3A_95 : i32 to index
        %swap3A_97 = tpu.vector_load %arg8[%swap3A_96] {strides = array<i32>} : memref<5008xf32, #tpu.memory_space<vmem>>, vector<16xf32>,
        tpu.vector_store %arg8[%swap3A_96], %broadcast_in_dim3A_93 {strides = array<i32>} : memref<5008xf32, #tpu.memory_space<vmem>>, vector<16xf32>,
        %scan3A_98 = arith.constant 0 : i32
        scf.yield %scan3A_98 : i32
      }
      %scan3A_90 = arith.constant 313 : i32
    } else {
    }
    %broadcast_in_dim3A_14 = vector.broadcast %squeeze3A : f32 to vector<16xf32>
    %broadcast_in_dim3A_15 = arith.constant 0 : i32
    %broadcast_in_dim3A_16 = vector.broadcast %broadcast_in_dim3A_15 : i32 to vector<16xi32>
    %scan3A = arith.constant 0 : i32
    %scan3A_17 = arith.constant 312 : i32
    %scan3A_18 = arith.addi %scan3A, %scan3A_17 : i32
    %scan3A_19 = arith.constant 2 : i32
    %scan3A_20:2 = scf.for %scan3A_84 = %scan3A to %scan3A_18 step %scan3A_19 iter_args(%scan3A_85 = %broadcast_in_dim3A_14, %scan3A_86 = %broadcast_in_dim3A_16) -> (vector<16xf32>, vector<16xi32>)  : i32 {
      %mul3A_87 = arith.constant 16 : i32
      %mul3A_88 = arith.muli %scan3A_84, %mul3A_87 : i32
      %get3A_89 = arith.index_cast %mul3A_88 : i32 to index
      %get3A_90 = tpu.vector_load %arg9[%get3A_89] {strides = array<i32>} : memref<5008xf32, #tpu.memory_space<vmem>>, vector<16xf32>,
      %get3A_91 = arith.index_cast %mul3A_88 : i32 to index
      %get3A_92 = tpu.vector_load %arg10[%get3A_91] {strides = array<i32>} : memref<5008xf32, #tpu.memory_space<vmem>>, vector<16xf32>,
      %get3A_93 = arith.index_cast %mul3A_88 : i32 to index
      %get3A_94 = tpu.vector_load %arg11[%get3A_93] {strides = array<i32>} : memref<5008xf32, #tpu.memory_space<vmem>>, vector<16xf32>,
      %get3A_95 = arith.index_cast %mul3A_88 : i32 to index
      %get3A_96 = tpu.vector_load %arg12[%get3A_95] {strides = array<i32>} : memref<5008xf32, #tpu.memory_space<vmem>>, vector<16xf32>,
      %sub3A_97 = arith.subf %get3A_94, %get3A_90 : vector<16xf32>
      %sub3A_98 = arith.subf %get3A_96, %get3A_92 : vector<16xf32>
      %mul3A_99 = arith.mulf %sub3A_97, %sub3A_98 : vector<16xf32>
      %swap3A_100 = arith.index_cast %mul3A_88 : i32 to index
      %swap3A_101 = tpu.vector_load %arg13[%swap3A_100] {strides = array<i32>} : memref<5008xf32, #tpu.memory_space<vmem>>, vector<16xf32>,
      tpu.vector_store %arg13[%swap3A_100], %mul3A_99 {strides = array<i32>} : memref<5008xf32, #tpu.memory_space<vmem>>, vector<16xf32>,
      %get3A_102 = arith.index_cast %mul3A_88 : i32 to index
      %get3A_103 = tpu.vector_load %arg8[%get3A_102] {strides = array<i32>} : memref<5008xf32, #tpu.memory_space<vmem>>, vector<16xf32>,
      %gt3A_104 = arith.constant 5.000000e-02 : f32
      %gt3A_105 = vector.broadcast %gt3A_104 : f32 to vector<16xf32>
      %gt3A_106 = arith.cmpf ogt, %get3A_103, %gt3A_105 : vector<16xf32>
      %broadcast_in_dim3A_107 = vector.broadcast %squeeze3A : f32 to vector<16xf32>
      %select_n3A_108 = arith.select %gt3A_106, %get3A_103, %broadcast_in_dim3A_107 : vector<16xi1>, vector<16xf32>
      %swap3A_109 = arith.index_cast %mul3A_88 : i32 to index
      %swap3A_110 = tpu.vector_load %arg8[%swap3A_109] {strides = array<i32>} : memref<5008xf32, #tpu.memory_space<vmem>>, vector<16xf32>,
      tpu.vector_store %arg8[%swap3A_109], %select_n3A_108 {strides = array<i32>} : memref<5008xf32, #tpu.memory_space<vmem>>, vector<16xf32>,
      %gt3A_111 = arith.cmpf ogt, %select_n3A_108, %scan3A_85 : vector<16xf32>
      %select_n3A_112 = arith.select %gt3A_111, %select_n3A_108, %scan3A_85 : vector<16xi1>, vector<16xf32>
      %broadcast_in_dim3A_113 = vector.broadcast %scan3A_84 : i32 to vector<16xi32>
      %select_n3A_114 = arith.select %gt3A_111, %broadcast_in_dim3A_113, %scan3A_86 : vector<16xi1>, vector<16xi32>
      %scan3A_115 = arith.constant 1 : i32
      %scan3A_116 = arith.addi %scan3A_84, %scan3A_115 : i32
      %mul3A_117 = arith.constant 16 : i32
      %mul3A_118 = arith.muli %scan3A_116, %mul3A_117 : i32
      %get3A_119 = arith.index_cast %mul3A_118 : i32 to index
      %get3A_120 = tpu.vector_load %arg9[%get3A_119] {strides = array<i32>} : memref<5008xf32, #tpu.memory_space<vmem>>, vector<16xf32>,
      %get3A_121 = arith.index_cast %mul3A_118 : i32 to index
      %get3A_122 = tpu.vector_load %arg10[%get3A_121] {strides = array<i32>} : memref<5008xf32, #tpu.memory_space<vmem>>, vector<16xf32>,
      %get3A_123 = arith.index_cast %mul3A_118 : i32 to index
      %get3A_124 = tpu.vector_load %arg11[%get3A_123] {strides = array<i32>} : memref<5008xf32, #tpu.memory_space<vmem>>, vector<16xf32>,
      %get3A_125 = arith.index_cast %mul3A_118 : i32 to index
      %get3A_126 = tpu.vector_load %arg12[%get3A_125] {strides = array<i32>} : memref<5008xf32, #tpu.memory_space<vmem>>, vector<16xf32>,
      %sub3A_127 = arith.subf %get3A_124, %get3A_120 : vector<16xf32>
      %sub3A_128 = arith.subf %get3A_126, %get3A_122 : vector<16xf32>
      %mul3A_129 = arith.mulf %sub3A_127, %sub3A_128 : vector<16xf32>
      %swap3A_130 = arith.index_cast %mul3A_118 : i32 to index
      %swap3A_131 = tpu.vector_load %arg13[%swap3A_130] {strides = array<i32>} : memref<5008xf32, #tpu.memory_space<vmem>>, vector<16xf32>,
      tpu.vector_store %arg13[%swap3A_130], %mul3A_129 {strides = array<i32>} : memref<5008xf32, #tpu.memory_space<vmem>>, vector<16xf32>,
      %get3A_132 = arith.index_cast %mul3A_118 : i32 to index
      %get3A_133 = tpu.vector_load %arg8[%get3A_132] {strides = array<i32>} : memref<5008xf32, #tpu.memory_space<vmem>>, vector<16xf32>,
      %gt3A_134 = arith.constant 5.000000e-02 : f32
      %gt3A_135 = vector.broadcast %gt3A_134 : f32 to vector<16xf32>
      %gt3A_136 = arith.cmpf ogt, %get3A_133, %gt3A_135 : vector<16xf32>
      %broadcast_in_dim3A_137 = vector.broadcast %squeeze3A : f32 to vector<16xf32>
      %select_n3A_138 = arith.select %gt3A_136, %get3A_133, %broadcast_in_dim3A_137 : vector<16xi1>, vector<16xf32>
      %swap3A_139 = arith.index_cast %mul3A_118 : i32 to index
      %swap3A_140 = tpu.vector_load %arg8[%swap3A_139] {strides = array<i32>} : memref<5008xf32, #tpu.memory_space<vmem>>, vector<16xf32>,
      tpu.vector_store %arg8[%swap3A_139], %select_n3A_138 {strides = array<i32>} : memref<5008xf32, #tpu.memory_space<vmem>>, vector<16xf32>,
      %gt3A_141 = arith.cmpf ogt, %select_n3A_138, %select_n3A_112 : vector<16xf32>
      %select_n3A_142 = arith.select %gt3A_141, %select_n3A_138, %select_n3A_112 : vector<16xi1>, vector<16xf32>
      %broadcast_in_dim3A_143 = vector.broadcast %scan3A_116 : i32 to vector<16xi32>
      %select_n3A_144 = arith.select %gt3A_141, %broadcast_in_dim3A_143, %select_n3A_114 : vector<16xi1>, vector<16xi32>
      scf.yield %select_n3A_142, %select_n3A_144 : vector<16xf32>, vector<16xi32>
    }
    %scan3A_21 = arith.constant 312 : i32
    %scan3A_22 = arith.addi %scan3A, %scan3A_21 : i32
    %mul3A = arith.constant 16 : i32
    %mul3A_23 = arith.muli %scan3A_22, %mul3A : i32
    %get3A_24 = arith.index_cast %mul3A_23 : i32 to index
    %get3A_25 = tpu.vector_load %arg9[%get3A_24] {strides = array<i32>} : memref<5008xf32, #tpu.memory_space<vmem>>, vector<16xf32>,
    %get3A_26 = arith.index_cast %mul3A_23 : i32 to index
    %get3A_27 = tpu.vector_load %arg10[%get3A_26] {strides = array<i32>} : memref<5008xf32, #tpu.memory_space<vmem>>, vector<16xf32>,
    %get3A_28 = arith.index_cast %mul3A_23 : i32 to index
    %get3A_29 = tpu.vector_load %arg11[%get3A_28] {strides = array<i32>} : memref<5008xf32, #tpu.memory_space<vmem>>, vector<16xf32>,
    %get3A_30 = arith.index_cast %mul3A_23 : i32 to index
    %get3A_31 = tpu.vector_load %arg12[%get3A_30] {strides = array<i32>} : memref<5008xf32, #tpu.memory_space<vmem>>, vector<16xf32>,
    %sub3A = arith.subf %get3A_29, %get3A_25 : vector<16xf32>
    %sub3A_32 = arith.subf %get3A_31, %get3A_27 : vector<16xf32>
    %mul3A_33 = arith.mulf %sub3A, %sub3A_32 : vector<16xf32>
    %swap3A = arith.index_cast %mul3A_23 : i32 to index
    %swap3A_34 = tpu.vector_load %arg13[%swap3A] {strides = array<i32>} : memref<5008xf32, #tpu.memory_space<vmem>>, vector<16xf32>,
    tpu.vector_store %arg13[%swap3A], %mul3A_33 {strides = array<i32>} : memref<5008xf32, #tpu.memory_space<vmem>>, vector<16xf32>,
    %get3A_35 = arith.index_cast %mul3A_23 : i32 to index
    %get3A_36 = tpu.vector_load %arg8[%get3A_35] {strides = array<i32>} : memref<5008xf32, #tpu.memory_space<vmem>>, vector<16xf32>,
    %gt3A = arith.constant 5.000000e-02 : f32
    %gt3A_37 = vector.broadcast %gt3A : f32 to vector<16xf32>
    %gt3A_38 = arith.cmpf ogt, %get3A_36, %gt3A_37 : vector<16xf32>
    %broadcast_in_dim3A_39 = vector.broadcast %squeeze3A : f32 to vector<16xf32>
    %select_n3A = arith.select %gt3A_38, %get3A_36, %broadcast_in_dim3A_39 : vector<16xi1>, vector<16xf32>
    %swap3A_40 = arith.index_cast %mul3A_23 : i32 to index
    %swap3A_41 = tpu.vector_load %arg8[%swap3A_40] {strides = array<i32>} : memref<5008xf32, #tpu.memory_space<vmem>>, vector<16xf32>,
    tpu.vector_store %arg8[%swap3A_40], %select_n3A {strides = array<i32>} : memref<5008xf32, #tpu.memory_space<vmem>>, vector<16xf32>,
    %gt3A_42 = arith.cmpf ogt, %select_n3A, %scan3A_20#0 : vector<16xf32>
    %select_n3A_43 = arith.select %gt3A_42, %select_n3A, %scan3A_20#0 : vector<16xi1>, vector<16xf32>
    %broadcast_in_dim3A_44 = vector.broadcast %scan3A_22 : i32 to vector<16xi32>
    %select_n3A_45 = arith.select %gt3A_42, %broadcast_in_dim3A_44, %scan3A_20#1 : vector<16xi1>, vector<16xi32>
    %scan3A_46 = arith.constant 313 : i32
    %reduce_max3A = arith.constant true
    %reduce_max3A_47 = vector.broadcast %reduce_max3A : i1 to vector<16xi1>
    %reduce_max3A_48 = tpu.scan <max>, %select_n3A_43 masked %reduce_max3A_47 : vector<16xf32>, vector<16xi1> -> vector<16xf32>
    %reduce_max3A_49 = vector.extract %reduce_max3A_48[15] : f32 from vector<16xf32>
    %eq3A_50 = vector.broadcast %reduce_max3A_49 : f32 to vector<16xf32>
    %eq3A_51 = arith.cmpf oeq, %select_n3A_43, %eq3A_50 : vector<16xf32>
    %mul3A_52 = arith.constant 16 : i32
    %mul3A_53 = vector.broadcast %mul3A_52 : i32 to vector<16xi32>
    %mul3A_54 = arith.muli %select_n3A_45, %mul3A_53 : vector<16xi32>
    %add3A = arith.addi %mul3A_54, %iota3A : vector<16xi32>
    %jit3A = arith.constant 2147483647 : i32
    %broadcast_in_dim3A_55 = vector.broadcast %jit3A : i32 to vector<16xi32>
    %select_n3A_56 = arith.select %eq3A_51, %add3A, %broadcast_in_dim3A_55 : vector<16xi1>, vector<16xi32>
    %reduce_min3A = arith.constant true
    %reduce_min3A_57 = vector.broadcast %reduce_min3A : i1 to vector<16xi1>
    %reduce_min3A_58 = arith.constant -2147483648 : i32
    %reduce_min3A_59 = vector.broadcast %reduce_min3A_58 : i32 to vector<16xi32>
    %reduce_min3A_60 = arith.xori %select_n3A_56, %reduce_min3A_59 : vector<16xi32>
    %reduce_min3A_61 = tpu.scan <min>, %reduce_min3A_60 masked %reduce_min3A_57 : vector<16xi32>, vector<16xi1> -> vector<16xi32>
    %reduce_min3A_62 = arith.xori %reduce_min3A_61, %reduce_min3A_59 : vector<16xi32>
    %reduce_min3A_63 = vector.extract %reduce_min3A_62[15] : i32 from vector<16xi32>
    %scan3A_64 = arith.constant 0 : i32
    %scan3A_65 = arith.constant 0 : i32
    %scan3A_66 = arith.constant 8 : i32
    %scan3A_67 = arith.addi %scan3A_65, %scan3A_66 : i32
    %scan3A_68 = arith.constant 1 : i32
    %scan3A_69 = scf.for %scan3A_84 = %scan3A_65 to %scan3A_67 step %scan3A_68 iter_args(%scan3A_85 = %scan3A_64) -> (i32)  : i32 {
      %mul3A_86 = arith.constant 16 : i32
      %mul3A_87 = arith.muli %scan3A_84, %mul3A_86 : i32
      %broadcast_in_dim3A_88 = vector.broadcast %squeeze3A : f32 to vector<16xf32>
      %swap3A_89 = arith.index_cast %mul3A_87 : i32 to index
      %swap3A_90 = tpu.vector_load %arg14[%swap3A_89] {strides = array<i32>} : memref<128xf32, #tpu.memory_space<vmem>>, vector<16xf32>,
      tpu.vector_store %arg14[%swap3A_89], %broadcast_in_dim3A_88 {strides = array<i32>} : memref<128xf32, #tpu.memory_space<vmem>>, vector<16xf32>,
      %broadcast_in_dim3A_91 = arith.constant 0 : i32
      %broadcast_in_dim3A_92 = vector.broadcast %broadcast_in_dim3A_91 : i32 to vector<16xi32>
      %swap3A_93 = arith.index_cast %mul3A_87 : i32 to index
      %swap3A_94 = tpu.vector_load %arg15[%swap3A_93] {strides = array<i32>} : memref<128xi32, #tpu.memory_space<vmem>>, vector<16xi32>,
      tpu.vector_store %arg15[%swap3A_93], %broadcast_in_dim3A_92 {strides = array<i32>} : memref<128xi32, #tpu.memory_space<vmem>>, vector<16xi32>,
      %scan3A_95 = arith.constant 0 : i32
      scf.yield %scan3A_95 : i32
    }
    %scan3A_70 = arith.constant 8 : i32
    %while3A = arith.constant 5.96046448E-8 : f32
    %while3A_71 = arith.constant 0 : i32
    %while3A_72 = arith.constant 0 : i32
    %while3A_73 = arith.constant 0 : i32
    %while3A_74 = arith.constant 20 : i32
    %while3A_75 = arith.constant 0 : i32
    %while3A_76 = arith.constant 0 : i32
    %while3A_77:9 = scf.while (%while3A_84 = %while3A_71, %while3A_85 = %reduce_max3A_49, %while3A_86 = %reduce_min3A_63, %while3A_87 = %reduce_max3A_49, %while3A_88 = %while3A_72, %while3A_89 = %while3A_73, %while3A_90 = %while3A_74, %while3A_91 = %while3A_75, %while3A_92 = %while3A_76) : (i32, f32, i32, f32, i32, i32, i32, i32, i32) -> (i32, f32, i32, f32, i32, i32, i32, i32, i32) {
      %eq3A_93 = arith.constant 0 : i32
      %eq3A_94 = arith.cmpi eq, %while3A_91, %eq3A_93 : i32
      %lt3A_95 = arith.constant 8 : i32
      %lt3A_96 = arith.cmpi slt, %while3A_92, %lt3A_95 : i32
      %and3A_97 = arith.andi %eq3A_94, %lt3A_96 : i1
      scf.condition(%and3A_97) %while3A_84, %while3A_85, %while3A_86, %while3A_87, %while3A_88, %while3A_89, %while3A_90, %while3A_91, %while3A_92 : i32, f32, i32, f32, i32, i32, i32, i32, i32
    } do {
    ^bb0(%while3A_84: i32, %while3A_85: f32, %while3A_86: i32, %while3A_87: f32, %while3A_88: i32, %while3A_89: i32, %while3A_90: i32, %while3A_91: i32, %while3A_92: i32):
      %while3A_93:7 = scf.while (%while3A_155 = %while3A_84, %while3A_156 = %while3A_85, %while3A_157 = %while3A_86, %while3A_158 = %while3A_87, %while3A_159 = %while3A_88, %while3A_160 = %while3A_89, %while3A_161 = %while3A_90) : (i32, f32, i32, f32, i32, i32, i32) -> (i32, f32, i32, f32, i32, i32, i32) {
        %lt3A_162 = arith.cmpi slt, %while3A_155, %while3A_161 : i32
        %gt3A_163 = arith.cmpf ogt, %while3A_156, %squeeze3A : f32
        %and3A_164 = arith.andi %lt3A_162, %gt3A_163 : i1
        scf.condition(%and3A_164) %while3A_155, %while3A_156, %while3A_157, %while3A_158, %while3A_159, %while3A_160, %while3A_161 : i32, f32, i32, f32, i32, i32, i32
      } do {
      ^bb0(%while3A_155: i32, %while3A_156: f32, %while3A_157: i32, %while3A_158: f32, %while3A_159: i32, %while3A_160: i32, %while3A_161: i32):
        %broadcast_in_dim3A_162 = vector.broadcast %while3A_155 : i32 to vector<16xi32>
        %broadcast_in_dim3A_163 = vector.broadcast %while3A_156 : f32 to vector<16xf32>
        tpu.vector_store_idx %arg14[%broadcast_in_dim3A_162], %broadcast_in_dim3A_163 masked %eq3A_2 : memref<128xf32, #tpu.memory_space<vmem>>[vector<16xi32>], vector<16xf32>, vector<16xi1>
        %broadcast_in_dim3A_164 = vector.broadcast %while3A_157 : i32 to vector<16xi32>
        tpu.vector_store_idx %arg15[%broadcast_in_dim3A_162], %broadcast_in_dim3A_164 masked %eq3A_2 : memref<128xi32, #tpu.memory_space<vmem>>[vector<16xi32>], vector<16xi32>, vector<16xi1>
        %gt3A_165 = arith.constant 0 : i32
        %gt3A_166 = arith.cmpi sgt, %while3A_160, %gt3A_165 : i32
        %and3A_167 = vector.broadcast %gt3A_166 : i1 to vector<16xi1>
        %and3A_168 = arith.andi %eq3A_2, %and3A_167 : vector<16xi1>
        %add3A_169 = arith.constant 1 : i32
        %add3A_170 = arith.addi %while3A_155, %add3A_169 : i32
        %broadcast_in_dim3A_171 = vector.broadcast %add3A_170 : i32 to vector<16xi32>
        %broadcast_in_dim3A_172 = vector.broadcast %while3A_158 : f32 to vector<16xf32>
        tpu.vector_store_idx %arg14[%broadcast_in_dim3A_171], %broadcast_in_dim3A_172 masked %and3A_168 : memref<128xf32, #tpu.memory_space<vmem>>[vector<16xi32>], vector<16xf32>, vector<16xi1>
        %broadcast_in_dim3A_173 = vector.broadcast %while3A_159 : i32 to vector<16xi32>
        tpu.vector_store_idx %arg15[%broadcast_in_dim3A_171], %broadcast_in_dim3A_173 masked %and3A_168 : memref<128xi32, #tpu.memory_space<vmem>>[vector<16xi32>], vector<16xi32>, vector<16xi1>
        %add3A_174 = arith.constant 1 : i32
        %add3A_175 = arith.addi %while3A_155, %add3A_174 : i32
        %add3A_176 = arith.addi %add3A_175, %while3A_160 : i32
        %select_n3A_177 = arith.select %gt3A_166, %while3A_159, %while3A_157 : i32
        %broadcast_in_dim3A_178 = vector.broadcast %while3A_157 : i32 to vector<16xi32>
        %broadcast_in_dim3A_179 = vector.broadcast %select_n3A_177 : i32 to vector<16xi32>
        %gather3A_180 = tpu.vector_load_idx %arg9[%broadcast_in_dim3A_178] : memref<5008xf32, #tpu.memory_space<vmem>>[vector<16xi32>], vector<16xf32>,
        %gather3A_181 = tpu.vector_load_idx %arg10[%broadcast_in_dim3A_178] : memref<5008xf32, #tpu.memory_space<vmem>>[vector<16xi32>], vector<16xf32>,
        %gather3A_182 = tpu.vector_load_idx %arg11[%broadcast_in_dim3A_178] : memref<5008xf32, #tpu.memory_space<vmem>>[vector<16xi32>], vector<16xf32>,
        %gather3A_183 = tpu.vector_load_idx %arg12[%broadcast_in_dim3A_178] : memref<5008xf32, #tpu.memory_space<vmem>>[vector<16xi32>], vector<16xf32>,
        %gather3A_184 = tpu.vector_load_idx %arg13[%broadcast_in_dim3A_178] : memref<5008xf32, #tpu.memory_space<vmem>>[vector<16xi32>], vector<16xf32>,
        %gather3A_185 = tpu.vector_load_idx %arg9[%broadcast_in_dim3A_179] : memref<5008xf32, #tpu.memory_space<vmem>>[vector<16xi32>], vector<16xf32>,
        %gather3A_186 = tpu.vector_load_idx %arg10[%broadcast_in_dim3A_179] : memref<5008xf32, #tpu.memory_space<vmem>>[vector<16xi32>], vector<16xf32>,
        %gather3A_187 = tpu.vector_load_idx %arg11[%broadcast_in_dim3A_179] : memref<5008xf32, #tpu.memory_space<vmem>>[vector<16xi32>], vector<16xf32>,
        %gather3A_188 = tpu.vector_load_idx %arg12[%broadcast_in_dim3A_179] : memref<5008xf32, #tpu.memory_space<vmem>>[vector<16xi32>], vector<16xf32>,
        %gather3A_189 = tpu.vector_load_idx %arg13[%broadcast_in_dim3A_179] : memref<5008xf32, #tpu.memory_space<vmem>>[vector<16xi32>], vector<16xf32>,
        %broadcast_in_dim3A_190 = vector.broadcast %squeeze3A : f32 to vector<16xf32>
        tpu.vector_store_idx %arg8[%broadcast_in_dim3A_178], %broadcast_in_dim3A_190 masked %eq3A_2 : memref<5008xf32, #tpu.memory_space<vmem>>[vector<16xi32>], vector<16xf32>, vector<16xi1>
        %broadcast_in_dim3A_191 = vector.broadcast %squeeze3A : f32 to vector<16xf32>
        tpu.vector_store_idx %arg8[%broadcast_in_dim3A_179], %broadcast_in_dim3A_191 masked %eq3A_2 : memref<5008xf32, #tpu.memory_space<vmem>>[vector<16xi32>], vector<16xf32>, vector<16xi1>
        %broadcast_in_dim3A_192 = vector.broadcast %squeeze3A : f32 to vector<16xf32>
        %broadcast_in_dim3A_193 = arith.constant 0 : i32
        %broadcast_in_dim3A_194 = vector.broadcast %broadcast_in_dim3A_193 : i32 to vector<16xi32>
        %broadcast_in_dim3A_195 = vector.broadcast %squeeze3A : f32 to vector<16xf32>
        %broadcast_in_dim3A_196 = arith.constant 0 : i32
        %broadcast_in_dim3A_197 = vector.broadcast %broadcast_in_dim3A_196 : i32 to vector<16xi32>
        %scan3A_198 = arith.constant 0 : i32
        %scan3A_199 = arith.constant 312 : i32
        %scan3A_200 = arith.addi %scan3A_198, %scan3A_199 : i32
        %scan3A_201 = arith.constant 2 : i32
        %scan3A_202:4 = scf.for %scan3A_380 = %scan3A_198 to %scan3A_200 step %scan3A_201 iter_args(%scan3A_381 = %broadcast_in_dim3A_192, %scan3A_382 = %broadcast_in_dim3A_194, %scan3A_383 = %broadcast_in_dim3A_195, %scan3A_384 = %broadcast_in_dim3A_197) -> (vector<16xf32>, vector<16xi32>, vector<16xf32>, vector<16xi32>)  : i32 {
          %mul3A_385 = arith.constant 16 : i32
          %mul3A_386 = arith.muli %scan3A_380, %mul3A_385 : i32
          %get3A_387 = arith.index_cast %mul3A_386 : i32 to index
          %get3A_388 = tpu.vector_load %arg9[%get3A_387] {strides = array<i32>} : memref<5008xf32, #tpu.memory_space<vmem>>, vector<16xf32>,
          %get3A_389 = arith.index_cast %mul3A_386 : i32 to index
          %get3A_390 = tpu.vector_load %arg10[%get3A_389] {strides = array<i32>} : memref<5008xf32, #tpu.memory_space<vmem>>, vector<16xf32>,
          %get3A_391 = arith.index_cast %mul3A_386 : i32 to index
          %get3A_392 = tpu.vector_load %arg11[%get3A_391] {strides = array<i32>} : memref<5008xf32, #tpu.memory_space<vmem>>, vector<16xf32>,
          %get3A_393 = arith.index_cast %mul3A_386 : i32 to index
          %get3A_394 = tpu.vector_load %arg12[%get3A_393] {strides = array<i32>} : memref<5008xf32, #tpu.memory_space<vmem>>, vector<16xf32>,
          %get3A_395 = arith.index_cast %mul3A_386 : i32 to index
          %get3A_396 = tpu.vector_load %arg8[%get3A_395] {strides = array<i32>} : memref<5008xf32, #tpu.memory_space<vmem>>, vector<16xf32>,
          %get3A_397 = arith.index_cast %mul3A_386 : i32 to index
          %get3A_398 = tpu.vector_load %arg13[%get3A_397] {strides = array<i32>} : memref<5008xf32, #tpu.memory_space<vmem>>, vector<16xf32>,
          %min3A_399 = arith.minimumf %get3A_392, %gather3A_182 : vector<16xf32>
          %max3A_400 = arith.maximumf %get3A_388, %gather3A_180 : vector<16xf32>
          %sub3A_401 = arith.subf %min3A_399, %max3A_400 : vector<16xf32>
          %max3A_402 = arith.constant 0.000000e+00 : f32
          %max3A_403 = vector.broadcast %max3A_402 : f32 to vector<16xf32>
          %max3A_404 = arith.maximumf %sub3A_401, %max3A_403 : vector<16xf32>
          %min3A_405 = arith.minimumf %get3A_394, %gather3A_183 : vector<16xf32>
          %max3A_406 = arith.maximumf %get3A_390, %gather3A_181 : vector<16xf32>
          %sub3A_407 = arith.subf %min3A_405, %max3A_406 : vector<16xf32>
          %max3A_408 = arith.constant 0.000000e+00 : f32
          %max3A_409 = vector.broadcast %max3A_408 : f32 to vector<16xf32>
          %max3A_410 = arith.maximumf %sub3A_407, %max3A_409 : vector<16xf32>
          %mul3A_411 = arith.mulf %max3A_404, %max3A_410 : vector<16xf32>
          %add3A_412 = arith.addf %get3A_398, %gather3A_184 : vector<16xf32>
          %sub3A_413 = arith.subf %add3A_412, %mul3A_411 : vector<16xf32>
          %mul3A_414 = arith.constant 2.000000e+00 : f32
          %mul3A_415 = vector.broadcast %mul3A_414 : f32 to vector<16xf32>
          %mul3A_416 = arith.mulf %mul3A_415, %mul3A_411 : vector<16xf32>
          %sub3A_417 = arith.subf %mul3A_416, %sub3A_413 : vector<16xf32>
          %mul3A_418 = vector.broadcast %while3A : f32 to vector<16xf32>
          %mul3A_419 = arith.mulf %sub3A_413, %mul3A_418 : vector<16xf32>
          %gt3A_420 = arith.cmpf ogt, %sub3A_417, %mul3A_419 : vector<16xf32>
          %min3A_421 = arith.minimumf %get3A_392, %gather3A_187 : vector<16xf32>
          %max3A_422 = arith.maximumf %get3A_388, %gather3A_185 : vector<16xf32>
          %sub3A_423 = arith.subf %min3A_421, %max3A_422 : vector<16xf32>
          %max3A_424 = arith.constant 0.000000e+00 : f32
          %max3A_425 = vector.broadcast %max3A_424 : f32 to vector<16xf32>
          %max3A_426 = arith.maximumf %sub3A_423, %max3A_425 : vector<16xf32>
          %min3A_427 = arith.minimumf %get3A_394, %gather3A_188 : vector<16xf32>
          %max3A_428 = arith.maximumf %get3A_390, %gather3A_186 : vector<16xf32>
          %sub3A_429 = arith.subf %min3A_427, %max3A_428 : vector<16xf32>
          %max3A_430 = arith.constant 0.000000e+00 : f32
          %max3A_431 = vector.broadcast %max3A_430 : f32 to vector<16xf32>
          %max3A_432 = arith.maximumf %sub3A_429, %max3A_431 : vector<16xf32>
          %mul3A_433 = arith.mulf %max3A_426, %max3A_432 : vector<16xf32>
          %add3A_434 = arith.addf %get3A_398, %gather3A_189 : vector<16xf32>
          %sub3A_435 = arith.subf %add3A_434, %mul3A_433 : vector<16xf32>
          %mul3A_436 = arith.constant 2.000000e+00 : f32
          %mul3A_437 = vector.broadcast %mul3A_436 : f32 to vector<16xf32>
          %mul3A_438 = arith.mulf %mul3A_437, %mul3A_433 : vector<16xf32>
          %sub3A_439 = arith.subf %mul3A_438, %sub3A_435 : vector<16xf32>
          %mul3A_440 = vector.broadcast %while3A : f32 to vector<16xf32>
          %mul3A_441 = arith.mulf %sub3A_435, %mul3A_440 : vector<16xf32>
          %gt3A_442 = arith.cmpf ogt, %sub3A_439, %mul3A_441 : vector<16xf32>
          %or3A_443 = arith.ori %gt3A_420, %gt3A_442 : vector<16xi1>
          %broadcast_in_dim3A_444 = vector.broadcast %squeeze3A : f32 to vector<16xf32>
          %select_n3A_445 = arith.select %or3A_443, %broadcast_in_dim3A_444, %get3A_396 : vector<16xi1>, vector<16xf32>
          %swap3A_446 = arith.index_cast %mul3A_386 : i32 to index
          %swap3A_447 = tpu.vector_load %arg8[%swap3A_446] {strides = array<i32>} : memref<5008xf32, #tpu.memory_space<vmem>>, vector<16xf32>,
          tpu.vector_store %arg8[%swap3A_446], %select_n3A_445 {strides = array<i32>} : memref<5008xf32, #tpu.memory_space<vmem>>, vector<16xf32>,
          %broadcast_in_dim3A_448 = vector.broadcast %scan3A_380 : i32 to vector<16xi32>
          %gt3A_449 = arith.cmpf ogt, %select_n3A_445, %scan3A_381 : vector<16xf32>
          %gt3A_450 = arith.cmpf ogt, %select_n3A_445, %scan3A_383 : vector<16xf32>
          %select_n3A_451 = arith.select %gt3A_450, %select_n3A_445, %scan3A_383 : vector<16xi1>, vector<16xf32>
          %select_n3A_452 = arith.select %gt3A_449, %scan3A_381, %select_n3A_451 : vector<16xi1>, vector<16xf32>
          %select_n3A_453 = arith.select %gt3A_450, %broadcast_in_dim3A_448, %scan3A_384 : vector<16xi1>, vector<16xi32>
          %select_n3A_454 = arith.select %gt3A_449, %scan3A_382, %select_n3A_453 : vector<16xi1>, vector<16xi32>
          %select_n3A_455 = arith.select %gt3A_449, %select_n3A_445, %scan3A_381 : vector<16xi1>, vector<16xf32>
          %select_n3A_456 = arith.select %gt3A_449, %broadcast_in_dim3A_448, %scan3A_382 : vector<16xi1>, vector<16xi32>
          %scan3A_457 = arith.constant 1 : i32
          %scan3A_458 = arith.addi %scan3A_380, %scan3A_457 : i32
          %mul3A_459 = arith.constant 16 : i32
          %mul3A_460 = arith.muli %scan3A_458, %mul3A_459 : i32
          %get3A_461 = arith.index_cast %mul3A_460 : i32 to index
          %get3A_462 = tpu.vector_load %arg9[%get3A_461] {strides = array<i32>} : memref<5008xf32, #tpu.memory_space<vmem>>, vector<16xf32>,
          %get3A_463 = arith.index_cast %mul3A_460 : i32 to index
          %get3A_464 = tpu.vector_load %arg10[%get3A_463] {strides = array<i32>} : memref<5008xf32, #tpu.memory_space<vmem>>, vector<16xf32>,
          %get3A_465 = arith.index_cast %mul3A_460 : i32 to index
          %get3A_466 = tpu.vector_load %arg11[%get3A_465] {strides = array<i32>} : memref<5008xf32, #tpu.memory_space<vmem>>, vector<16xf32>,
          %get3A_467 = arith.index_cast %mul3A_460 : i32 to index
          %get3A_468 = tpu.vector_load %arg12[%get3A_467] {strides = array<i32>} : memref<5008xf32, #tpu.memory_space<vmem>>, vector<16xf32>,
          %get3A_469 = arith.index_cast %mul3A_460 : i32 to index
          %get3A_470 = tpu.vector_load %arg8[%get3A_469] {strides = array<i32>} : memref<5008xf32, #tpu.memory_space<vmem>>, vector<16xf32>,
          %get3A_471 = arith.index_cast %mul3A_460 : i32 to index
          %get3A_472 = tpu.vector_load %arg13[%get3A_471] {strides = array<i32>} : memref<5008xf32, #tpu.memory_space<vmem>>, vector<16xf32>,
          %min3A_473 = arith.minimumf %get3A_466, %gather3A_182 : vector<16xf32>
          %max3A_474 = arith.maximumf %get3A_462, %gather3A_180 : vector<16xf32>
          %sub3A_475 = arith.subf %min3A_473, %max3A_474 : vector<16xf32>
          %max3A_476 = arith.constant 0.000000e+00 : f32
          %max3A_477 = vector.broadcast %max3A_476 : f32 to vector<16xf32>
          %max3A_478 = arith.maximumf %sub3A_475, %max3A_477 : vector<16xf32>
          %min3A_479 = arith.minimumf %get3A_468, %gather3A_183 : vector<16xf32>
          %max3A_480 = arith.maximumf %get3A_464, %gather3A_181 : vector<16xf32>
          %sub3A_481 = arith.subf %min3A_479, %max3A_480 : vector<16xf32>
          %max3A_482 = arith.constant 0.000000e+00 : f32
          %max3A_483 = vector.broadcast %max3A_482 : f32 to vector<16xf32>
          %max3A_484 = arith.maximumf %sub3A_481, %max3A_483 : vector<16xf32>
          %mul3A_485 = arith.mulf %max3A_478, %max3A_484 : vector<16xf32>
          %add3A_486 = arith.addf %get3A_472, %gather3A_184 : vector<16xf32>
          %sub3A_487 = arith.subf %add3A_486, %mul3A_485 : vector<16xf32>
          %mul3A_488 = arith.constant 2.000000e+00 : f32
          %mul3A_489 = vector.broadcast %mul3A_488 : f32 to vector<16xf32>
          %mul3A_490 = arith.mulf %mul3A_489, %mul3A_485 : vector<16xf32>
          %sub3A_491 = arith.subf %mul3A_490, %sub3A_487 : vector<16xf32>
          %mul3A_492 = vector.broadcast %while3A : f32 to vector<16xf32>
          %mul3A_493 = arith.mulf %sub3A_487, %mul3A_492 : vector<16xf32>
          %gt3A_494 = arith.cmpf ogt, %sub3A_491, %mul3A_493 : vector<16xf32>
          %min3A_495 = arith.minimumf %get3A_466, %gather3A_187 : vector<16xf32>
          %max3A_496 = arith.maximumf %get3A_462, %gather3A_185 : vector<16xf32>
          %sub3A_497 = arith.subf %min3A_495, %max3A_496 : vector<16xf32>
          %max3A_498 = arith.constant 0.000000e+00 : f32
          %max3A_499 = vector.broadcast %max3A_498 : f32 to vector<16xf32>
          %max3A_500 = arith.maximumf %sub3A_497, %max3A_499 : vector<16xf32>
          %min3A_501 = arith.minimumf %get3A_468, %gather3A_188 : vector<16xf32>
          %max3A_502 = arith.maximumf %get3A_464, %gather3A_186 : vector<16xf32>
          %sub3A_503 = arith.subf %min3A_501, %max3A_502 : vector<16xf32>
          %max3A_504 = arith.constant 0.000000e+00 : f32
          %max3A_505 = vector.broadcast %max3A_504 : f32 to vector<16xf32>
          %max3A_506 = arith.maximumf %sub3A_503, %max3A_505 : vector<16xf32>
          %mul3A_507 = arith.mulf %max3A_500, %max3A_506 : vector<16xf32>
          %add3A_508 = arith.addf %get3A_472, %gather3A_189 : vector<16xf32>
          %sub3A_509 = arith.subf %add3A_508, %mul3A_507 : vector<16xf32>
          %mul3A_510 = arith.constant 2.000000e+00 : f32
          %mul3A_511 = vector.broadcast %mul3A_510 : f32 to vector<16xf32>
          %mul3A_512 = arith.mulf %mul3A_511, %mul3A_507 : vector<16xf32>
          %sub3A_513 = arith.subf %mul3A_512, %sub3A_509 : vector<16xf32>
          %mul3A_514 = vector.broadcast %while3A : f32 to vector<16xf32>
          %mul3A_515 = arith.mulf %sub3A_509, %mul3A_514 : vector<16xf32>
          %gt3A_516 = arith.cmpf ogt, %sub3A_513, %mul3A_515 : vector<16xf32>
          %or3A_517 = arith.ori %gt3A_494, %gt3A_516 : vector<16xi1>
          %broadcast_in_dim3A_518 = vector.broadcast %squeeze3A : f32 to vector<16xf32>
          %select_n3A_519 = arith.select %or3A_517, %broadcast_in_dim3A_518, %get3A_470 : vector<16xi1>, vector<16xf32>
          %swap3A_520 = arith.index_cast %mul3A_460 : i32 to index
          %swap3A_521 = tpu.vector_load %arg8[%swap3A_520] {strides = array<i32>} : memref<5008xf32, #tpu.memory_space<vmem>>, vector<16xf32>,
          tpu.vector_store %arg8[%swap3A_520], %select_n3A_519 {strides = array<i32>} : memref<5008xf32, #tpu.memory_space<vmem>>, vector<16xf32>,
          %broadcast_in_dim3A_522 = vector.broadcast %scan3A_458 : i32 to vector<16xi32>
          %gt3A_523 = arith.cmpf ogt, %select_n3A_519, %select_n3A_455 : vector<16xf32>
          %gt3A_524 = arith.cmpf ogt, %select_n3A_519, %select_n3A_452 : vector<16xf32>
          %select_n3A_525 = arith.select %gt3A_524, %select_n3A_519, %select_n3A_452 : vector<16xi1>, vector<16xf32>
          %select_n3A_526 = arith.select %gt3A_523, %select_n3A_455, %select_n3A_525 : vector<16xi1>, vector<16xf32>
          %select_n3A_527 = arith.select %gt3A_524, %broadcast_in_dim3A_522, %select_n3A_454 : vector<16xi1>, vector<16xi32>
          %select_n3A_528 = arith.select %gt3A_523, %select_n3A_456, %select_n3A_527 : vector<16xi1>, vector<16xi32>
          %select_n3A_529 = arith.select %gt3A_523, %select_n3A_519, %select_n3A_455 : vector<16xi1>, vector<16xf32>
          %select_n3A_530 = arith.select %gt3A_523, %broadcast_in_dim3A_522, %select_n3A_456 : vector<16xi1>, vector<16xi32>
          scf.yield %select_n3A_529, %select_n3A_530, %select_n3A_526, %select_n3A_528 : vector<16xf32>, vector<16xi32>, vector<16xf32>, vector<16xi32>
        }
        %scan3A_203 = arith.constant 312 : i32
        %scan3A_204 = arith.addi %scan3A_198, %scan3A_203 : i32
        %mul3A_205 = arith.constant 16 : i32
        %mul3A_206 = arith.muli %scan3A_204, %mul3A_205 : i32
        %get3A_207 = arith.index_cast %mul3A_206 : i32 to index
        %get3A_208 = tpu.vector_load %arg9[%get3A_207] {strides = array<i32>} : memref<5008xf32, #tpu.memory_space<vmem>>, vector<16xf32>,
        %get3A_209 = arith.index_cast %mul3A_206 : i32 to index
        %get3A_210 = tpu.vector_load %arg10[%get3A_209] {strides = array<i32>} : memref<5008xf32, #tpu.memory_space<vmem>>, vector<16xf32>,
        %get3A_211 = arith.index_cast %mul3A_206 : i32 to index
        %get3A_212 = tpu.vector_load %arg11[%get3A_211] {strides = array<i32>} : memref<5008xf32, #tpu.memory_space<vmem>>, vector<16xf32>,
        %get3A_213 = arith.index_cast %mul3A_206 : i32 to index
        %get3A_214 = tpu.vector_load %arg12[%get3A_213] {strides = array<i32>} : memref<5008xf32, #tpu.memory_space<vmem>>, vector<16xf32>,
        %get3A_215 = arith.index_cast %mul3A_206 : i32 to index
        %get3A_216 = tpu.vector_load %arg8[%get3A_215] {strides = array<i32>} : memref<5008xf32, #tpu.memory_space<vmem>>, vector<16xf32>,
        %get3A_217 = arith.index_cast %mul3A_206 : i32 to index
        %get3A_218 = tpu.vector_load %arg13[%get3A_217] {strides = array<i32>} : memref<5008xf32, #tpu.memory_space<vmem>>, vector<16xf32>,
        %min3A_219 = arith.minimumf %get3A_212, %gather3A_182 : vector<16xf32>
        %max3A = arith.maximumf %get3A_208, %gather3A_180 : vector<16xf32>
        %sub3A_220 = arith.subf %min3A_219, %max3A : vector<16xf32>
        %max3A_221 = arith.constant 0.000000e+00 : f32
        %max3A_222 = vector.broadcast %max3A_221 : f32 to vector<16xf32>
        %max3A_223 = arith.maximumf %sub3A_220, %max3A_222 : vector<16xf32>
        %min3A_224 = arith.minimumf %get3A_214, %gather3A_183 : vector<16xf32>
        %max3A_225 = arith.maximumf %get3A_210, %gather3A_181 : vector<16xf32>
        %sub3A_226 = arith.subf %min3A_224, %max3A_225 : vector<16xf32>
        %max3A_227 = arith.constant 0.000000e+00 : f32
        %max3A_228 = vector.broadcast %max3A_227 : f32 to vector<16xf32>
        %max3A_229 = arith.maximumf %sub3A_226, %max3A_228 : vector<16xf32>
        %mul3A_230 = arith.mulf %max3A_223, %max3A_229 : vector<16xf32>
        %add3A_231 = arith.addf %get3A_218, %gather3A_184 : vector<16xf32>
        %sub3A_232 = arith.subf %add3A_231, %mul3A_230 : vector<16xf32>
        %mul3A_233 = arith.constant 2.000000e+00 : f32
        %mul3A_234 = vector.broadcast %mul3A_233 : f32 to vector<16xf32>
        %mul3A_235 = arith.mulf %mul3A_234, %mul3A_230 : vector<16xf32>
        %sub3A_236 = arith.subf %mul3A_235, %sub3A_232 : vector<16xf32>
        %mul3A_237 = vector.broadcast %while3A : f32 to vector<16xf32>
        %mul3A_238 = arith.mulf %sub3A_232, %mul3A_237 : vector<16xf32>
        %gt3A_239 = arith.cmpf ogt, %sub3A_236, %mul3A_238 : vector<16xf32>
        %min3A_240 = arith.minimumf %get3A_212, %gather3A_187 : vector<16xf32>
        %max3A_241 = arith.maximumf %get3A_208, %gather3A_185 : vector<16xf32>
        %sub3A_242 = arith.subf %min3A_240, %max3A_241 : vector<16xf32>
        %max3A_243 = arith.constant 0.000000e+00 : f32
        %max3A_244 = vector.broadcast %max3A_243 : f32 to vector<16xf32>
        %max3A_245 = arith.maximumf %sub3A_242, %max3A_244 : vector<16xf32>
        %min3A_246 = arith.minimumf %get3A_214, %gather3A_188 : vector<16xf32>
        %max3A_247 = arith.maximumf %get3A_210, %gather3A_186 : vector<16xf32>
        %sub3A_248 = arith.subf %min3A_246, %max3A_247 : vector<16xf32>
        %max3A_249 = arith.constant 0.000000e+00 : f32
        %max3A_250 = vector.broadcast %max3A_249 : f32 to vector<16xf32>
        %max3A_251 = arith.maximumf %sub3A_248, %max3A_250 : vector<16xf32>
        %mul3A_252 = arith.mulf %max3A_245, %max3A_251 : vector<16xf32>
        %add3A_253 = arith.addf %get3A_218, %gather3A_189 : vector<16xf32>
        %sub3A_254 = arith.subf %add3A_253, %mul3A_252 : vector<16xf32>
        %mul3A_255 = arith.constant 2.000000e+00 : f32
        %mul3A_256 = vector.broadcast %mul3A_255 : f32 to vector<16xf32>
        %mul3A_257 = arith.mulf %mul3A_256, %mul3A_252 : vector<16xf32>
        %sub3A_258 = arith.subf %mul3A_257, %sub3A_254 : vector<16xf32>
        %mul3A_259 = vector.broadcast %while3A : f32 to vector<16xf32>
        %mul3A_260 = arith.mulf %sub3A_254, %mul3A_259 : vector<16xf32>
        %gt3A_261 = arith.cmpf ogt, %sub3A_258, %mul3A_260 : vector<16xf32>
        %or3A = arith.ori %gt3A_239, %gt3A_261 : vector<16xi1>
        %broadcast_in_dim3A_262 = vector.broadcast %squeeze3A : f32 to vector<16xf32>
        %select_n3A_263 = arith.select %or3A, %broadcast_in_dim3A_262, %get3A_216 : vector<16xi1>, vector<16xf32>
        %swap3A_264 = arith.index_cast %mul3A_206 : i32 to index
        %swap3A_265 = tpu.vector_load %arg8[%swap3A_264] {strides = array<i32>} : memref<5008xf32, #tpu.memory_space<vmem>>, vector<16xf32>,
        tpu.vector_store %arg8[%swap3A_264], %select_n3A_263 {strides = array<i32>} : memref<5008xf32, #tpu.memory_space<vmem>>, vector<16xf32>,
        %broadcast_in_dim3A_266 = vector.broadcast %scan3A_204 : i32 to vector<16xi32>
        %gt3A_267 = arith.cmpf ogt, %select_n3A_263, %scan3A_202#0 : vector<16xf32>
        %gt3A_268 = arith.cmpf ogt, %select_n3A_263, %scan3A_202#2 : vector<16xf32>
        %select_n3A_269 = arith.select %gt3A_268, %select_n3A_263, %scan3A_202#2 : vector<16xi1>, vector<16xf32>
        %select_n3A_270 = arith.select %gt3A_267, %scan3A_202#0, %select_n3A_269 : vector<16xi1>, vector<16xf32>
        %select_n3A_271 = arith.select %gt3A_268, %broadcast_in_dim3A_266, %scan3A_202#3 : vector<16xi1>, vector<16xi32>
        %select_n3A_272 = arith.select %gt3A_267, %scan3A_202#1, %select_n3A_271 : vector<16xi1>, vector<16xi32>
        %select_n3A_273 = arith.select %gt3A_267, %select_n3A_263, %scan3A_202#0 : vector<16xi1>, vector<16xf32>
        %select_n3A_274 = arith.select %gt3A_267, %broadcast_in_dim3A_266, %scan3A_202#1 : vector<16xi1>, vector<16xi32>
        %scan3A_275 = arith.constant 313 : i32
        %reduce_max3A_276 = arith.constant true
        %reduce_max3A_277 = vector.broadcast %reduce_max3A_276 : i1 to vector<16xi1>
        %reduce_max3A_278 = tpu.scan <max>, %select_n3A_273 masked %reduce_max3A_277 : vector<16xf32>, vector<16xi1> -> vector<16xf32>
        %reduce_max3A_279 = vector.extract %reduce_max3A_278[15] : f32 from vector<16xf32>
        %mul3A_280 = arith.constant 16 : i32
        %mul3A_281 = vector.broadcast %mul3A_280 : i32 to vector<16xi32>
        %mul3A_282 = arith.muli %select_n3A_274, %mul3A_281 : vector<16xi32>
        %add3A_283 = arith.addi %mul3A_282, %iota3A : vector<16xi32>
        %eq3A_284 = vector.broadcast %reduce_max3A_279 : f32 to vector<16xf32>
        %eq3A_285 = arith.cmpf oeq, %select_n3A_273, %eq3A_284 : vector<16xf32>
        %jit3A_286 = arith.constant 2147483647 : i32
        %broadcast_in_dim3A_287 = vector.broadcast %jit3A_286 : i32 to vector<16xi32>
        %select_n3A_288 = arith.select %eq3A_285, %add3A_283, %broadcast_in_dim3A_287 : vector<16xi1>, vector<16xi32>
        %reduce_min3A_289 = arith.constant true
        %reduce_min3A_290 = vector.broadcast %reduce_min3A_289 : i1 to vector<16xi1>
        %reduce_min3A_291 = arith.constant -2147483648 : i32
        %reduce_min3A_292 = vector.broadcast %reduce_min3A_291 : i32 to vector<16xi32>
        %reduce_min3A_293 = arith.xori %select_n3A_288, %reduce_min3A_292 : vector<16xi32>
        %reduce_min3A_294 = tpu.scan <min>, %reduce_min3A_293 masked %reduce_min3A_290 : vector<16xi32>, vector<16xi1> -> vector<16xi32>
        %reduce_min3A_295 = arith.xori %reduce_min3A_294, %reduce_min3A_292 : vector<16xi32>
        %reduce_min3A_296 = vector.extract %reduce_min3A_295[15] : i32 from vector<16xi32>
        %and3A_297 = arith.constant 15 : i32
        %and3A_298 = arith.andi %reduce_min3A_296, %and3A_297 : i32
        %eq3A_299 = vector.broadcast %and3A_298 : i32 to vector<16xi32>
        %eq3A_300 = arith.cmpi eq, %iota3A, %eq3A_299 : vector<16xi32>
        %select_n3A_301 = arith.select %eq3A_300, %select_n3A_270, %select_n3A_273 : vector<16xi1>, vector<16xf32>
        %eq3A_302 = vector.broadcast %and3A_298 : i32 to vector<16xi32>
        %eq3A_303 = arith.cmpi eq, %iota3A, %eq3A_302 : vector<16xi32>
        %mul3A_304 = arith.constant 16 : i32
        %mul3A_305 = vector.broadcast %mul3A_304 : i32 to vector<16xi32>
        %mul3A_306 = arith.muli %select_n3A_272, %mul3A_305 : vector<16xi32>
        %add3A_307 = arith.addi %mul3A_306, %iota3A : vector<16xi32>
        %select_n3A_308 = arith.select %eq3A_303, %add3A_307, %add3A_283 : vector<16xi1>, vector<16xi32>
        %reduce_max3A_309 = arith.constant true
        %reduce_max3A_310 = vector.broadcast %reduce_max3A_309 : i1 to vector<16xi1>
        %reduce_max3A_311 = tpu.scan <max>, %select_n3A_301 masked %reduce_max3A_310 : vector<16xf32>, vector<16xi1> -> vector<16xf32>
        %reduce_max3A_312 = vector.extract %reduce_max3A_311[15] : f32 from vector<16xf32>
        %eq3A_313 = vector.broadcast %reduce_max3A_312 : f32 to vector<16xf32>
        %eq3A_314 = arith.cmpf oeq, %select_n3A_301, %eq3A_313 : vector<16xf32>
        %jit3A_315 = arith.constant 2147483647 : i32
        %broadcast_in_dim3A_316 = vector.broadcast %jit3A_315 : i32 to vector<16xi32>
        %select_n3A_317 = arith.select %eq3A_314, %select_n3A_308, %broadcast_in_dim3A_316 : vector<16xi1>, vector<16xi32>
        %reduce_min3A_318 = arith.constant true
        %reduce_min3A_319 = vector.broadcast %reduce_min3A_318 : i1 to vector<16xi1>
        %reduce_min3A_320 = arith.constant -2147483648 : i32
        %reduce_min3A_321 = vector.broadcast %reduce_min3A_320 : i32 to vector<16xi32>
        %reduce_min3A_322 = arith.xori %select_n3A_317, %reduce_min3A_321 : vector<16xi32>
        %reduce_min3A_323 = tpu.scan <min>, %reduce_min3A_322 masked %reduce_min3A_319 : vector<16xi32>, vector<16xi1> -> vector<16xi32>
        %reduce_min3A_324 = arith.xori %reduce_min3A_323, %reduce_min3A_321 : vector<16xi32>
        %reduce_min3A_325 = vector.extract %reduce_min3A_324[15] : i32 from vector<16xi32>
        %broadcast_in_dim3A_326 = vector.broadcast %reduce_min3A_296 : i32 to vector<16xi32>
        %broadcast_in_dim3A_327 = vector.broadcast %reduce_min3A_325 : i32 to vector<16xi32>
        %gather3A_328 = tpu.vector_load_idx %arg9[%broadcast_in_dim3A_326] : memref<5008xf32, #tpu.memory_space<vmem>>[vector<16xi32>], vector<16xf32>,
        %gather3A_329 = tpu.vector_load_idx %arg10[%broadcast_in_dim3A_326] : memref<5008xf32, #tpu.memory_space<vmem>>[vector<16xi32>], vector<16xf32>,
        %gather3A_330 = tpu.vector_load_idx %arg11[%broadcast_in_dim3A_326] : memref<5008xf32, #tpu.memory_space<vmem>>[vector<16xi32>], vector<16xf32>,
        %gather3A_331 = tpu.vector_load_idx %arg12[%broadcast_in_dim3A_326] : memref<5008xf32, #tpu.memory_space<vmem>>[vector<16xi32>], vector<16xf32>,
        %gather3A_332 = tpu.vector_load_idx %arg13[%broadcast_in_dim3A_326] : memref<5008xf32, #tpu.memory_space<vmem>>[vector<16xi32>], vector<16xf32>,
        %gather3A_333 = tpu.vector_load_idx %arg9[%broadcast_in_dim3A_327] : memref<5008xf32, #tpu.memory_space<vmem>>[vector<16xi32>], vector<16xf32>,
        %gather3A_334 = tpu.vector_load_idx %arg10[%broadcast_in_dim3A_327] : memref<5008xf32, #tpu.memory_space<vmem>>[vector<16xi32>], vector<16xf32>,
        %gather3A_335 = tpu.vector_load_idx %arg11[%broadcast_in_dim3A_327] : memref<5008xf32, #tpu.memory_space<vmem>>[vector<16xi32>], vector<16xf32>,
        %gather3A_336 = tpu.vector_load_idx %arg12[%broadcast_in_dim3A_327] : memref<5008xf32, #tpu.memory_space<vmem>>[vector<16xi32>], vector<16xf32>,
        %gather3A_337 = tpu.vector_load_idx %arg13[%broadcast_in_dim3A_327] : memref<5008xf32, #tpu.memory_space<vmem>>[vector<16xi32>], vector<16xf32>,
        %min3A_338 = arith.minimumf %gather3A_330, %gather3A_335 : vector<16xf32>
        %max3A_339 = arith.maximumf %gather3A_328, %gather3A_333 : vector<16xf32>
        %sub3A_340 = arith.subf %min3A_338, %max3A_339 : vector<16xf32>
        %max3A_341 = arith.constant 0.000000e+00 : f32
        %max3A_342 = vector.broadcast %max3A_341 : f32 to vector<16xf32>
        %max3A_343 = arith.maximumf %sub3A_340, %max3A_342 : vector<16xf32>
        %min3A_344 = arith.minimumf %gather3A_331, %gather3A_336 : vector<16xf32>
        %max3A_345 = arith.maximumf %gather3A_329, %gather3A_334 : vector<16xf32>
        %sub3A_346 = arith.subf %min3A_344, %max3A_345 : vector<16xf32>
        %max3A_347 = arith.constant 0.000000e+00 : f32
        %max3A_348 = vector.broadcast %max3A_347 : f32 to vector<16xf32>
        %max3A_349 = arith.maximumf %sub3A_346, %max3A_348 : vector<16xf32>
        %mul3A_350 = arith.mulf %max3A_343, %max3A_349 : vector<16xf32>
        %add3A_351 = arith.addf %gather3A_332, %gather3A_337 : vector<16xf32>
        %sub3A_352 = arith.subf %add3A_351, %mul3A_350 : vector<16xf32>
        %mul3A_353 = arith.constant 2.000000e+00 : f32
        %mul3A_354 = vector.broadcast %mul3A_353 : f32 to vector<16xf32>
        %mul3A_355 = arith.mulf %mul3A_354, %mul3A_350 : vector<16xf32>
        %sub3A_356 = arith.subf %mul3A_355, %sub3A_352 : vector<16xf32>
        %mul3A_357 = vector.broadcast %while3A : f32 to vector<16xf32>
        %mul3A_358 = arith.mulf %sub3A_352, %mul3A_357 : vector<16xf32>
        %gt3A_359 = arith.cmpf ogt, %sub3A_356, %mul3A_358 : vector<16xf32>
        %jit3A_360 = arith.constant 1 : i32
        %jit3A_361 = arith.constant 0 : i32
        %broadcast_in_dim3A_362 = vector.broadcast %jit3A_360 : i32 to vector<16xi32>
        %broadcast_in_dim3A_363 = vector.broadcast %jit3A_361 : i32 to vector<16xi32>
        %select_n3A_364 = arith.select %gt3A_359, %broadcast_in_dim3A_362, %broadcast_in_dim3A_363 : vector<16xi1>, vector<16xi32>
        %reduce_max3A_365 = arith.constant true
        %reduce_max3A_366 = vector.broadcast %reduce_max3A_365 : i1 to vector<16xi1>
        %reduce_max3A_367 = arith.constant -2147483648 : i32
        %reduce_max3A_368 = vector.broadcast %reduce_max3A_367 : i32 to vector<16xi32>
        %reduce_max3A_369 = arith.xori %select_n3A_364, %reduce_max3A_368 : vector<16xi32>
        %reduce_max3A_370 = tpu.scan <max>, %reduce_max3A_369 masked %reduce_max3A_366 : vector<16xi32>, vector<16xi1> -> vector<16xi32>
        %reduce_max3A_371 = arith.xori %reduce_max3A_370, %reduce_max3A_368 : vector<16xi32>
        %reduce_max3A_372 = vector.extract %reduce_max3A_371[15] : i32 from vector<16xi32>
        %gt3A_373 = arith.cmpf ogt, %reduce_max3A_312, %squeeze3A : f32
        %eq3A_374 = arith.constant 0 : i32
        %eq3A_375 = arith.cmpi eq, %reduce_max3A_372, %eq3A_374 : i32
        %and3A_376 = arith.andi %gt3A_373, %eq3A_375 : i1
        %jit3A_377 = arith.constant 1 : i32
        %jit3A_378 = arith.constant 0 : i32
        %select_n3A_379 = arith.select %and3A_376, %jit3A_377, %jit3A_378 : i32
        scf.yield %add3A_176, %reduce_max3A_279, %reduce_min3A_296, %reduce_max3A_312, %reduce_min3A_325, %select_n3A_379, %while3A_161 : i32, f32, i32, f32, i32, i32, i32
      }
      "tpu.region"() ({
        %run_scoped3A = tpu.sem_alloc : memref<!tpu.dma_semaphore, #tpu.memory_space<semaphore_mem>>
        %dma_start3A = arith.constant 0 : i32
        %dma_start3A_155 = tpu.memref_slice %arg28[%arg0, %arg1, %dma_start3A] : memref<2x16x128xf32, #tpu.memory_space<vmem_shared>> -> memref<1x1x128xf32, #tpu.memory_space<vmem_shared>>
        %dma_start3A_156 = tpu.memref_squeeze %dma_start3A_155 : memref<1x1x128xf32, #tpu.memory_space<vmem_shared>> -> memref<128xf32, #tpu.memory_space<vmem_shared>>
        %dma_start3A_157 = arith.constant 0 : i32
        %dma_start3A_158 = tpu.memref_slice %arg28[%arg0, %arg1, %dma_start3A_157] : memref<2x16x128xf32, #tpu.memory_space<vmem_shared>> -> memref<1x1x128xf32, #tpu.memory_space<vmem_shared>>
        %dma_start3A_159 = tpu.memref_squeeze %dma_start3A_158 : memref<1x1x128xf32, #tpu.memory_space<vmem_shared>> -> memref<128xf32, #tpu.memory_space<vmem_shared>>
        tpu.enqueue_dma source(%arg14 : memref<128xf32, #tpu.memory_space<vmem>>) target(%dma_start3A_159 : memref<128xf32, #tpu.memory_space<vmem_shared>>) target_semaphore(%run_scoped3A : memref<!tpu.dma_semaphore, #tpu.memory_space<semaphore_mem>>)
        %dma_wait3A = arith.constant 0 : i32
        %dma_wait3A_160 = tpu.memref_slice %arg28[%arg0, %arg1, %dma_wait3A] : memref<2x16x128xf32, #tpu.memory_space<vmem_shared>> -> memref<1x1x128xf32, #tpu.memory_space<vmem_shared>>
        %dma_wait3A_161 = tpu.memref_squeeze %dma_wait3A_160 : memref<1x1x128xf32, #tpu.memory_space<vmem_shared>> -> memref<128xf32, #tpu.memory_space<vmem_shared>>
        %dma_wait3A_162 = arith.constant 0 : i32
        %dma_wait3A_163 = tpu.memref_slice %arg28[%arg0, %arg1, %dma_wait3A_162] : memref<2x16x128xf32, #tpu.memory_space<vmem_shared>> -> memref<1x1x128xf32, #tpu.memory_space<vmem_shared>>
        %dma_wait3A_164 = tpu.memref_squeeze %dma_wait3A_163 : memref<1x1x128xf32, #tpu.memory_space<vmem_shared>> -> memref<128xf32, #tpu.memory_space<vmem_shared>>
        tpu.wait_dma2 semaphore(%run_scoped3A : memref<!tpu.dma_semaphore, #tpu.memory_space<semaphore_mem>>) src(%arg14 : memref<128xf32, #tpu.memory_space<vmem>>) dst(%dma_wait3A_164 : memref<128xf32, #tpu.memory_space<vmem_shared>>)
        tpu.yield
      }) : () -> ()
      "tpu.region"() ({
        %run_scoped3A = tpu.sem_alloc : memref<!tpu.dma_semaphore, #tpu.memory_space<semaphore_mem>>
        %dma_start3A = arith.constant 0 : i32
        %dma_start3A_155 = tpu.memref_slice %arg29[%arg0, %arg1, %dma_start3A] : memref<2x16x128xi32, #tpu.memory_space<vmem_shared>> -> memref<1x1x128xi32, #tpu.memory_space<vmem_shared>>
        %dma_start3A_156 = tpu.memref_squeeze %dma_start3A_155 : memref<1x1x128xi32, #tpu.memory_space<vmem_shared>> -> memref<128xi32, #tpu.memory_space<vmem_shared>>
        %dma_start3A_157 = arith.constant 0 : i32
        %dma_start3A_158 = tpu.memref_slice %arg29[%arg0, %arg1, %dma_start3A_157] : memref<2x16x128xi32, #tpu.memory_space<vmem_shared>> -> memref<1x1x128xi32, #tpu.memory_space<vmem_shared>>
        %dma_start3A_159 = tpu.memref_squeeze %dma_start3A_158 : memref<1x1x128xi32, #tpu.memory_space<vmem_shared>> -> memref<128xi32, #tpu.memory_space<vmem_shared>>
        tpu.enqueue_dma source(%arg15 : memref<128xi32, #tpu.memory_space<vmem>>) target(%dma_start3A_159 : memref<128xi32, #tpu.memory_space<vmem_shared>>) target_semaphore(%run_scoped3A : memref<!tpu.dma_semaphore, #tpu.memory_space<semaphore_mem>>)
        %dma_wait3A = arith.constant 0 : i32
        %dma_wait3A_160 = tpu.memref_slice %arg29[%arg0, %arg1, %dma_wait3A] : memref<2x16x128xi32, #tpu.memory_space<vmem_shared>> -> memref<1x1x128xi32, #tpu.memory_space<vmem_shared>>
        %dma_wait3A_161 = tpu.memref_squeeze %dma_wait3A_160 : memref<1x1x128xi32, #tpu.memory_space<vmem_shared>> -> memref<128xi32, #tpu.memory_space<vmem_shared>>
        %dma_wait3A_162 = arith.constant 0 : i32
        %dma_wait3A_163 = tpu.memref_slice %arg29[%arg0, %arg1, %dma_wait3A_162] : memref<2x16x128xi32, #tpu.memory_space<vmem_shared>> -> memref<1x1x128xi32, #tpu.memory_space<vmem_shared>>
        %dma_wait3A_164 = tpu.memref_squeeze %dma_wait3A_163 : memref<1x1x128xi32, #tpu.memory_space<vmem_shared>> -> memref<128xi32, #tpu.memory_space<vmem_shared>>
        tpu.wait_dma2 semaphore(%run_scoped3A : memref<!tpu.dma_semaphore, #tpu.memory_space<semaphore_mem>>) src(%arg15 : memref<128xi32, #tpu.memory_space<vmem>>) dst(%dma_wait3A_164 : memref<128xi32, #tpu.memory_space<vmem_shared>>)
        tpu.yield
      }) : () -> ()
      %gt3A_94 = arith.cmpf ogt, %while3A_93#1, %squeeze3A : f32
      %jit3A_95 = arith.constant 0 : i32
      %jit3A_96 = arith.constant 1 : i32
      %select_n3A_97 = arith.select %gt3A_94, %jit3A_95, %jit3A_96 : i32
      %broadcast_in_dim3A_98 = vector.broadcast %while3A_93#0 : i32 to vector<16xi32>
      tpu.vector_store_idx %arg16[%broadcast_in_dim3A_3], %broadcast_in_dim3A_98 masked %eq3A_2 : memref<8xi32, #tpu.memory_space<vmem>>[vector<16xi32>], vector<16xi32>, vector<16xi1>
      %broadcast_in_dim3A_99 = vector.broadcast %select_n3A_97 : i32 to vector<16xi32>
      tpu.vector_store_idx %arg16[%broadcast_in_dim3A_5], %broadcast_in_dim3A_99 masked %eq3A_2 : memref<8xi32, #tpu.memory_space<vmem>>[vector<16xi32>], vector<16xi32>, vector<16xi1>
      "tpu.region"() ({
        %run_scoped3A = tpu.sem_alloc : memref<!tpu.dma_semaphore, #tpu.memory_space<semaphore_mem>>
        %dma_start3A = arith.constant 0 : i32
        %dma_start3A_155 = tpu.memref_slice %arg30[%arg0, %arg1, %dma_start3A] : memref<2x16x8xi32, #tpu.memory_space<vmem_shared>> -> memref<1x1x8xi32, #tpu.memory_space<vmem_shared>>
        %dma_start3A_156 = tpu.memref_squeeze %dma_start3A_155 : memref<1x1x8xi32, #tpu.memory_space<vmem_shared>> -> memref<8xi32, #tpu.memory_space<vmem_shared>>
        %dma_start3A_157 = arith.constant 0 : i32
        %dma_start3A_158 = tpu.memref_slice %arg30[%arg0, %arg1, %dma_start3A_157] : memref<2x16x8xi32, #tpu.memory_space<vmem_shared>> -> memref<1x1x8xi32, #tpu.memory_space<vmem_shared>>
        %dma_start3A_159 = tpu.memref_squeeze %dma_start3A_158 : memref<1x1x8xi32, #tpu.memory_space<vmem_shared>> -> memref<8xi32, #tpu.memory_space<vmem_shared>>
        tpu.enqueue_dma source(%arg16 : memref<8xi32, #tpu.memory_space<vmem>>) target(%dma_start3A_159 : memref<8xi32, #tpu.memory_space<vmem_shared>>) target_semaphore(%run_scoped3A : memref<!tpu.dma_semaphore, #tpu.memory_space<semaphore_mem>>)
        %dma_wait3A = arith.constant 0 : i32
        %dma_wait3A_160 = tpu.memref_slice %arg30[%arg0, %arg1, %dma_wait3A] : memref<2x16x8xi32, #tpu.memory_space<vmem_shared>> -> memref<1x1x8xi32, #tpu.memory_space<vmem_shared>>
        %dma_wait3A_161 = tpu.memref_squeeze %dma_wait3A_160 : memref<1x1x8xi32, #tpu.memory_space<vmem_shared>> -> memref<8xi32, #tpu.memory_space<vmem_shared>>
        %dma_wait3A_162 = arith.constant 0 : i32
        %dma_wait3A_163 = tpu.memref_slice %arg30[%arg0, %arg1, %dma_wait3A_162] : memref<2x16x8xi32, #tpu.memory_space<vmem_shared>> -> memref<1x1x8xi32, #tpu.memory_space<vmem_shared>>
        %dma_wait3A_164 = tpu.memref_squeeze %dma_wait3A_163 : memref<1x1x8xi32, #tpu.memory_space<vmem_shared>> -> memref<8xi32, #tpu.memory_space<vmem_shared>>
        tpu.wait_dma2 semaphore(%run_scoped3A : memref<!tpu.dma_semaphore, #tpu.memory_space<semaphore_mem>>) src(%arg16 : memref<8xi32, #tpu.memory_space<vmem>>) dst(%dma_wait3A_164 : memref<8xi32, #tpu.memory_space<vmem_shared>>)
        tpu.yield
      }) : () -> ()
      %barrier3A = arith.constant 0 : index
      tpu.barrier barrier_id(%barrier3A)
      "tpu.region"() ({
        %run_scoped3A = tpu.sem_alloc : memref<!tpu.dma_semaphore, #tpu.memory_space<semaphore_mem>>
        %dma_start3A = arith.constant 0 : i32
        %dma_start3A_155 = arith.constant 0 : i32
        %dma_start3A_156 = tpu.memref_slice %arg28[%arg0, %dma_start3A, %dma_start3A_155] : memref<2x16x128xf32, #tpu.memory_space<vmem_shared>> -> memref<1x16x128xf32, #tpu.memory_space<vmem_shared>>
        %dma_start3A_157 = tpu.memref_squeeze %dma_start3A_156 : memref<1x16x128xf32, #tpu.memory_space<vmem_shared>> -> memref<16x128xf32, #tpu.memory_space<vmem_shared>>
        %dma_start3A_158 = arith.constant 0 : i32
        %dma_start3A_159 = arith.constant 0 : i32
        %dma_start3A_160 = tpu.memref_slice %arg28[%arg0, %dma_start3A_158, %dma_start3A_159] : memref<2x16x128xf32, #tpu.memory_space<vmem_shared>> -> memref<1x16x128xf32, #tpu.memory_space<vmem_shared>>
        %dma_start3A_161 = tpu.memref_squeeze %dma_start3A_160 : memref<1x16x128xf32, #tpu.memory_space<vmem_shared>> -> memref<16x128xf32, #tpu.memory_space<vmem_shared>>
        tpu.enqueue_dma source(%dma_start3A_161 : memref<16x128xf32, #tpu.memory_space<vmem_shared>>) target(%arg17 : memref<16x128xf32, #tpu.memory_space<vmem>>) target_semaphore(%run_scoped3A : memref<!tpu.dma_semaphore, #tpu.memory_space<semaphore_mem>>)
        %dma_wait3A = arith.constant 0 : i32
        %dma_wait3A_162 = arith.constant 0 : i32
        %dma_wait3A_163 = tpu.memref_slice %arg28[%arg0, %dma_wait3A, %dma_wait3A_162] : memref<2x16x128xf32, #tpu.memory_space<vmem_shared>> -> memref<1x16x128xf32, #tpu.memory_space<vmem_shared>>
        %dma_wait3A_164 = tpu.memref_squeeze %dma_wait3A_163 : memref<1x16x128xf32, #tpu.memory_space<vmem_shared>> -> memref<16x128xf32, #tpu.memory_space<vmem_shared>>
        %dma_wait3A_165 = arith.constant 0 : i32
        %dma_wait3A_166 = arith.constant 0 : i32
        %dma_wait3A_167 = tpu.memref_slice %arg28[%arg0, %dma_wait3A_165, %dma_wait3A_166] : memref<2x16x128xf32, #tpu.memory_space<vmem_shared>> -> memref<1x16x128xf32, #tpu.memory_space<vmem_shared>>
        %dma_wait3A_168 = tpu.memref_squeeze %dma_wait3A_167 : memref<1x16x128xf32, #tpu.memory_space<vmem_shared>> -> memref<16x128xf32, #tpu.memory_space<vmem_shared>>
        tpu.wait_dma2 semaphore(%run_scoped3A : memref<!tpu.dma_semaphore, #tpu.memory_space<semaphore_mem>>) src(%dma_wait3A_168 : memref<16x128xf32, #tpu.memory_space<vmem_shared>>) dst(%arg17 : memref<16x128xf32, #tpu.memory_space<vmem>>)
        tpu.yield
      }) : () -> ()
      "tpu.region"() ({
        %run_scoped3A = tpu.sem_alloc : memref<!tpu.dma_semaphore, #tpu.memory_space<semaphore_mem>>
        %dma_start3A = arith.constant 0 : i32
        %dma_start3A_155 = arith.constant 0 : i32
        %dma_start3A_156 = tpu.memref_slice %arg30[%arg0, %dma_start3A, %dma_start3A_155] : memref<2x16x8xi32, #tpu.memory_space<vmem_shared>> -> memref<1x16x8xi32, #tpu.memory_space<vmem_shared>>
        %dma_start3A_157 = tpu.memref_squeeze %dma_start3A_156 : memref<1x16x8xi32, #tpu.memory_space<vmem_shared>> -> memref<16x8xi32, #tpu.memory_space<vmem_shared>>
        %dma_start3A_158 = arith.constant 0 : i32
        %dma_start3A_159 = arith.constant 0 : i32
        %dma_start3A_160 = tpu.memref_slice %arg30[%arg0, %dma_start3A_158, %dma_start3A_159] : memref<2x16x8xi32, #tpu.memory_space<vmem_shared>> -> memref<1x16x8xi32, #tpu.memory_space<vmem_shared>>
        %dma_start3A_161 = tpu.memref_squeeze %dma_start3A_160 : memref<1x16x8xi32, #tpu.memory_space<vmem_shared>> -> memref<16x8xi32, #tpu.memory_space<vmem_shared>>
        tpu.enqueue_dma source(%dma_start3A_161 : memref<16x8xi32, #tpu.memory_space<vmem_shared>>) target(%arg19 : memref<16x8xi32, #tpu.memory_space<vmem>>) target_semaphore(%run_scoped3A : memref<!tpu.dma_semaphore, #tpu.memory_space<semaphore_mem>>)
        %dma_wait3A = arith.constant 0 : i32
        %dma_wait3A_162 = arith.constant 0 : i32
        %dma_wait3A_163 = tpu.memref_slice %arg30[%arg0, %dma_wait3A, %dma_wait3A_162] : memref<2x16x8xi32, #tpu.memory_space<vmem_shared>> -> memref<1x16x8xi32, #tpu.memory_space<vmem_shared>>
        %dma_wait3A_164 = tpu.memref_squeeze %dma_wait3A_163 : memref<1x16x8xi32, #tpu.memory_space<vmem_shared>> -> memref<16x8xi32, #tpu.memory_space<vmem_shared>>
        %dma_wait3A_165 = arith.constant 0 : i32
        %dma_wait3A_166 = arith.constant 0 : i32
        %dma_wait3A_167 = tpu.memref_slice %arg30[%arg0, %dma_wait3A_165, %dma_wait3A_166] : memref<2x16x8xi32, #tpu.memory_space<vmem_shared>> -> memref<1x16x8xi32, #tpu.memory_space<vmem_shared>>
        %dma_wait3A_168 = tpu.memref_squeeze %dma_wait3A_167 : memref<1x16x8xi32, #tpu.memory_space<vmem_shared>> -> memref<16x8xi32, #tpu.memory_space<vmem_shared>>
        tpu.wait_dma2 semaphore(%run_scoped3A : memref<!tpu.dma_semaphore, #tpu.memory_space<semaphore_mem>>) src(%dma_wait3A_168 : memref<16x8xi32, #tpu.memory_space<vmem_shared>>) dst(%arg19 : memref<16x8xi32, #tpu.memory_space<vmem>>)
        tpu.yield
      }) : () -> ()
      %barrier3A_100 = arith.constant 0 : index
      tpu.barrier barrier_id(%barrier3A_100)
      %gather3A = tpu.vector_load_idx %arg19[%iota3A, %broadcast_in_dim3A_3] : memref<16x8xi32, #tpu.memory_space<vmem>>[vector<16xi32>, vector<16xi32>], vector<16xi32>,
      %gather3A_101 = tpu.vector_load_idx %arg19[%iota3A, %broadcast_in_dim3A_5] : memref<16x8xi32, #tpu.memory_space<vmem>>[vector<16xi32>, vector<16xi32>], vector<16xi32>,
      %scan3A_102 = arith.constant 0 : i32
      %scan3A_103 = arith.constant 100 : i32
      %scan3A_104 = arith.addi %scan3A_102, %scan3A_103 : i32
      %scan3A_105 = arith.constant 1 : i32
      %scan3A_106 = scf.for %scan3A_155 = %scan3A_102 to %scan3A_104 step %scan3A_105 iter_args(%scan3A_156 = %broadcast_in_dim3A_3) -> (vector<16xi32>)  : i32 {
        %gather3A_157 = tpu.vector_load_idx %arg17[%iota3A, %scan3A_156] : memref<16x128xf32, #tpu.memory_space<vmem>>[vector<16xi32>, vector<16xi32>], vector<16xf32>,
        %reduce_max3A_158 = arith.constant true
        %reduce_max3A_159 = vector.broadcast %reduce_max3A_158 : i1 to vector<16xi1>
        %reduce_max3A_160 = tpu.scan <max>, %gather3A_157 masked %reduce_max3A_159 : vector<16xf32>, vector<16xi1> -> vector<16xf32>
        %reduce_max3A_161 = vector.extract %reduce_max3A_160[15] : f32 from vector<16xf32>
        %gt3A_162 = arith.cmpf ogt, %reduce_max3A_161, %squeeze3A : f32
        %eq3A_163 = vector.broadcast %reduce_max3A_161 : f32 to vector<16xf32>
        %eq3A_164 = arith.cmpf oeq, %gather3A_157, %eq3A_163 : vector<16xf32>
        %jit3A_165 = arith.constant 2147483647 : i32
        %broadcast_in_dim3A_166 = vector.broadcast %jit3A_165 : i32 to vector<16xi32>
        %select_n3A_167 = arith.select %eq3A_164, %iota3A, %broadcast_in_dim3A_166 : vector<16xi1>, vector<16xi32>
        %reduce_min3A_168 = arith.constant true
        %reduce_min3A_169 = vector.broadcast %reduce_min3A_168 : i1 to vector<16xi1>
        %reduce_min3A_170 = arith.constant -2147483648 : i32
        %reduce_min3A_171 = vector.broadcast %reduce_min3A_170 : i32 to vector<16xi32>
        %reduce_min3A_172 = arith.xori %select_n3A_167, %reduce_min3A_171 : vector<16xi32>
        %reduce_min3A_173 = tpu.scan <min>, %reduce_min3A_172 masked %reduce_min3A_169 : vector<16xi32>, vector<16xi1> -> vector<16xi32>
        %reduce_min3A_174 = arith.xori %reduce_min3A_173, %reduce_min3A_171 : vector<16xi32>
        %reduce_min3A_175 = vector.extract %reduce_min3A_174[15] : i32 from vector<16xi32>
        %min3A_176 = arith.constant 15 : i32
        %min3A_177 = arith.minsi %reduce_min3A_175, %min3A_176 : i32
        %eq3A_178 = vector.broadcast %min3A_177 : i32 to vector<16xi32>
        %eq3A_179 = arith.cmpi eq, %iota3A, %eq3A_178 : vector<16xi32>
        %and3A_180 = vector.broadcast %gt3A_162 : i1 to vector<16xi1>
        %and3A_181 = arith.andi %eq3A_179, %and3A_180 : vector<16xi1>
        %add3A_182 = arith.constant 1 : i32
        %add3A_183 = vector.broadcast %add3A_182 : i32 to vector<16xi32>
        %add3A_184 = arith.addi %scan3A_156, %add3A_183 : vector<16xi32>
        %select_n3A_185 = arith.select %and3A_181, %add3A_184, %scan3A_156 : vector<16xi1>, vector<16xi32>
        scf.yield %select_n3A_185 : vector<16xi32>
      }
      %scan3A_107 = arith.constant 100 : i32
      %eq3A_108 = arith.cmpi eq, %scan3A_106, %gather3A : vector<16xi32>
      %eq3A_109 = arith.constant 0 : i32
      %eq3A_110 = vector.broadcast %eq3A_109 : i32 to vector<16xi32>
      %eq3A_111 = arith.cmpi eq, %gather3A_101, %eq3A_110 : vector<16xi32>
      %and3A_112 = arith.andi %eq3A_108, %eq3A_111 : vector<16xi1>
      %lt3A_113 = arith.constant 100 : i32
      %lt3A_114 = vector.broadcast %lt3A_113 : i32 to vector<16xi32>
      %lt3A_115 = arith.cmpi slt, %gather3A, %lt3A_114 : vector<16xi32>
      %and3A_116 = arith.andi %and3A_112, %lt3A_115 : vector<16xi1>
      %reduce_or3A = arith.constant 1.000000e+00 : f32
      %reduce_or3A_117 = arith.constant 0.000000e+00 : f32
      %reduce_or3A_118 = vector.broadcast %reduce_or3A : f32 to vector<16xf32>
      %reduce_or3A_119 = vector.broadcast %reduce_or3A_117 : f32 to vector<16xf32>
      %reduce_or3A_120 = arith.select %and3A_116, %reduce_or3A_118, %reduce_or3A_119 : vector<16xi1>, vector<16xf32>
      %reduce_or3A_121 = arith.constant true
      %reduce_or3A_122 = vector.broadcast %reduce_or3A_121 : i1 to vector<16xi1>
      %reduce_or3A_123 = tpu.scan <max>, %reduce_or3A_120 masked %reduce_or3A_122 : vector<16xf32>, vector<16xi1> -> vector<16xf32>
      %reduce_or3A_124 = vector.extract %reduce_or3A_123[15] : f32 from vector<16xf32>
      %reduce_or3A_125 = arith.constant 0.000000e+00 : f32
      %reduce_or3A_126 = arith.cmpf ogt, %reduce_or3A_124, %reduce_or3A_125 : f32
      %jit3A_127 = arith.constant 0 : i32
      %jit3A_128 = arith.constant 1 : i32
      %select_n3A_129 = arith.select %reduce_or3A_126, %jit3A_127, %jit3A_128 : i32
      %eq3A_130 = vector.broadcast %arg1 : i32 to vector<16xi32>
      %eq3A_131 = arith.cmpi eq, %iota3A, %eq3A_130 : vector<16xi32>
      %and3A_132 = arith.andi %eq3A_131, %and3A_116 : vector<16xi1>
      %jit3A_133 = arith.constant 1 : i32
      %jit3A_134 = arith.constant 0 : i32
      %broadcast_in_dim3A_135 = vector.broadcast %jit3A_133 : i32 to vector<16xi32>
      %broadcast_in_dim3A_136 = vector.broadcast %jit3A_134 : i32 to vector<16xi32>
      %select_n3A_137 = arith.select %and3A_132, %broadcast_in_dim3A_135, %broadcast_in_dim3A_136 : vector<16xi1>, vector<16xi32>
      %reduce_max3A_138 = arith.constant true
      %reduce_max3A_139 = vector.broadcast %reduce_max3A_138 : i1 to vector<16xi1>
      %reduce_max3A_140 = arith.constant -2147483648 : i32
      %reduce_max3A_141 = vector.broadcast %reduce_max3A_140 : i32 to vector<16xi32>
      %reduce_max3A_142 = arith.xori %select_n3A_137, %reduce_max3A_141 : vector<16xi32>
      %reduce_max3A_143 = tpu.scan <max>, %reduce_max3A_142 masked %reduce_max3A_139 : vector<16xi32>, vector<16xi1> -> vector<16xi32>
      %reduce_max3A_144 = arith.xori %reduce_max3A_143, %reduce_max3A_141 : vector<16xi32>
      %reduce_max3A_145 = vector.extract %reduce_max3A_144[15] : i32 from vector<16xi32>
      %gt3A_146 = arith.constant 0 : i32
      %gt3A_147 = arith.cmpi sgt, %reduce_max3A_145, %gt3A_146 : i32
      %add3A_148 = arith.constant 24 : i32
      %add3A_149 = arith.addi %while3A_93#0, %add3A_148 : i32
      %min3A = arith.constant 100 : i32
      %min3A_150 = arith.minsi %add3A_149, %min3A : i32
      %jit3A_151 = arith.constant 0 : i32
      %select_n3A_152 = arith.select %gt3A_147, %min3A_150, %jit3A_151 : i32
      %add3A_153 = arith.constant 1 : i32
      %add3A_154 = arith.addi %while3A_92, %add3A_153 : i32
      scf.yield %while3A_93#0, %while3A_93#1, %while3A_93#2, %while3A_93#3, %while3A_93#4, %while3A_93#5, %select_n3A_152, %select_n3A_129, %add3A_154 : i32, f32, i32, f32, i32, i32, i32, i32, i32
    }
    %eq3A_78 = arith.constant 0 : i32
    %eq3A_79 = arith.cmpi eq, %arg1, %eq3A_78 : i32
    %and3A_80 = arith.andi %eq3A_79, %lt3A_6 : i1
    %convert_element_type3A_81 = arith.extui %and3A_80 : i1 to i32
    %cond3A_82 = arith.constant 0 : i32
    %cond3A_83 = arith.cmpi ne, %convert_element_type3A_81, %cond3A_82 : i32
    scf.if %cond3A_83 {
      "tpu.region"() ({
        %run_scoped3A = tpu.sem_alloc : memref<!tpu.dma_semaphore, #tpu.memory_space<semaphore_mem>>
        %dma_start3A = arith.constant 0 : i32
        %dma_start3A_118 = arith.constant 0 : i32
        %dma_start3A_119 = tpu.memref_slice %arg29[%arg0, %dma_start3A, %dma_start3A_118] : memref<2x16x128xi32, #tpu.memory_space<vmem_shared>> -> memref<1x16x128xi32, #tpu.memory_space<vmem_shared>>
        %dma_start3A_120 = tpu.memref_squeeze %dma_start3A_119 : memref<1x16x128xi32, #tpu.memory_space<vmem_shared>> -> memref<16x128xi32, #tpu.memory_space<vmem_shared>>
        %dma_start3A_121 = arith.constant 0 : i32
        %dma_start3A_122 = arith.constant 0 : i32
        %dma_start3A_123 = tpu.memref_slice %arg29[%arg0, %dma_start3A_121, %dma_start3A_122] : memref<2x16x128xi32, #tpu.memory_space<vmem_shared>> -> memref<1x16x128xi32, #tpu.memory_space<vmem_shared>>
        %dma_start3A_124 = tpu.memref_squeeze %dma_start3A_123 : memref<1x16x128xi32, #tpu.memory_space<vmem_shared>> -> memref<16x128xi32, #tpu.memory_space<vmem_shared>>
        tpu.enqueue_dma source(%dma_start3A_124 : memref<16x128xi32, #tpu.memory_space<vmem_shared>>) target(%arg18 : memref<16x128xi32, #tpu.memory_space<vmem>>) target_semaphore(%run_scoped3A : memref<!tpu.dma_semaphore, #tpu.memory_space<semaphore_mem>>)
        %dma_wait3A = arith.constant 0 : i32
        %dma_wait3A_125 = arith.constant 0 : i32
        %dma_wait3A_126 = tpu.memref_slice %arg29[%arg0, %dma_wait3A, %dma_wait3A_125] : memref<2x16x128xi32, #tpu.memory_space<vmem_shared>> -> memref<1x16x128xi32, #tpu.memory_space<vmem_shared>>
        %dma_wait3A_127 = tpu.memref_squeeze %dma_wait3A_126 : memref<1x16x128xi32, #tpu.memory_space<vmem_shared>> -> memref<16x128xi32, #tpu.memory_space<vmem_shared>>
        %dma_wait3A_128 = arith.constant 0 : i32
        %dma_wait3A_129 = arith.constant 0 : i32
        %dma_wait3A_130 = tpu.memref_slice %arg29[%arg0, %dma_wait3A_128, %dma_wait3A_129] : memref<2x16x128xi32, #tpu.memory_space<vmem_shared>> -> memref<1x16x128xi32, #tpu.memory_space<vmem_shared>>
        %dma_wait3A_131 = tpu.memref_squeeze %dma_wait3A_130 : memref<1x16x128xi32, #tpu.memory_space<vmem_shared>> -> memref<16x128xi32, #tpu.memory_space<vmem_shared>>
        tpu.wait_dma2 semaphore(%run_scoped3A : memref<!tpu.dma_semaphore, #tpu.memory_space<semaphore_mem>>) src(%dma_wait3A_131 : memref<16x128xi32, #tpu.memory_space<vmem_shared>>) dst(%arg18 : memref<16x128xi32, #tpu.memory_space<vmem>>)
        tpu.yield
      }) : () -> ()
      %scan3A_84 = arith.constant 0 : i32
      %scan3A_85 = arith.constant 0 : i32
      %scan3A_86 = arith.constant 32 : i32
      %scan3A_87 = arith.addi %scan3A_85, %scan3A_86 : i32
      %scan3A_88 = arith.constant 1 : i32
      %scan3A_89 = scf.for %scan3A_118 = %scan3A_85 to %scan3A_87 step %scan3A_88 iter_args(%scan3A_119 = %scan3A_84) -> (i32)  : i32 {
        %broadcast_in_dim3A_120 = arith.constant 0.000000e+00 : f32
        %broadcast_in_dim3A_121 = vector.broadcast %broadcast_in_dim3A_120 : f32 to vector<16xf32>
        %mul3A_122 = arith.constant 16 : i32
        %mul3A_123 = arith.muli %scan3A_118, %mul3A_122 : i32
        %swap3A_124 = arith.index_cast %mul3A_123 : i32 to index
        %swap3A_125 = tpu.vector_load %arg25[%swap3A_124] {strides = array<i32>} : memref<512xf32, #tpu.memory_space<vmem>>, vector<16xf32>,
        tpu.vector_store %arg25[%swap3A_124], %broadcast_in_dim3A_121 {strides = array<i32>} : memref<512xf32, #tpu.memory_space<vmem>>, vector<16xf32>,
        %scan3A_126 = arith.constant 0 : i32
        scf.yield %scan3A_126 : i32
      }
      %scan3A_90 = arith.constant 32 : i32
      %scan3A_91 = arith.constant 0 : i32
      %scan3A_92 = arith.constant 0 : i32
      %scan3A_93 = arith.constant 8 : i32
      %scan3A_94 = arith.addi %scan3A_92, %scan3A_93 : i32
      %scan3A_95 = arith.constant 1 : i32
      %scan3A_96 = scf.for %scan3A_118 = %scan3A_92 to %scan3A_94 step %scan3A_95 iter_args(%scan3A_119 = %scan3A_91) -> (i32)  : i32 {
        %mul3A_120 = arith.constant 16 : i32
        %mul3A_121 = arith.muli %scan3A_118, %mul3A_120 : i32
        %broadcast_in_dim3A_122 = arith.constant 0.000000e+00 : f32
        %broadcast_in_dim3A_123 = vector.broadcast %broadcast_in_dim3A_122 : f32 to vector<16xf32>
        %swap3A_124 = arith.index_cast %mul3A_121 : i32 to index
        %swap3A_125 = tpu.vector_load %arg26[%swap3A_124] {strides = array<i32>} : memref<128xf32, #tpu.memory_space<vmem>>, vector<16xf32>,
        tpu.vector_store %arg26[%swap3A_124], %broadcast_in_dim3A_123 {strides = array<i32>} : memref<128xf32, #tpu.memory_space<vmem>>, vector<16xf32>,
        %broadcast_in_dim3A_126 = arith.constant 0 : i32
        %broadcast_in_dim3A_127 = vector.broadcast %broadcast_in_dim3A_126 : i32 to vector<16xi32>
        %swap3A_128 = arith.index_cast %mul3A_121 : i32 to index
        %swap3A_129 = tpu.vector_load %arg27[%swap3A_128] {strides = array<i32>} : memref<128xi32, #tpu.memory_space<vmem>>, vector<16xi32>,
        tpu.vector_store %arg27[%swap3A_128], %broadcast_in_dim3A_127 {strides = array<i32>} : memref<128xi32, #tpu.memory_space<vmem>>, vector<16xi32>,
        %broadcast_in_dim3A_130 = arith.constant 0 : i32
        %broadcast_in_dim3A_131 = vector.broadcast %broadcast_in_dim3A_130 : i32 to vector<16xi32>
        %swap3A_132 = arith.index_cast %mul3A_121 : i32 to index
        %swap3A_133 = tpu.vector_load %arg23[%swap3A_132] {strides = array<i32>} : memref<128xi32, #tpu.memory_space<vmem>>, vector<16xi32>,
        tpu.vector_store %arg23[%swap3A_132], %broadcast_in_dim3A_131 {strides = array<i32>} : memref<128xi32, #tpu.memory_space<vmem>>, vector<16xi32>,
        %broadcast_in_dim3A_134 = arith.constant 0 : i32
        %broadcast_in_dim3A_135 = vector.broadcast %broadcast_in_dim3A_134 : i32 to vector<16xi32>
        %swap3A_136 = arith.index_cast %mul3A_121 : i32 to index
        %swap3A_137 = tpu.vector_load %arg22[%swap3A_136] {strides = array<i32>} : memref<128xi32, #tpu.memory_space<vmem>>, vector<16xi32>,
        tpu.vector_store %arg22[%swap3A_136], %broadcast_in_dim3A_135 {strides = array<i32>} : memref<128xi32, #tpu.memory_space<vmem>>, vector<16xi32>,
        %scan3A_138 = arith.constant 0 : i32
        scf.yield %scan3A_138 : i32
      }
      %scan3A_97 = arith.constant 8 : i32
      %scan3A_98 = arith.constant 0 : i32
      %scan3A_99 = arith.constant 100 : i32
      %scan3A_100 = arith.addi %scan3A_98, %scan3A_99 : i32
      %scan3A_101 = arith.constant 1 : i32
      %scan3A_102 = scf.for %scan3A_118 = %scan3A_98 to %scan3A_100 step %scan3A_101 iter_args(%scan3A_119 = %broadcast_in_dim3A_3) -> (vector<16xi32>)  : i32 {
        %gather3A = tpu.vector_load_idx %arg17[%iota3A, %scan3A_119] : memref<16x128xf32, #tpu.memory_space<vmem>>[vector<16xi32>, vector<16xi32>], vector<16xf32>,
        %reduce_max3A_120 = arith.constant true
        %reduce_max3A_121 = vector.broadcast %reduce_max3A_120 : i1 to vector<16xi1>
        %reduce_max3A_122 = tpu.scan <max>, %gather3A masked %reduce_max3A_121 : vector<16xf32>, vector<16xi1> -> vector<16xf32>
        %reduce_max3A_123 = vector.extract %reduce_max3A_122[15] : f32 from vector<16xf32>
        %gt3A_124 = arith.cmpf ogt, %reduce_max3A_123, %squeeze3A : f32
        %eq3A_125 = vector.broadcast %reduce_max3A_123 : f32 to vector<16xf32>
        %eq3A_126 = arith.cmpf oeq, %gather3A, %eq3A_125 : vector<16xf32>
        %jit3A_127 = arith.constant 2147483647 : i32
        %broadcast_in_dim3A_128 = vector.broadcast %jit3A_127 : i32 to vector<16xi32>
        %select_n3A_129 = arith.select %eq3A_126, %iota3A, %broadcast_in_dim3A_128 : vector<16xi1>, vector<16xi32>
        %reduce_min3A_130 = arith.constant true
        %reduce_min3A_131 = vector.broadcast %reduce_min3A_130 : i1 to vector<16xi1>
        %reduce_min3A_132 = arith.constant -2147483648 : i32
        %reduce_min3A_133 = vector.broadcast %reduce_min3A_132 : i32 to vector<16xi32>
        %reduce_min3A_134 = arith.xori %select_n3A_129, %reduce_min3A_133 : vector<16xi32>
        %reduce_min3A_135 = tpu.scan <min>, %reduce_min3A_134 masked %reduce_min3A_131 : vector<16xi32>, vector<16xi1> -> vector<16xi32>
        %reduce_min3A_136 = arith.xori %reduce_min3A_135, %reduce_min3A_133 : vector<16xi32>
        %reduce_min3A_137 = vector.extract %reduce_min3A_136[15] : i32 from vector<16xi32>
        %min3A = arith.constant 15 : i32
        %min3A_138 = arith.minsi %reduce_min3A_137, %min3A : i32
        %eq3A_139 = vector.broadcast %min3A_138 : i32 to vector<16xi32>
        %eq3A_140 = arith.cmpi eq, %iota3A, %eq3A_139 : vector<16xi32>
        %jit3A_141 = arith.constant 0 : i32
        %broadcast_in_dim3A_142 = vector.broadcast %jit3A_141 : i32 to vector<16xi32>
        %select_n3A_143 = arith.select %eq3A_140, %scan3A_119, %broadcast_in_dim3A_142 : vector<16xi1>, vector<16xi32>
        %reduce_max3A_144 = arith.constant true
        %reduce_max3A_145 = vector.broadcast %reduce_max3A_144 : i1 to vector<16xi1>
        %reduce_max3A_146 = arith.constant -2147483648 : i32
        %reduce_max3A_147 = vector.broadcast %reduce_max3A_146 : i32 to vector<16xi32>
        %reduce_max3A_148 = arith.xori %select_n3A_143, %reduce_max3A_147 : vector<16xi32>
        %reduce_max3A_149 = tpu.scan <max>, %reduce_max3A_148 masked %reduce_max3A_145 : vector<16xi32>, vector<16xi1> -> vector<16xi32>
        %reduce_max3A_150 = arith.xori %reduce_max3A_149, %reduce_max3A_147 : vector<16xi32>
        %reduce_max3A_151 = vector.extract %reduce_max3A_150[15] : i32 from vector<16xi32>
        %broadcast_in_dim3A_152 = vector.broadcast %min3A_138 : i32 to vector<16xi32>
        %broadcast_in_dim3A_153 = vector.broadcast %reduce_max3A_151 : i32 to vector<16xi32>
        %gather3A_154 = tpu.vector_load_idx %arg18[%broadcast_in_dim3A_152, %broadcast_in_dim3A_153] : memref<16x128xi32, #tpu.memory_space<vmem>>[vector<16xi32>, vector<16xi32>], vector<16xi32>,
        %reduce_max3A_155 = arith.constant true
        %reduce_max3A_156 = vector.broadcast %reduce_max3A_155 : i1 to vector<16xi1>
        %reduce_max3A_157 = arith.constant -2147483648 : i32
        %reduce_max3A_158 = vector.broadcast %reduce_max3A_157 : i32 to vector<16xi32>
        %reduce_max3A_159 = arith.xori %gather3A_154, %reduce_max3A_158 : vector<16xi32>
        %reduce_max3A_160 = tpu.scan <max>, %reduce_max3A_159 masked %reduce_max3A_156 : vector<16xi32>, vector<16xi1> -> vector<16xi32>
        %reduce_max3A_161 = arith.xori %reduce_max3A_160, %reduce_max3A_158 : vector<16xi32>
        %reduce_max3A_162 = vector.extract %reduce_max3A_161[15] : i32 from vector<16xi32>
        %broadcast_in_dim3A_163 = vector.broadcast %scan3A_118 : i32 to vector<16xi32>
        %broadcast_in_dim3A_164 = vector.broadcast %reduce_max3A_123 : f32 to vector<16xf32>
        tpu.vector_store_idx %arg20[%broadcast_in_dim3A_163], %broadcast_in_dim3A_164 masked %eq3A_2 : memref<128xf32, #tpu.memory_space<vmem>>[vector<16xi32>], vector<16xf32>, vector<16xi1>
        tpu.vector_store_idx %arg21[%broadcast_in_dim3A_163], %broadcast_in_dim3A_152 masked %eq3A_2 : memref<128xi32, #tpu.memory_space<vmem>>[vector<16xi32>], vector<16xi32>, vector<16xi1>
        %broadcast_in_dim3A_165 = vector.broadcast %reduce_max3A_162 : i32 to vector<16xi32>
        tpu.vector_store_idx %arg22[%broadcast_in_dim3A_163], %broadcast_in_dim3A_165 masked %eq3A_2 : memref<128xi32, #tpu.memory_space<vmem>>[vector<16xi32>], vector<16xi32>, vector<16xi1>
        %jit3A_166 = arith.constant 1 : i32
        %jit3A_167 = arith.constant 0 : i32
        %select_n3A_168 = arith.select %gt3A_124, %jit3A_166, %jit3A_167 : i32
        %broadcast_in_dim3A_169 = vector.broadcast %select_n3A_168 : i32 to vector<16xi32>
        tpu.vector_store_idx %arg23[%broadcast_in_dim3A_163], %broadcast_in_dim3A_169 masked %eq3A_2 : memref<128xi32, #tpu.memory_space<vmem>>[vector<16xi32>], vector<16xi32>, vector<16xi1>
        %eq3A_170 = vector.broadcast %min3A_138 : i32 to vector<16xi32>
        %eq3A_171 = arith.cmpi eq, %iota3A, %eq3A_170 : vector<16xi32>
        %and3A_172 = vector.broadcast %gt3A_124 : i1 to vector<16xi1>
        %and3A_173 = arith.andi %eq3A_171, %and3A_172 : vector<16xi1>
        %add3A_174 = arith.constant 1 : i32
        %add3A_175 = vector.broadcast %add3A_174 : i32 to vector<16xi32>
        %add3A_176 = arith.addi %scan3A_119, %add3A_175 : vector<16xi32>
        %select_n3A_177 = arith.select %and3A_173, %add3A_176, %scan3A_119 : vector<16xi1>, vector<16xi32>
        scf.yield %select_n3A_177 : vector<16xi32>
      }
      %scan3A_103 = arith.constant 100 : i32
      %scan3A_104 = arith.constant 0 : i32
      %scan3A_105 = arith.constant 0 : i32
      %scan3A_106 = arith.constant 100 : i32
      %scan3A_107 = arith.addi %scan3A_105, %scan3A_106 : i32
      %scan3A_108 = arith.constant 1 : i32
      %scan3A_109 = scf.for %scan3A_118 = %scan3A_105 to %scan3A_107 step %scan3A_108 iter_args(%scan3A_119 = %scan3A_104) -> (i32)  : i32 {
        %broadcast_in_dim3A_120 = vector.broadcast %scan3A_118 : i32 to vector<16xi32>
        %gather3A = tpu.vector_load_idx %arg22[%broadcast_in_dim3A_120] : memref<128xi32, #tpu.memory_space<vmem>>[vector<16xi32>], vector<16xi32>,
        %reduce_max3A_121 = arith.constant true
        %reduce_max3A_122 = vector.broadcast %reduce_max3A_121 : i1 to vector<16xi1>
        %reduce_max3A_123 = arith.constant -2147483648 : i32
        %reduce_max3A_124 = vector.broadcast %reduce_max3A_123 : i32 to vector<16xi32>
        %reduce_max3A_125 = arith.xori %gather3A, %reduce_max3A_124 : vector<16xi32>
        %reduce_max3A_126 = tpu.scan <max>, %reduce_max3A_125 masked %reduce_max3A_122 : vector<16xi32>, vector<16xi1> -> vector<16xi32>
        %reduce_max3A_127 = arith.xori %reduce_max3A_126, %reduce_max3A_124 : vector<16xi32>
        %reduce_max3A_128 = vector.extract %reduce_max3A_127[15] : i32 from vector<16xi32>
        %gather3A_129 = tpu.vector_load_idx %arg23[%broadcast_in_dim3A_120] : memref<128xi32, #tpu.memory_space<vmem>>[vector<16xi32>], vector<16xi32>,
        %reduce_max3A_130 = arith.constant true
        %reduce_max3A_131 = vector.broadcast %reduce_max3A_130 : i1 to vector<16xi1>
        %reduce_max3A_132 = arith.constant -2147483648 : i32
        %reduce_max3A_133 = vector.broadcast %reduce_max3A_132 : i32 to vector<16xi32>
        %reduce_max3A_134 = arith.xori %gather3A_129, %reduce_max3A_133 : vector<16xi32>
        %reduce_max3A_135 = tpu.scan <max>, %reduce_max3A_134 masked %reduce_max3A_131 : vector<16xi32>, vector<16xi1> -> vector<16xi32>
        %reduce_max3A_136 = arith.xori %reduce_max3A_135, %reduce_max3A_133 : vector<16xi32>
        %reduce_max3A_137 = vector.extract %reduce_max3A_136[15] : i32 from vector<16xi32>
        %broadcast_in_dim3A_138 = vector.broadcast %reduce_max3A_128 : i32 to vector<16xi32>
        %scan3A_139 = arith.constant false
        %scan3A_140 = arith.constant 0 : i32
        %scan3A_141 = arith.constant 8 : i32
        %scan3A_142 = arith.addi %scan3A_140, %scan3A_141 : i32
        %scan3A_143 = arith.constant 1 : i32
        %scan3A_144 = scf.for %scan3A_156 = %scan3A_140 to %scan3A_142 step %scan3A_143 iter_args(%scan3A_157 = %scan3A_139) -> (i1)  : i32 {
          %mul3A_158 = arith.constant 16 : i32
          %mul3A_159 = arith.muli %scan3A_156, %mul3A_158 : i32
          %mul3A_160 = arith.constant 16 : i32
          %mul3A_161 = arith.muli %scan3A_156, %mul3A_160 : i32
          %add3A_162 = vector.broadcast %mul3A_161 : i32 to vector<16xi32>
          %add3A_163 = arith.addi %add3A_162, %iota3A : vector<16xi32>
          %get3A_164 = arith.index_cast %mul3A_159 : i32 to index
          %get3A_165 = tpu.vector_load %arg22[%get3A_164] {strides = array<i32>} : memref<128xi32, #tpu.memory_space<vmem>>, vector<16xi32>,
          %eq3A_166 = arith.cmpi eq, %get3A_165, %broadcast_in_dim3A_138 : vector<16xi32>
          %get3A_167 = arith.index_cast %mul3A_159 : i32 to index
          %get3A_168 = tpu.vector_load %arg23[%get3A_167] {strides = array<i32>} : memref<128xi32, #tpu.memory_space<vmem>>, vector<16xi32>,
          %gt3A_169 = arith.constant 0 : i32
          %gt3A_170 = vector.broadcast %gt3A_169 : i32 to vector<16xi32>
          %gt3A_171 = arith.cmpi sgt, %get3A_168, %gt3A_170 : vector<16xi32>
          %and3A_172 = arith.andi %eq3A_166, %gt3A_171 : vector<16xi1>
          %lt3A_173 = vector.broadcast %scan3A_118 : i32 to vector<16xi32>
          %lt3A_174 = arith.cmpi slt, %add3A_163, %lt3A_173 : vector<16xi32>
          %and3A_175 = arith.andi %and3A_172, %lt3A_174 : vector<16xi1>
          %reduce_or3A = arith.constant 1.000000e+00 : f32
          %reduce_or3A_176 = arith.constant 0.000000e+00 : f32
          %reduce_or3A_177 = vector.broadcast %reduce_or3A : f32 to vector<16xf32>
          %reduce_or3A_178 = vector.broadcast %reduce_or3A_176 : f32 to vector<16xf32>
          %reduce_or3A_179 = arith.select %and3A_175, %reduce_or3A_177, %reduce_or3A_178 : vector<16xi1>, vector<16xf32>
          %reduce_or3A_180 = arith.constant true
          %reduce_or3A_181 = vector.broadcast %reduce_or3A_180 : i1 to vector<16xi1>
          %reduce_or3A_182 = tpu.scan <max>, %reduce_or3A_179 masked %reduce_or3A_181 : vector<16xf32>, vector<16xi1> -> vector<16xf32>
          %reduce_or3A_183 = vector.extract %reduce_or3A_182[15] : f32 from vector<16xf32>
          %reduce_or3A_184 = arith.constant 0.000000e+00 : f32
          %reduce_or3A_185 = arith.cmpf ogt, %reduce_or3A_183, %reduce_or3A_184 : f32
          %or3A = arith.ori %scan3A_157, %reduce_or3A_185 : i1
          scf.yield %or3A : i1
        }
        %scan3A_145 = arith.constant 8 : i32
        %gt3A_146 = arith.constant 0 : i32
        %gt3A_147 = arith.cmpi sgt, %reduce_max3A_137, %gt3A_146 : i32
        %not3A_148 = arith.constant true
        %not3A_149 = arith.xori %scan3A_144, %not3A_148 : i1
        %and3A_150 = arith.andi %gt3A_147, %not3A_149 : i1
        %jit3A_151 = arith.constant 1 : i32
        %jit3A_152 = arith.constant 0 : i32
        %select_n3A_153 = arith.select %and3A_150, %jit3A_151, %jit3A_152 : i32
        %broadcast_in_dim3A_154 = vector.broadcast %select_n3A_153 : i32 to vector<16xi32>
        tpu.vector_store_idx %arg24[%broadcast_in_dim3A_120], %broadcast_in_dim3A_154 masked %eq3A_2 : memref<128xi32, #tpu.memory_space<vmem>>[vector<16xi32>], vector<16xi32>, vector<16xi1>
        %scan3A_155 = arith.constant 0 : i32
        scf.yield %scan3A_155 : i32
      }
      %scan3A_110 = arith.constant 100 : i32
      %scan3A_111 = arith.constant 0 : i32
      %scan3A_112 = arith.constant 0 : i32
      %scan3A_113 = arith.constant 100 : i32
      %scan3A_114 = arith.addi %scan3A_112, %scan3A_113 : i32
      %scan3A_115 = arith.constant 1 : i32
      %scan3A_116 = scf.for %scan3A_118 = %scan3A_112 to %scan3A_114 step %scan3A_115 iter_args(%scan3A_119 = %scan3A_111) -> (i32)  : i32 {
        %broadcast_in_dim3A_120 = vector.broadcast %scan3A_118 : i32 to vector<16xi32>
        %gather3A = tpu.vector_load_idx %arg24[%broadcast_in_dim3A_120] : memref<128xi32, #tpu.memory_space<vmem>>[vector<16xi32>], vector<16xi32>,
        %reduce_max3A_121 = arith.constant true
        %reduce_max3A_122 = vector.broadcast %reduce_max3A_121 : i1 to vector<16xi1>
        %reduce_max3A_123 = arith.constant -2147483648 : i32
        %reduce_max3A_124 = vector.broadcast %reduce_max3A_123 : i32 to vector<16xi32>
        %reduce_max3A_125 = arith.xori %gather3A, %reduce_max3A_124 : vector<16xi32>
        %reduce_max3A_126 = tpu.scan <max>, %reduce_max3A_125 masked %reduce_max3A_122 : vector<16xi32>, vector<16xi1> -> vector<16xi32>
        %reduce_max3A_127 = arith.xori %reduce_max3A_126, %reduce_max3A_124 : vector<16xi32>
        %reduce_max3A_128 = vector.extract %reduce_max3A_127[15] : i32 from vector<16xi32>
        %gt3A_129 = arith.constant 0 : i32
        %gt3A_130 = arith.cmpi sgt, %reduce_max3A_128, %gt3A_129 : i32
        %gather3A_131 = tpu.vector_load_idx %arg20[%broadcast_in_dim3A_120] : memref<128xf32, #tpu.memory_space<vmem>>[vector<16xi32>], vector<16xf32>,
        %reduce_max3A_132 = arith.constant true
        %reduce_max3A_133 = vector.broadcast %reduce_max3A_132 : i1 to vector<16xi1>
        %reduce_max3A_134 = tpu.scan <max>, %gather3A_131 masked %reduce_max3A_133 : vector<16xf32>, vector<16xi1> -> vector<16xf32>
        %reduce_max3A_135 = vector.extract %reduce_max3A_134[15] : f32 from vector<16xf32>
        %gather3A_136 = tpu.vector_load_idx %arg21[%broadcast_in_dim3A_120] : memref<128xi32, #tpu.memory_space<vmem>>[vector<16xi32>], vector<16xi32>,
        %reduce_max3A_137 = arith.constant true
        %reduce_max3A_138 = vector.broadcast %reduce_max3A_137 : i1 to vector<16xi1>
        %reduce_max3A_139 = arith.constant -2147483648 : i32
        %reduce_max3A_140 = vector.broadcast %reduce_max3A_139 : i32 to vector<16xi32>
        %reduce_max3A_141 = arith.xori %gather3A_136, %reduce_max3A_140 : vector<16xi32>
        %reduce_max3A_142 = tpu.scan <max>, %reduce_max3A_141 masked %reduce_max3A_138 : vector<16xi32>, vector<16xi1> -> vector<16xi32>
        %reduce_max3A_143 = arith.xori %reduce_max3A_142, %reduce_max3A_140 : vector<16xi32>
        %reduce_max3A_144 = vector.extract %reduce_max3A_143[15] : i32 from vector<16xi32>
        %gather3A_145 = tpu.vector_load_idx %arg22[%broadcast_in_dim3A_120] : memref<128xi32, #tpu.memory_space<vmem>>[vector<16xi32>], vector<16xi32>,
        %reduce_max3A_146 = arith.constant true
        %reduce_max3A_147 = vector.broadcast %reduce_max3A_146 : i1 to vector<16xi1>
        %reduce_max3A_148 = arith.constant -2147483648 : i32
        %reduce_max3A_149 = vector.broadcast %reduce_max3A_148 : i32 to vector<16xi32>
        %reduce_max3A_150 = arith.xori %gather3A_145, %reduce_max3A_149 : vector<16xi32>
        %reduce_max3A_151 = tpu.scan <max>, %reduce_max3A_150 masked %reduce_max3A_147 : vector<16xi32>, vector<16xi1> -> vector<16xi32>
        %reduce_max3A_152 = arith.xori %reduce_max3A_151, %reduce_max3A_149 : vector<16xi32>
        %reduce_max3A_153 = vector.extract %reduce_max3A_152[15] : i32 from vector<16xi32>
        %broadcast_in_dim3A_154 = vector.broadcast %scan3A_119 : i32 to vector<16xi32>
        %and3A_155 = vector.broadcast %gt3A_130 : i1 to vector<16xi1>
        %and3A_156 = arith.andi %eq3A_2, %and3A_155 : vector<16xi1>
        %broadcast_in_dim3A_157 = vector.broadcast %reduce_max3A_135 : f32 to vector<16xf32>
        tpu.vector_store_idx %arg26[%broadcast_in_dim3A_154], %broadcast_in_dim3A_157 masked %and3A_156 : memref<128xf32, #tpu.memory_space<vmem>>[vector<16xi32>], vector<16xf32>, vector<16xi1>
        %broadcast_in_dim3A_158 = vector.broadcast %reduce_max3A_144 : i32 to vector<16xi32>
        tpu.vector_store_idx %arg27[%broadcast_in_dim3A_154], %broadcast_in_dim3A_158 masked %and3A_156 : memref<128xi32, #tpu.memory_space<vmem>>[vector<16xi32>], vector<16xi32>, vector<16xi1>
        %broadcast_in_dim3A_159 = vector.broadcast %reduce_max3A_153 : i32 to vector<16xi32>
        %gather3A_160 = tpu.vector_load_idx %arg9[%broadcast_in_dim3A_159] : memref<5008xf32, #tpu.memory_space<vmem>>[vector<16xi32>], vector<16xf32>,
        %gather3A_161 = tpu.vector_load_idx %arg10[%broadcast_in_dim3A_159] : memref<5008xf32, #tpu.memory_space<vmem>>[vector<16xi32>], vector<16xf32>,
        %gather3A_162 = tpu.vector_load_idx %arg11[%broadcast_in_dim3A_159] : memref<5008xf32, #tpu.memory_space<vmem>>[vector<16xi32>], vector<16xf32>,
        %gather3A_163 = tpu.vector_load_idx %arg12[%broadcast_in_dim3A_159] : memref<5008xf32, #tpu.memory_space<vmem>>[vector<16xi32>], vector<16xf32>,
        %eq3A_164 = arith.constant 0 : i32
        %eq3A_165 = vector.broadcast %eq3A_164 : i32 to vector<16xi32>
        %eq3A_166 = arith.cmpi eq, %iota3A, %eq3A_165 : vector<16xi32>
        %eq3A_167 = arith.constant 1 : i32
        %eq3A_168 = vector.broadcast %eq3A_167 : i32 to vector<16xi32>
        %eq3A_169 = arith.cmpi eq, %iota3A, %eq3A_168 : vector<16xi32>
        %eq3A_170 = arith.constant 2 : i32
        %eq3A_171 = vector.broadcast %eq3A_170 : i32 to vector<16xi32>
        %eq3A_172 = arith.cmpi eq, %iota3A, %eq3A_171 : vector<16xi32>
        %select_n3A_173 = arith.select %eq3A_172, %gather3A_162, %gather3A_163 : vector<16xi1>, vector<16xf32>
        %select_n3A_174 = arith.select %eq3A_169, %gather3A_161, %select_n3A_173 : vector<16xi1>, vector<16xf32>
        %select_n3A_175 = arith.select %eq3A_166, %gather3A_160, %select_n3A_174 : vector<16xi1>, vector<16xf32>
        %mul3A_176 = arith.constant 4 : i32
        %mul3A_177 = arith.muli %scan3A_119, %mul3A_176 : i32
        %add3A_178 = vector.broadcast %mul3A_177 : i32 to vector<16xi32>
        %add3A_179 = arith.addi %add3A_178, %iota3A : vector<16xi32>
        %lt3A_180 = arith.constant 4 : i32
        %lt3A_181 = vector.broadcast %lt3A_180 : i32 to vector<16xi32>
        %lt3A_182 = arith.cmpi slt, %iota3A, %lt3A_181 : vector<16xi32>
        %and3A_183 = vector.broadcast %gt3A_130 : i1 to vector<16xi1>
        %and3A_184 = arith.andi %lt3A_182, %and3A_183 : vector<16xi1>
        tpu.vector_store_idx %arg25[%add3A_179], %select_n3A_175 masked %and3A_184 : memref<512xf32, #tpu.memory_space<vmem>>[vector<16xi32>], vector<16xf32>, vector<16xi1>
        %jit3A_185 = arith.constant 1 : i32
        %jit3A_186 = arith.constant 0 : i32
        %select_n3A_187 = arith.select %gt3A_130, %jit3A_185, %jit3A_186 : i32
        %add3A_188 = arith.addi %scan3A_119, %select_n3A_187 : i32
        scf.yield %add3A_188 : i32
      }
      %scan3A_117 = arith.constant 100 : i32
      "tpu.region"() ({
        %run_scoped3A = tpu.sem_alloc : memref<!tpu.dma_semaphore, #tpu.memory_space<semaphore_mem>>
        %dma_start3A = arith.constant 0 : i32
        %dma_start3A_118 = tpu.memref_slice %arg5[%arg0, %dma_start3A] : memref<2x512xf32, #tpu.memory_space<hbm>> -> memref<1x512xf32, #tpu.memory_space<hbm>>
        %dma_start3A_119 = tpu.memref_squeeze %dma_start3A_118 : memref<1x512xf32, #tpu.memory_space<hbm>> -> memref<512xf32, #tpu.memory_space<hbm>>
        %dma_start3A_120 = arith.constant 0 : i32
        %dma_start3A_121 = tpu.memref_slice %arg5[%arg0, %dma_start3A_120] : memref<2x512xf32, #tpu.memory_space<hbm>> -> memref<1x512xf32, #tpu.memory_space<hbm>>
        %dma_start3A_122 = tpu.memref_squeeze %dma_start3A_121 : memref<1x512xf32, #tpu.memory_space<hbm>> -> memref<512xf32, #tpu.memory_space<hbm>>
        tpu.enqueue_dma source(%arg25 : memref<512xf32, #tpu.memory_space<vmem>>) target(%dma_start3A_122 : memref<512xf32, #tpu.memory_space<hbm>>) target_semaphore(%run_scoped3A : memref<!tpu.dma_semaphore, #tpu.memory_space<semaphore_mem>>)
        %dma_wait3A = arith.constant 0 : i32
        %dma_wait3A_123 = tpu.memref_slice %arg5[%arg0, %dma_wait3A] : memref<2x512xf32, #tpu.memory_space<hbm>> -> memref<1x512xf32, #tpu.memory_space<hbm>>
        %dma_wait3A_124 = tpu.memref_squeeze %dma_wait3A_123 : memref<1x512xf32, #tpu.memory_space<hbm>> -> memref<512xf32, #tpu.memory_space<hbm>>
        %dma_wait3A_125 = arith.constant 0 : i32
        %dma_wait3A_126 = tpu.memref_slice %arg5[%arg0, %dma_wait3A_125] : memref<2x512xf32, #tpu.memory_space<hbm>> -> memref<1x512xf32, #tpu.memory_space<hbm>>
        %dma_wait3A_127 = tpu.memref_squeeze %dma_wait3A_126 : memref<1x512xf32, #tpu.memory_space<hbm>> -> memref<512xf32, #tpu.memory_space<hbm>>
        tpu.wait_dma2 semaphore(%run_scoped3A : memref<!tpu.dma_semaphore, #tpu.memory_space<semaphore_mem>>) src(%arg25 : memref<512xf32, #tpu.memory_space<vmem>>) dst(%dma_wait3A_127 : memref<512xf32, #tpu.memory_space<hbm>>)
        tpu.yield
      }) : () -> ()
      "tpu.region"() ({
        %run_scoped3A = tpu.sem_alloc : memref<!tpu.dma_semaphore, #tpu.memory_space<semaphore_mem>>
        %dma_start3A = arith.constant 0 : i32
        %dma_start3A_118 = tpu.memref_slice %arg6[%arg0, %dma_start3A] : memref<2x128xf32, #tpu.memory_space<hbm>> -> memref<1x128xf32, #tpu.memory_space<hbm>>
        %dma_start3A_119 = tpu.memref_squeeze %dma_start3A_118 : memref<1x128xf32, #tpu.memory_space<hbm>> -> memref<128xf32, #tpu.memory_space<hbm>>
        %dma_start3A_120 = arith.constant 0 : i32
        %dma_start3A_121 = tpu.memref_slice %arg6[%arg0, %dma_start3A_120] : memref<2x128xf32, #tpu.memory_space<hbm>> -> memref<1x128xf32, #tpu.memory_space<hbm>>
        %dma_start3A_122 = tpu.memref_squeeze %dma_start3A_121 : memref<1x128xf32, #tpu.memory_space<hbm>> -> memref<128xf32, #tpu.memory_space<hbm>>
        tpu.enqueue_dma source(%arg26 : memref<128xf32, #tpu.memory_space<vmem>>) target(%dma_start3A_122 : memref<128xf32, #tpu.memory_space<hbm>>) target_semaphore(%run_scoped3A : memref<!tpu.dma_semaphore, #tpu.memory_space<semaphore_mem>>)
        %dma_wait3A = arith.constant 0 : i32
        %dma_wait3A_123 = tpu.memref_slice %arg6[%arg0, %dma_wait3A] : memref<2x128xf32, #tpu.memory_space<hbm>> -> memref<1x128xf32, #tpu.memory_space<hbm>>
        %dma_wait3A_124 = tpu.memref_squeeze %dma_wait3A_123 : memref<1x128xf32, #tpu.memory_space<hbm>> -> memref<128xf32, #tpu.memory_space<hbm>>
        %dma_wait3A_125 = arith.constant 0 : i32
        %dma_wait3A_126 = tpu.memref_slice %arg6[%arg0, %dma_wait3A_125] : memref<2x128xf32, #tpu.memory_space<hbm>> -> memref<1x128xf32, #tpu.memory_space<hbm>>
        %dma_wait3A_127 = tpu.memref_squeeze %dma_wait3A_126 : memref<1x128xf32, #tpu.memory_space<hbm>> -> memref<128xf32, #tpu.memory_space<hbm>>
        tpu.wait_dma2 semaphore(%run_scoped3A : memref<!tpu.dma_semaphore, #tpu.memory_space<semaphore_mem>>) src(%arg26 : memref<128xf32, #tpu.memory_space<vmem>>) dst(%dma_wait3A_127 : memref<128xf32, #tpu.memory_space<hbm>>)
        tpu.yield
      }) : () -> ()
      "tpu.region"() ({
        %run_scoped3A = tpu.sem_alloc : memref<!tpu.dma_semaphore, #tpu.memory_space<semaphore_mem>>
        %dma_start3A = arith.constant 0 : i32
        %dma_start3A_118 = tpu.memref_slice %arg7[%arg0, %dma_start3A] : memref<2x128xi32, #tpu.memory_space<hbm>> -> memref<1x128xi32, #tpu.memory_space<hbm>>
        %dma_start3A_119 = tpu.memref_squeeze %dma_start3A_118 : memref<1x128xi32, #tpu.memory_space<hbm>> -> memref<128xi32, #tpu.memory_space<hbm>>
        %dma_start3A_120 = arith.constant 0 : i32
        %dma_start3A_121 = tpu.memref_slice %arg7[%arg0, %dma_start3A_120] : memref<2x128xi32, #tpu.memory_space<hbm>> -> memref<1x128xi32, #tpu.memory_space<hbm>>
        %dma_start3A_122 = tpu.memref_squeeze %dma_start3A_121 : memref<1x128xi32, #tpu.memory_space<hbm>> -> memref<128xi32, #tpu.memory_space<hbm>>
        tpu.enqueue_dma source(%arg27 : memref<128xi32, #tpu.memory_space<vmem>>) target(%dma_start3A_122 : memref<128xi32, #tpu.memory_space<hbm>>) target_semaphore(%run_scoped3A : memref<!tpu.dma_semaphore, #tpu.memory_space<semaphore_mem>>)
        %dma_wait3A = arith.constant 0 : i32
        %dma_wait3A_123 = tpu.memref_slice %arg7[%arg0, %dma_wait3A] : memref<2x128xi32, #tpu.memory_space<hbm>> -> memref<1x128xi32, #tpu.memory_space<hbm>>
        %dma_wait3A_124 = tpu.memref_squeeze %dma_wait3A_123 : memref<1x128xi32, #tpu.memory_space<hbm>> -> memref<128xi32, #tpu.memory_space<hbm>>
        %dma_wait3A_125 = arith.constant 0 : i32
        %dma_wait3A_126 = tpu.memref_slice %arg7[%arg0, %dma_wait3A_125] : memref<2x128xi32, #tpu.memory_space<hbm>> -> memref<1x128xi32, #tpu.memory_space<hbm>>
        %dma_wait3A_127 = tpu.memref_squeeze %dma_wait3A_126 : memref<1x128xi32, #tpu.memory_space<hbm>> -> memref<128xi32, #tpu.memory_space<hbm>>
        tpu.wait_dma2 semaphore(%run_scoped3A : memref<!tpu.dma_semaphore, #tpu.memory_space<semaphore_mem>>) src(%arg27 : memref<128xi32, #tpu.memory_space<vmem>>) dst(%dma_wait3A_127 : memref<128xi32, #tpu.memory_space<hbm>>)
        tpu.yield
      }) : () -> ()
    } else {
    }
    return
  }
}

</mosaic_0001>

<sc_bundles>
// kernel: kernel.3.cloned.1.call-start
scs
__scs_entry_jumppad:
0x0: {  	(pc) =	sbr.rel $0x88, $3  }
0x1: {  	(tag) =	ssettag $0x0;
	lr =	simm.s32 $0x1  }
0x2: {  	[smem:$0x3F9F] =	sst lr;
	_ =	strace $0xD0000000  }
0x3: {  	_ = 	snop  }
0x4: {  	_ = 	snop  }
0x5: {  	_ = 	snop  }
0x6: {  	_ = 	snop  }
0x7: {  	_ = 	snop  }
__scs_overlays_trampoline_lowered:
0x8: {  	[smem:$0x3FAE] =	sst s0  }
0x9: {  	[smem:$0x3FAF] =	sst s1  }
0xa: {  	[smem:$0x3FB0] =	sst s2  }
0xb: {  	[smem:$0x3FB1] =	sst s3  }
0xc: {  	[smem:$0x3FB2] =	sst s4  }
0xd: {  	[smem:$0x3FB3] =	sst s5  }
0xe: {  	[smem:$0x3FB4] =	sst s6  }
0xf: {  	[smem:$0x3FB5] =	sst s7  }
0x10: {  	[smem:$0x3FB6] =	sst s8  }
0x11: {  	[smem:$0x3FB7] =	sst s9;
	s0 =	simm.s32 @!p0 $0x0  }
0x12: {  	s1 =	sld [smem:$0x3F9D];
	s0 =	simm.s32 @p0 $0x1  }
0x13: {  	[smem:$0x3FB8] =	sst s0;
	s0 =	simm.s32 @!p1 $0x0  }
0x14: {  	s2 =	sld [smem:$0x3F9C];
	s0 =	simm.s32 @p1 $0x1  }
0x15: {  	[smem:$0x3FB9] =	sst s0;
	s0 =	simm.s32 @!p2 $0x0  }
0x16: {  	s3 =	sld [smem:$0x3FDB];
	s0 =	simm.s32 @p2 $0x1  }
0x17: {  	s4 =	simm.s32 $0x1BF5;
	[smem:$0x3FBB] =	sst s0  }
0x18: {  	s0 =	sld [smem:$0x3F9E];
	_ =	swait.ge [sflag:s4], $0x0  }
0x19: {  	s7 =	sld [smem:$0x3F9F]  }
0x1a: {  	s8 =	sadd.s32 $0xFFFFE003, lr  }
0x1b: {  	s9 =	sadd.s32 $0xFFFFFEF7, lr;
	s5 =	simm.s32 $0xFFFFFFFF;
	p2 =	slt.u32 s8, $0xFFFFF086  }
0x1c: {  	p1 =	slt.u32 s9, $0xF7A;
	s5 =	simm.s32 @!p2 $0x0  }
0x1d: {  	s5 =	simm.s32 @p1 $0x1;
	p0 =	seq.s32 s7, s2  }
0x1e: {  	s7 =	smul.u32 @!p0 $0xF7A, s2;
	p2 =	seq.s32 @!p0 s5, $0x0  }
0x1f: {  	s9 =	smul.u32 $0xF7A, s1;
	s8 =	simm.s32 @!p0 $0x1BF5;
	p2 =	por !p2, p0  }
0x20: {  	[sflag:s8] =	ssyncset.s32 @!p0 $0xFFFFF086;
	s6 =	sadd.s32 @!p0 s3, s7;
	s7 =	simm.s32 @!p0 $0x108  }
0x21: {  	s3 =	sadd.s32 s3, s9;
	s6 =	sadd.s32 @!p0 $0x88, s6;
	s7 =	simm.s32 @p2 $0x1082  }
0x22: {  	[simem:s7], [sflag:s8] =	dma.local @!p0 [hbm:s6], $0xF7A  }
0x23: {  	s9 =	sor.u32 $0xD0000000, s2;
	s6 =	simm.s32 $0x108;
	_ =	swait.ge @!p0 [sflag:s8], $0x0  }
0x24: {  	s3 =	sadd.s32 $0x88, s3;
	s6 =	simm.s32 @!p1 $0x1082;
	[sflag:s4] =	ssyncset.s32 $0xFFFFF086  }
0x25: {  	[simem:s6], [sflag:s4] =	dma.local [hbm:s3], $0xF7A  }
0x26: {  	[smem:$0x3F9F] =	sst s1;
	(tag) =	ssettag s2;
	_ =	strace s9  }
0x27: {  	s1 =	sld [smem:$0x3FAF]  }
0x28: {  	s2 =	sld [smem:$0x3FB0]  }
0x29: {  	s4 =	sld [smem:$0x3FB2]  }
0x2a: {  	p0 =	seq.s32 s5, $0x0;
	s5 =	sld [smem:$0x3FB3]  }
0x2b: {  	s6 =	sld [smem:$0x3FB4]  }
0x2c: {  	s7 =	sld [smem:$0x3FB5]  }
0x2d: {  	s3 =	simm.s32 $0x108;
	s8 =	sld [smem:$0x3FB6]  }
0x2e: {  	s3 =	simm.s32 @!p0 $0x1082;
	s9 =	sld [smem:$0x3FB7]  }
0x2f: {  	lr =	sadd.s32 s0, s3;
	s0 =	sld [smem:$0x3FAE]  }
0x30: {  	s3 =	sld [smem:$0x3FB1]  }
0x31: {  	[smem:$0x3FBA] =	sst s10  }
0x32: {  	s10 =	sld [smem:$0x3FB8];
	_ =	sdelay $0x3  }
0x33: {  	p0 =	seq.s32 s10, $0x1;
	s10 =	sld [smem:$0x3FBA];
	_ =	sdelay $0x3  }
0x34: {  	[smem:$0x3FBA] =	sst s10  }
0x35: {  	s10 =	sld [smem:$0x3FB9];
	_ =	sdelay $0x3  }
0x36: {  	p1 =	seq.s32 s10, $0x1;
	s10 =	sld [smem:$0x3FBA];
	_ =	sdelay $0x3  }
0x37: {  	[smem:$0x3FBA] =	sst s10  }
0x38: {  	s10 =	sld [smem:$0x3FBB]  }
0x39: {  	_ = 	snop;
	(pc) =	sbr.ind lr, $3  }
0x3a: {  	_ = 	snop  }
0x3b: {  	_ = 	snop  }
0x3c: {  	p2 =	seq.s32 s10, $0x1;
	s10 =	sld [smem:$0x3FBA]  }
0x3d: {  	_ =	shalt  }
0x3e: {  	_ =	shalt  }
0x3f: {  	_ =	shalt  }
0x40: {  	_ =	shalt  }
0x41: {  	_ =	shalt  }
0x42: {  	_ =	shalt  }
0x43: {  	_ =	shalt  }
0x44: {  	_ =	shalt  }
0x45: {  	_ =	shalt  }
0x46: {  	_ =	shalt  }
0x47: {  	_ =	shalt  }
0x48: {  	_ =	shalt  }
0x49: {  	_ =	shalt  }
0x4a: {  	_ =	shalt  }
0x4b: {  	_ =	shalt  }
0x4c: {  	_ =	shalt  }
0x4d: {  	_ =	shalt  }
0x4e: {  	_ =	shalt  }
0x4f: {  	_ =	shalt  }
0x50: {  	_ =	shalt  }
0x51: {  	_ =	shalt  }
0x52: {  	_ =	shalt  }
0x53: {  	_ =	shalt  }
0x54: {  	_ =	shalt  }
0x55: {  	_ =	shalt  }
0x56: {  	_ =	shalt  }
0x57: {  	_ =	shalt  }
0x58: {  	_ =	shalt  }
0x59: {  	_ =	shalt  }
0x5a: {  	_ =	shalt  }
0x5b: {  	_ =	shalt  }
0x5c: {  	_ =	shalt  }
0x5d: {  	_ =	shalt  }
0x5e: {  	_ =	shalt  }
0x5f: {  	_ =	shalt  }
0x60: {  	_ =	shalt  }
0x61: {  	_ =	shalt  }
0x62: {  	_ =	shalt  }
0x63: {  	_ =	shalt  }
0x64: {  	_ =	shalt  }
0x65: {  	_ =	shalt  }
0x66: {  	_ =	shalt  }
0x67: {  	_ =	shalt  }
0x68: {  	_ =	shalt  }
0x69: {  	_ =	shalt  }
0x6a: {  	_ =	shalt  }
0x6b: {  	_ =	shalt  }
0x6c: {  	_ =	shalt  }
0x6d: {  	_ =	shalt  }
0x6e: {  	_ =	shalt  }
0x6f: {  	_ =	shalt  }
0x70: {  	_ =	shalt  }
0x71: {  	_ =	shalt  }
0x72: {  	_ =	shalt  }
0x73: {  	_ =	shalt  }
0x74: {  	_ =	shalt  }
0x75: {  	_ =	shalt  }
0x76: {  	_ =	shalt  }
0x77: {  	_ =	shalt  }
0x78: {  	_ =	shalt  }
0x79: {  	_ =	shalt  }
0x7a: {  	_ =	shalt  }
0x7b: {  	_ =	shalt  }
0x7c: {  	_ =	shalt  }
0x7d: {  	_ =	shalt  }
0x7e: {  	_ =	shalt  }
0x7f: {  	_ =	shalt  }
0x80: {  	_ =	shalt  }
0x81: {  	_ =	shalt  }
0x82: {  	_ =	shalt  }
0x83: {  	_ =	shalt  }
0x84: {  	_ =	shalt  }
0x85: {  	_ =	shalt  }
0x86: {  	_ =	shalt  }
0x87: {  	_ =	shalt  }
.Lfunc_end0:
.L_simem_size_0:
called_computation_lowered:
.L_overlay_start_0:
0x88: {  	s2 =	sld [smem:$0x3FD9]  }
0x89: {  	s3 =	sld [smem:$0x3FFE];
	_ =	sdelay $0x1  }
0x8a: {  	s1 =	srdreg.scid  }
0x8b: {  	s0 =	sand.u32 $0x1, s1  }
0x8c: {  	s14 =	sshll.u32 s0, $0xA;
	s2 =	sadd.s32 s3, s2  }
0x8d: {  	s2 =	sadd.s32 s2, s14  }
0x8e: {  	[smem:$0x3FC6] =	sst s2  }
0x8f: {  	_ = 	snop  }
0x90: {  	s2 =	sld [smem:$0x3FD0];
	_ =	sdelay $0x2  }
0x91: {  	s15 =	simm.s32 $0xA;
	s4 =	simm.s32 $0x10  }
0x92: {  	[smem:s4], [sflag:s15] =	dma.local [hbm:s2], $0x1  }
0x93: {  	_ =	swait.eq [sflag:s15], $0x1  }
0x94: {  	s16 =	sld [smem:$0x10];
	[sflag:s15] =	ssyncset.done $0x0  }
0x95: {  	s17 =	sld [smem:$0x11];
	[sflag:s15] =	ssyncadd.s32 $0xFFFFFFFF  }
0x96: {  	s18 =	sld [smem:$0x12];
	(tm) =	ssettm $0x1  }
0x97: {  	s5 =	sld [smem:$0x3FFB];
	_ =	sdelay $0x3  }
0x98: {  	_ =	strace s5  }
0x99: {  	s5 =	sld [smem:$0x3FFC];
	_ =	sdelay $0x3  }
0x9a: {  	_ =	strace s5  }
0x9b: {  	s5 =	sld [smem:$0x3FFD];
	_ =	sdelay $0x3  }
0x9c: {  	_ =	strace s5  }
0x9d: {  	_ =	strace $0x8FFFFFFF  }
0x9e: {  	s19 =	sld [smem:$0x3FDB];
	_ =	sdelay $0x1  }
0x9f: {  	s6 =	simm.s32 $_scs_section_size  }
0xa0: {  	s7 =	simm.s32 $_size__tile_overlayer_lowered;
	s8 =	simm.s32 $_tile_overlayer_lowered  }
0xa1: {  	s22 =	simm.s32 $0x1BFF;
	s21 =	sshll.u32 s8, $0x1;
	s5 =	sadd.s32 s6, s19  }
0xa2: {  	s9 =	simm.s32 $0x0;
	s20 =	sshll.u32 s7, $0x1;
	s7 =	sadd.s32 s21, s5  }
0xa3: {  	[timem:s9], [sflag:s22] =	dma.local [hbm:s7], s20  }
0xa4: {  	_ =	swait.ge [sflag:s22], s20  }
0xa5: {  	s6 =	ssub.s32 $0x0, s20;
	[sflag:s22] =	ssyncset.done $0x0  }
0xa6: {  	[sflag:s22] =	ssyncadd.s32 s6;
	_ =	sdelay $0x1  }
0xa7: {  	s23 =	simm.s32 $0x1B8B  }
0xa8: {  	_ =	swait.ge [sflag:s23], $0x1  }
0xa9: {  	[sflag:s23] =	ssyncset.done $0x0  }
0xaa: {  	s25 =	simm.s32 $0x1B8E;
	s24 =	sld [smem:$0x3FFE];
	[sflag:s23] =	ssyncadd.s32 $0xFFFFFFFF  }
0xab: {  	s26 =	simm.s32 $execute0_lowered;
	[smem:$0x3FD2] =	sst s25  }
0xac: {  	s7 =	sshll.u32 s26, $0x1;
	_ =	strace $0x80000046;
	[dreg:$0x1] =	wrdreg $0xFFFFFFFF  }
0xad: {  	s28 =	simm.s32 $_size_execute0_lowered;
	s5 =	sadd.s32 s5, s7;
	[dreg:$0x0] =	wrdreg $0x0  }
0xae: {  	s7 =	sshll.u32 s28, $0x1;
	[dreg:$0x2] =	wrdreg s5  }
0xaf: {  	[dreg:$0x3] =	wrdreg s7  }
0xb0: {  	[dreg:$0x4] =	wrdreg $0xC0  }
0xb1: {  	_ =	task [dreg:s9], $0x5FFFF  }
0xb2: {  	[dreg:$0x1] =	wrdreg $0xFFFFFFFF  }
0xb3: {  	[dreg:$0x0] =	wrdreg $0x60  }
0xb4: {  	[dreg:$0x2] =	wrdreg s24  }
0xb5: {  	[dreg:$0x3] =	wrdreg s16  }
0xb6: {  	[dreg:$0x4] =	wrdreg s17  }
0xb7: {  	[dreg:$0x5] =	wrdreg s18  }
0xb8: {  	[dreg:$0x6] =	wrdreg $0x97000  }
0xb9: {  	[dreg:$0x7] =	wrdreg $0x98000  }
0xba: {  	[dreg:$0x8] =	wrdreg $0x99000  }
0xbb: {  	[dreg:$0x9] =	wrdreg $0x9  }
0xbc: {  	_ =	task.clear_ibuf [dreg:s9], $0xAFFFF;
	_ =	strace $0x90000046  }
0xbd: {  	s29 =	simm.s32 $0x9;
	_ =	strace $0x80000048  }
0xbe: {  	_ =	swait.ge [sflag:s29], $0x1  }
0xbf: {  	[sflag:s29] =	ssyncadd.s32 $0xFFFFFFFF  }
0xc0: {  	_ =	strace $0x90000048  }
0xc1: {  	_ =	sfence  }
0xc2: {  	s30 =	sld [smem:$0x0];
	_ =	sdelay $0x2  }
0xc3: {  	s31 =	sshll.u32 s1, $0xD;
	s1 =	sshrl.u32 s1, $0x2  }
0xc4: {  	s3 =	sand.u32 $0x4000, s31;
	s1 =	sadd.s32 s1, s30  }
0xc5: {  	s0 =	sor.u32 s3, s0;
	s1 =	sshll.u32 s1, $0x11  }
0xc6: {  	s0 =	sor.u32 s1, s0  }
0xc7: {  	s0 =	sadd.s32 $0x8F2B, s0  }
0xc8: {  	[sflag:s0] =	ssyncadd.remote.s32 $0x1  }
0xc9: {  	_ =	sfence.sel $0xFFFF  }
0xca: {  	[dreg:$0x0] =	wrdreg $0xFFFFFFFF;
	(pc) =	sbr.abs _section_cstart, $3  }
0xcb: {  	[dreg:$0x1] =	wrdreg $0xFFFFFFFF  }
0xcc: {  	_ =	task.clear_ibuf [dreg:s9], $0x2FFFF;
	_ =	strace $0x9FFFFFFF  }
0xcd: {  	(tm) =	ssettm $0x7FFFFFFF  }
tec
execute0_lowered:
.L_overlay_start_1:
0x0: {  	(tag) =	ssettag $0x1  }
0x1: {  	s0 =	rddreg [dreg:$0x0]  }
0x2: {  	s1 =	rddreg [dreg:$0x1]  }
0x3: {  	s2 =	rddreg [dreg:$0x2]  }
0x4: {  	s3 =	rddreg [dreg:$0x3]  }
0x5: {  	s5 =	rddreg [dreg:$0x4]  }
0x6: {  	s4 =	srdreg.scid;
	s7 =	rddreg [dreg:$0x5]  }
0x7: {  	s6 =	stileid.u32;
	s10 =	rddreg [dreg:$0x6];
	s14 =	simm.s32 $0x0  }
0x8: {  	s28 =	simm.s32 $0x7800;
	s29 =	simm.s32 $0x7880;
	s30 =	simm.s32 $0x6400  }
0x9: {  	s4 =	sand.u32 $0x1, s4;
	s9 =	sshrl.u32 s6, $0x3;
	s11 =	sshll.u32 s6, $0x7  }
0xa: {  	[smem:$0x7FF] =	sst s14;
	p0 =	slt.u32 s6, $0xA;
	s8 =	smul.u32 $0x14000, s4  }
0xb: {  	p1 =	sne.s32 s6, $0x0;
	s9 =	smul.u32 $0xA000, s9;
	s15 =	sand.u32 $0x380, s11  }
0xc: {  	s16 =	smul.u32 $0xA00, s4;
	_ =	strace $0x80000047;
	s20 =	sshll.u32 s4, $0xB  }
0xd: {  	s12 =	ssub.s32 $0x2, s4;
	s4 =	sshll.u32 s4, $0x4;
	s24 =	sadd.s32 s20, s10  }
0xe: {  	s13 =	sshrl.u32 s12, $0x1;
	s25 =	sadd.s32 s20, s7;
	[dreg:$0x12] =	wrdreg s24  }
0xf: {  	s22 =	sor.u32 s11, s20;
	s1 =	sadd.s32 s1, s4;
	[dreg:$0x13] =	wrdreg s25  }
0x10: {  	s26 =	sadd.s32 s2, s4;
	s31 =	sadd.s32 s3, s4;
	[dreg:$0x14] =	wrdreg s1  }
0x11: {  	s2 =	simm.s32 $0x0;
	s8 =	sadd.s32 s8, s9;
	[dreg:$0x15] =	wrdreg s26  }
0x12: {  	s9 =	sadd.s32 s16, s0;
	s11 =	sadd.s32 s22, s5;
	[dreg:$0x16] =	wrdreg s31  }
0x13: {  	s17 =	ssub.s32 s12, s13;
	s23 =	sadd.s32 s22, s7;
	[dreg:$0xe] =	wrdreg s11  }
0x14: {  	s5 =	sadd.s32 s20, s5;
	s24 =	simm.s32 $0x2800;
	[dreg:$0xf] =	wrdreg s23  }
0x15: {  	s25 =	simm.s32 $0x3C00;
	s18 =	sadd.s32 $0x5A00, s9;
	[dreg:$0x11] =	wrdreg s5  }
0x16: {  	s26 =	simm.s32 $0x5000;
	s19 =	sadd.s32 $0x5A10, s9;
	[dreg:$0xa] =	wrdreg s18  }
0x17: {  	s8 =	sor.u32 s15, s8;
	s21 =	sadd.s32 $0x5A20, s9;
	[dreg:$0xb] =	wrdreg s19  }
0x18: {  	s9 =	sadd.s32 $0x5A30, s9;
	s8 =	sshrl.u32 s8, $0x3;
	[dreg:$0xc] =	wrdreg s21  }
.Ltmp0:
0x19: {  	[dreg:$0xd] =	wrdreg s9;
	s9 =	sadd.s32 s22, s10;
	(pc) =	sbr.rel .LBB2_1-.Ltmp0, $4  }
0x1a: {  	v0 =	vimm.s32 $0x0;
	v1 =	vlaneseq.u32;
	vm0 =	vmmov $0x1;
	s8 =	sadd.s32 s8, s0;
	s0 =	sadd.s32 $0x6E00, s0;
	[dreg:$0x10] =	wrdreg s9  }
0x1b: {  	vm1 =	vmxor vm1, vm1;
	v4 =	vimm.s32 $0x1;
	vm3 =	vcmask $0x3F0C;
	s16 =	simm.s32 $0x9280;
	[dreg:$0x8] =	wrdreg s0;
	s8 =	sadd.s32 $0xA00, s8  }
0x1c: {  	vm4 =	vcmask $0x3F08;
	v5 =	vmov s6;
	v2 =	vor.u32 $0x80000000, v1;
	s23 =	simm.s32 $0x1400;
	s0 =	smax.u32 s17, $0x1;
	[dreg:$0x9] =	wrdreg s8  }
0x1d: {  	v3 =	vor.u32 $0x80001380, v1;
	vm2 =	veq.s32 v5, v1;
	v5 =	vimm.f32 $0.0e+00;
	s19 =	simm.s32 $0x1;
	[dreg:$0x17] =	wrdreg s0;
	s0 =	simm.s32 $0x7980  }
.LBB2_27:
0x1e: {  	s2 =	sadd.s32 $0x1, s2;
	s1 =	rddreg [dreg:$0x17]  }
0x1f: {  	p2 =	sne.s32 s2, s1  }
.Ltmp1:
0x20: {  	_ = 	snop;
	(pc) =	sbr.rel @!p2 .LBB2_28-.Ltmp1, $1  }
0x21: {  	_ =	sdelay $0x3  }
.LBB2_1:
0x22: {  	[dreg:$0x18] =	wrdreg s2  }
0x23: {  	s1 =	rddreg [dreg:$0x8];
	s31 =	simm.s32 $0x9910  }
0x24: {  	[tilespmem:s31], [sflag:$0x1] =	stream.linear.gather [hbm4b:s1+s14], $0x1, $0x38;
	[tilespmem:$0x9990] =	vst v63  }
0x25: {  	_ =	swait.ge [sflag:s19], $0x1  }
0x26: {  	[sflag:s19] =	ssyncset.done $0x0  }
0x27: {  	[sflag:s19] =	ssyncadd.s32 $0xFFFFFFFF  }
0x28: {  	v6 =	vld [tilespmem:$0x9910];
	_ =	sdelay $0x4  }
0x29: {  	(v2sf) =	vpush v6, $0x0;
	_ =	sdelay $0xa  }
.Ltmp2:
0x2a: {  	_ = 	snop;
	(pc) =	sbr.rel @!p0 .LBB2_2-.Ltmp2, $2  }
0x2b: {  	_ =	sdelay $0x2  }
0x2c: {  	s22 =	spop (v2sf)  }
0x2d: {  	s1 =	rddreg [dreg:$0x9];
	s2 =	simm.s32 $0x80;
	s3 =	simm.s32 $0x400  }
0x2e: {  	[tilespmem:s14], [sflag:$0x1] =	stream.strided.gather [hbm4b:s1+s2], $0x1400, s3, s2, $0x38;
	[tilespmem:$0x9990] =	vst v63  }
0x2f: {  	_ =	swait.ge [sflag:s19], $0x1400  }
0x30: {  	[sflag:s19] =	ssyncset.done $0x0  }
0x31: {  	s18 =	simm.s32 $0x200;
	s17 =	rddreg [dreg:$0xa];
	[sflag:s19] =	ssyncadd.s32 $0xFFFFEC00  }
0x32: {  	[tilespmem:s23], [sflag:$0x1] =	stream.strided.gather [hbm4b:s17+s2], $0x1400, s18, s2, $0x38;
	[tilespmem:$0x9990] =	vst v63  }
0x33: {  	_ =	swait.ge [sflag:s19], $0x1400  }
0x34: {  	[sflag:s19] =	ssyncset.done $0x0  }
0x35: {  	s20 =	rddreg [dreg:$0xb];
	[sflag:s19] =	ssyncadd.s32 $0xFFFFEC00  }
0x36: {  	[tilespmem:s24], [sflag:$0x1] =	stream.strided.gather [hbm4b:s20+s2], $0x1400, s18, s2, $0x38;
	[tilespmem:$0x9990] =	vst v63  }
0x37: {  	_ =	swait.ge [sflag:s19], $0x1400  }
0x38: {  	[sflag:s19] =	ssyncset.done $0x0  }
0x39: {  	s21 =	rddreg [dreg:$0xc];
	[sflag:s19] =	ssyncadd.s32 $0xFFFFEC00  }
0x3a: {  	[tilespmem:s25], [sflag:$0x1] =	stream.strided.gather [hbm4b:s21+s2], $0x1400, s18, s2, $0x38;
	[tilespmem:$0x9990] =	vst v63  }
0x3b: {  	_ =	swait.ge [sflag:s19], $0x1400  }
0x3c: {  	[sflag:s19] =	ssyncset.done $0x0  }
.Ltmp3:
0x3d: {  	s31 =	rddreg [dreg:$0xd];
	[sflag:s19] =	ssyncadd.s32 $0xFFFFEC00;
	(pc) =	sbr.rel .LBB2_5-.Ltmp3, $4  }
0x3e: {  	[tilespmem:s26], [sflag:$0x1] =	stream.strided.gather [hbm4b:s31+s2], $0x1400, s18, s2, $0x38;
	[tilespmem:$0x9990] =	vst v63  }
0x3f: {  	_ =	swait.ge [sflag:s19], $0x1400  }
0x40: {  	[sflag:s19] =	ssyncset.done $0x0  }
0x41: {  	v6 =	vbroadcast v6, $0x0;
	[sflag:s19] =	ssyncadd.s32 $0xFFFFEC00  }
.LBB2_2:
0x42: {  	v6 =	vbroadcast v6, $0x0  }
0x43: {  	s1 =	simm.s32 $0x40;
	s2 =	simm.s32 $0x0  }
.LBB2_3:
0x44: {  	p2 =	sne.s32 s1, $0x4E00;
	[tilespmem:s2+$0x0] =	vst v6;
	s2 =	smov.u32 s1;
	s1 =	sadd.s32 $0x40, s1  }
.Ltmp4:
0x45: {  	(pc) =	sbr.rel @p2 .LBB2_3-.Ltmp4, $2  }
0x46: {  	_ =	sdelay $0x2  }
0x47: {  	s2 =	sshra.s32 s2, $0x2  }
0x48: {  	[tilespmem:s2+$0x0] =	vst v6  }
.LBB2_5:
0x49: {  	s1 =	simm.s32 $0x1410  }
0x4a: {  	s5 =	simm.s32 $0x5010;
	v7 =	vld [tilespmem:s1+$0xFFFFFFF0]  }
0x4b: {  	s2 =	simm.s32 $0x3C10;
	v8 =	vld [tilespmem:s5+$0xFFFFFFF0]  }
0x4c: {  	s3 =	simm.s32 $0x2810;
	v9 =	vld [tilespmem:s2+$0xFFFFFFF0]  }
0x4d: {  	v10 =	vld [tilespmem:s3+$0xFFFFFFF0];
	_ =	sdelay $0x4  }
0x4e: {  	v7 =	vsub.f32 v9, v7;
	v8 =	vsub.f32 v8, v10;
	_ =	sdelay $0x1  }
0x4f: {  	v7 =	vmul.f32 v8, v7  }
0x50: {  	s7 =	simm.s32 $0x6410  }
0x51: {  	s4 =	simm.s32 $0x10;
	[tilespmem:s7+$0xFFFFFFF0] =	vst v7  }
0x52: {  	v7 =	vld [tilespmem:s4+$0xFFFFFFF0];
	_ =	sdelay $0x4  }
0x53: {  	vm5 =	vgt.f32 v7, $5.000000070e-02  }
0x54: {  	v8 =	vsel vm5, v7, v6  }
0x55: {  	[tilespmem:s4+$0xFFFFFFF0] =	vst v8  }
0x56: {  	v7 =	vld [tilespmem:s5+$0x0]  }
0x57: {  	v9 =	vld [tilespmem:s2+$0x0]  }
0x58: {  	v10 =	vld [tilespmem:s1+$0x0]  }
0x59: {  	v11 =	vld [tilespmem:s3+$0x0];
	_ =	sdelay $0x4  }
0x5a: {  	v9 =	vsub.f32 v9, v10;
	v7 =	vsub.f32 v7, v11;
	_ =	sdelay $0x1  }
0x5b: {  	v7 =	vmul.f32 v7, v9;
	_ =	sdelay $0x1  }
0x5c: {  	[tilespmem:s7+$0x0] =	vst v7  }
0x5d: {  	v9 =	vld [tilespmem:s4+$0x0];
	_ =	sdelay $0x1  }
0x5e: {  	s6 =	simm.s32 $0x2;
	s8 =	simm.s32 $0x6430;
	vm5 =	vgt.f32 v8, v6  }
0x5f: {  	s9 =	simm.s32 $0x30;
	s5 =	simm.s32 $0x0;
	v8 =	vsel vm5, v8, v6;
	v7 =	vimm.s32 $0x0;
	s7 =	simm.s32 $0x5030  }
.LBB2_6:
0x60: {  	s1 =	sadd.s32 $0x20, s1  }
0x61: {  	vm6 =	vgt.f32 v9, $5.000000070e-02;
	s3 =	sadd.s32 $0x20, s3;
	s2 =	sadd.s32 $0x20, s2;
	s10 =	smov.u32 s6  }
0x62: {  	p2 =	slt.u32 s6, $0x136;
	s6 =	sadd.s32 $0x2, s6;
	v7 =	vsel vm5, s5, v7;
	s11 =	sadd.s32 $0x1, s5;
	v9 =	vsel vm6, v9, v6  }
0x63: {  	s5 =	smov.u32 s10;
	[tilespmem:s4+$0x0] =	vst v9;
	vm5 =	vgt.f32 v9, v8;
	s4 =	smov.u32 s9  }
0x64: {  	v10 =	vld [tilespmem:s1+$0xFFFFFFF0];
	v8 =	vsel vm5, v9, v8;
	v7 =	vsel vm5, s11, v7  }
0x65: {  	v9 =	vld [tilespmem:s7+$0xFFFFFFF0]  }
0x66: {  	v11 =	vld [tilespmem:s2+$0xFFFFFFF0]  }
0x67: {  	v12 =	vld [tilespmem:s3+$0xFFFFFFF0];
	_ =	sdelay $0x4  }
0x68: {  	v10 =	vsub.f32 v11, v10;
	v9 =	vsub.f32 v9, v12;
	_ =	sdelay $0x1  }
0x69: {  	v9 =	vmul.f32 v9, v10;
	_ =	sdelay $0x1  }
0x6a: {  	[tilespmem:s8+$0xFFFFFFF0] =	vst v9  }
0x6b: {  	v9 =	vld [tilespmem:s9+$0xFFFFFFF0];
	_ =	sdelay $0x4  }
0x6c: {  	vm5 =	vgt.f32 v9, $5.000000070e-02  }
0x6d: {  	v9 =	vsel vm5, v9, v6  }
0x6e: {  	[tilespmem:s9+$0xFFFFFFF0] =	vst v9;
	vm5 =	vgt.f32 v9, v8  }
0x6f: {  	v8 =	vsel vm5, v9, v8;
	v9 =	vld [tilespmem:s7+$0x0]  }
0x70: {  	v10 =	vld [tilespmem:s2+$0x0]  }
0x71: {  	v11 =	vld [tilespmem:s1+$0x0]  }
0x72: {  	v12 =	vld [tilespmem:s3+$0x0];
	_ =	sdelay $0x3  }
0x73: {  	v10 =	vsub.f32 v10, v11  }
0x74: {  	v9 =	vsub.f32 v9, v12;
	_ =	sdelay $0x1  }
0x75: {  	v9 =	vmul.f32 v9, v10;
	_ =	sdelay $0x1  }
0x76: {  	[tilespmem:s8+$0x0] =	vst v9  }
.Ltmp5:
0x77: {  	v9 =	vld [tilespmem:s9+$0x0];
	(pc) =	sbr.rel @p2 .LBB2_6-.Ltmp5, $2  }
0x78: {  	_ =	sdelay $0x2  }
0x79: {  	s7 =	sadd.s32 $0x20, s7;
	s8 =	sadd.s32 $0x20, s8;
	s9 =	sadd.s32 $0x20, s9  }
0x7a: {  	vm6 =	vgt.f32 v9, $5.000000070e-02  }
0x7b: {  	v9 =	vsel vm6, v9, v6  }
0x7c: {  	[tilespmem:s4+$0x0] =	vst v9  }
0x7d: {  	v10 =	vld [tilespmem:$0x1380];
	_ =	sdelay $0x4  }
0x7e: {  	vm6 =	vgt.f32 v9, v8;
	vm7 =	vgt.f32 v10, $5.000000070e-02  }
0x7f: {  	v8 =	vsel vm6, v9, v8;
	v62 =	vsel vm7, v10, v6  }
0x80: {  	vm7 =	vgt.f32 v62, v8  }
0x81: {  	v8 =	vsel vm7, v62, v8  }
0x82: {  	(xrf0) =	vmax.scan.msk.f32 $0xffff, v8;
	_ =	sdelay $0x5  }
0x83: {  	v7 =	vsel vm5, s5, v7;
	s1 =	sadd.s32 $0x1, s5;
	v11, _, _ =	vpop (xrf0)  }
0x84: {  	v7 =	vsel vm6, s1, v7;
	v13 =	vbroadcast v11, $0xF  }
0x85: {  	v12 =	vld [tilespmem:$0x3B80];
	v7 =	vshll.u32 v7, $0x4  }
0x86: {  	v7 =	vxor.u32 v2, v7;
	vm5 =	veq.f32 v8, v13;
	v8 =	vld [tilespmem:$0x6380]  }
0x87: {  	v63 =	vld [tilespmem:$0x2780];
	v7 =	vsel vm7, v3, v7  }
0x88: {  	v14 =	vld [tilespmem:$0x4F80];
	v7 =	vnsel vm5, $0xFFFFFFFF, v7  }
0x89: {  	(xrf0) =	vmin.scan.msk.u32 $0xffff, v7;
	_ =	sdelay $0x1  }
0x8a: {  	v8 =	vsub.f32 v8, v12;
	_ =	sdelay $0x1  }
0x8b: {  	v7 =	vsub.f32 v14, v63;
	_ =	sdelay $0x1  }
0x8c: {  	[tilespmem:$0x7800] =	vst v6;
	(v2sf) =	vpush v11, $0xF;
	v7 =	vmul.f32 v8, v7;
	v8, _, _ =	vpop (xrf0)  }
0x8d: {  	[tilespmem:$0x7880] =	vst v0;
	(v2sf) =	vpush v8, $0xF  }
0x8e: {  	[tilespmem:$0x7810] =	vst v6  }
0x8f: {  	[tilespmem:$0x7890] =	vst v0  }
0x90: {  	[tilespmem:$0x7820] =	vst v6  }
0x91: {  	[tilespmem:$0x78A0] =	vst v0  }
0x92: {  	[tilespmem:$0x7830] =	vst v6  }
0x93: {  	[tilespmem:$0x78B0] =	vst v0  }
0x94: {  	[tilespmem:$0x7840] =	vst v6  }
0x95: {  	[tilespmem:$0x78C0] =	vst v0  }
0x96: {  	[tilespmem:$0x7850] =	vst v6  }
0x97: {  	[tilespmem:$0x78D0] =	vst v0  }
0x98: {  	[tilespmem:$0x7860] =	vst v6  }
0x99: {  	[tilespmem:$0x78E0] =	vst v0  }
0x9a: {  	[tilespmem:$0x7870] =	vst v6  }
0x9b: {  	s2 =	simm.s32 $0x0;
	s17 =	simm.s32 $0x0;
	[tilespmem:$0x78F0] =	vst v0;
	s8 =	spop (v2sf)  }
0x9c: {  	s10 =	simm.s32 $0x0;
	s11 =	simm.s32 $0x0;
	[tilespmem:$0x1380] =	vst v62;
	s31 =	spop (v2sf)  }
0x9d: {  	s1 =	simm.s32 $0x14;
	[tilespmem:$0x7780] =	vst v7;
	s9 =	smov.u32 s8;
	s7 =	sxor.u32 $0x80000000, s31  }
.LBB2_8:
0x9e: {  	p3 =	sge.s32 s11, s1  }
0x9f: {  	p2 =	sgt.f32 @!p3 s9, s22;
	_ =	sdelay $0x1  }
0xa0: {  	p2 =	por p3, !p2  }
.Ltmp6:
0xa1: {  	_ = 	snop;
	(pc) =	sbr.rel @p2 .LBB2_9-.Ltmp6, $1  }
0xa2: {  	_ =	sdelay $0x3  }
.LBB2_10:
0xa3: {  	p2 =	sne.s32 s17, $0x0;
	vm5 =	vmmov vm1  }
0xa4: {  	v7 =	vmov s11;
	vm5 =	vmneg @p2 vm5  }
0xa5: {  	s20 =	sadd.s32 $0x1, s11;
	vm5 =	vmand vm5, vm0  }
0xa6: {  	v8 =	vmov s20;
	_ =	sdelay $0x1  }
0xa7: {  	v9 =	vmov s9;
	v17 =	vmov s7  }
0xa8: {  	[tilespmem:v7+s28+$0x0] =	vst.idx.msk $0x1, v9  }
0xa9: {  	[tilespmem:v7+s29+$0x0] =	vst.idx.msk $0x1, v17;
	v7 =	vmov s8  }
0xaa: {  	[tilespmem:v8+s28+$0x0] =	vst.idx.msk vm5, v7;
	v7 =	vmov s10  }
0xab: {  	s7 =	smov.u32 @p2 s10;
	[tilespmem:v8+s29+$0x0] =	vst.idx.msk vm5, v7  }
0xac: {  	v18 =	vmov s7;
	v13 =	vld.idx.msk [tilespmem:v17+s23+$0x0], $0xffff  }
0xad: {  	v10 =	vld.idx.msk [tilespmem:v17+s24+$0x0], $0xffff  }
0xae: {  	v16 =	vld.idx.msk [tilespmem:v17+s25+$0x0], $0xffff  }
0xaf: {  	v14 =	vld.idx.msk [tilespmem:v17+s26+$0x0], $0xffff  }
0xb0: {  	v7 =	vld.idx.msk [tilespmem:v17+s30+$0x0], $0xffff  }
0xb1: {  	v11 =	vld.idx.msk [tilespmem:v18+s23+$0x0], $0xffff  }
0xb2: {  	v9 =	vld.idx.msk [tilespmem:v18+s24+$0x0], $0xffff  }
0xb3: {  	v15 =	vld.idx.msk [tilespmem:v18+s25+$0x0], $0xffff  }
0xb4: {  	s3 =	simm.s32 $0x0;
	v12 =	vld.idx.msk [tilespmem:v18+s26+$0x0], $0xffff  }
0xb5: {  	v8 =	vld.idx.msk [tilespmem:v18+s30+$0x0], $0xffff;
	[tilespmem:v17+s3+$0x0] =	vst.idx.msk $0x1, v6  }
0xb6: {  	s5 =	simm.s32 $0x5010;
	[tilespmem:v18+s3+$0x0] =	vst.idx.msk $0x1, v6  }
0xb7: {  	s6 =	simm.s32 $0x2810;
	v17 =	vld [tilespmem:s5+$0xFFFFFFF0]  }
0xb8: {  	s15 =	simm.s32 $0x1410;
	v18 =	vld [tilespmem:s6+$0xFFFFFFF0]  }
0xb9: {  	s18 =	simm.s32 $0x3C10;
	v19 =	vld [tilespmem:s15+$0xFFFFFFF0]  }
0xba: {  	v20 =	vld [tilespmem:s18+$0xFFFFFFF0];
	_ =	sdelay $0x2  }
0xbb: {  	s21 =	simm.s32 $0x6410;
	v21 =	vmax.f32 v18, v10;
	v18 =	vmax.f32 v18, v9  }
0xbc: {  	v22 =	vld [tilespmem:s21+$0xFFFFFFF0];
	v23 =	vmax.f32 v19, v13;
	v24 =	vmin.f32 v17, v14;
	v17 =	vmin.f32 v17, v12  }
0xbd: {  	v25 =	vmin.f32 v20, v16;
	v20 =	vmin.f32 v20, v15;
	v21 =	vsub.f32 v24, v21  }
0xbe: {  	v19 =	vmax.f32 v19, v11;
	v17 =	vsub.f32 v17, v18;
	v18 =	vsub.f32 v25, v23  }
0xbf: {  	v19 =	vsub.f32 v20, v19  }
0xc0: {  	v18 =	vmax.f32 v18, $0.0e+00;
	v20 =	vmax.f32 v21, $0.0e+00;
	v17 =	vmax.f32 v17, $0.0e+00  }
0xc1: {  	v19 =	vmax.f32 v19, $0.0e+00;
	v18 =	vmul.f32 v20, v18;
	v20 =	vadd.f32 v22, v7  }
0xc2: {  	v17 =	vmul.f32 v17, v19;
	v19 =	vadd.f32 v22, v8  }
0xc3: {  	v20 =	vsub.f32 v20, v18;
	v18 =	vadd.f32 v18, v18  }
0xc4: {  	s4 =	simm.s32 $0x10;
	v19 =	vsub.f32 v19, v17;
	v17 =	vadd.f32 v17, v17  }
0xc5: {  	v21 =	vld [tilespmem:s4+$0xFFFFFFF0];
	v18 =	vsub.f32 v18, v20  }
0xc6: {  	v20 =	vmul.f32 $5.960464480e-08, v20;
	v17 =	vsub.f32 v17, v19;
	v19 =	vmul.f32 $5.960464480e-08, v19;
	_ =	sdelay $0x1  }
0xc7: {  	vm5 =	vgt.f32 v18, v20;
	vm6 =	vgt.f32 v17, v19  }
0xc8: {  	vm5 =	vmor vm5, vm6  }
0xc9: {  	v17 =	vsel vm5, v6, v21  }
0xca: {  	[tilespmem:s4+$0xFFFFFFF0] =	vst v17  }
0xcb: {  	v18 =	vld [tilespmem:s18+$0x0]  }
0xcc: {  	v19 =	vld [tilespmem:s15+$0x0]  }
0xcd: {  	v21 =	vld [tilespmem:s5+$0x0]  }
0xce: {  	v20 =	vld [tilespmem:s6+$0x0];
	_ =	sdelay $0x2  }
0xcf: {  	v22 =	vmin.f32 v18, v16;
	v23 =	vmax.f32 v19, v13  }
0xd0: {  	v62 =	vld [tilespmem:s21+$0x0];
	v18 =	vmin.f32 v18, v15;
	v19 =	vmax.f32 v19, v11;
	v63 =	vmin.f32 v21, v12  }
0xd1: {  	v22 =	vsub.f32 v22, v23;
	v23 =	vmax.f32 v20, v10;
	v20 =	vmax.f32 v20, v9  }
0xd2: {  	v18 =	vsub.f32 v18, v19;
	v19 =	vmin.f32 v21, v14;
	v20 =	vsub.f32 v63, v20  }
0xd3: {  	v19 =	vsub.f32 v19, v23  }
0xd4: {  	v18 =	vmax.f32 v18, $0.0e+00;
	v21 =	vmax.f32 v22, $0.0e+00;
	v20 =	vmax.f32 v20, $0.0e+00  }
0xd5: {  	v19 =	vmax.f32 v19, $0.0e+00;
	v18 =	vmul.f32 v20, v18;
	v20 =	vadd.f32 v62, v8  }
0xd6: {  	v19 =	vmul.f32 v19, v21;
	v21 =	vadd.f32 v62, v7  }
0xd7: {  	v20 =	vsub.f32 v20, v18;
	v18 =	vadd.f32 v18, v18  }
0xd8: {  	v21 =	vsub.f32 v21, v19;
	v19 =	vadd.f32 v19, v19  }
0xd9: {  	v22 =	vld [tilespmem:s4+$0x0];
	v18 =	vsub.f32 v18, v20  }
0xda: {  	v20 =	vmul.f32 $5.960464480e-08, v20;
	v19 =	vsub.f32 v19, v21;
	v21 =	vmul.f32 $5.960464480e-08, v21;
	_ =	sdelay $0x1  }
0xdb: {  	vm5 =	vgt.f32 v17, v6;
	vm6 =	vgt.f32 v18, v20;
	vm7 =	vgt.f32 v19, v21  }
0xdc: {  	s9 =	simm.s32 $0x5030;
	s11 =	simm.s32 $0x1430;
	s13 =	simm.s32 $0x3C30;
	v17 =	vsel vm5, v17, v6;
	v18 =	vimm.s32 $0x0;
	vm6 =	vmor vm7, vm6  }
0xdd: {  	s14 =	simm.s32 $0x1430;
	s31 =	simm.s32 $0x3C30;
	s12 =	simm.s32 $0x2830;
	v19 =	vsel vm5, v6, v17;
	v20 =	vsel vm5, s3, v18;
	v23 =	vsel vm6, v6, v22  }
0xde: {  	s7 =	simm.s32 $0x2;
	s8 =	simm.s32 $0x30;
	s3 =	simm.s32 $0x1;
	v18 =	vsel vm5, v18, v20;
	[tilespmem:s4+$0x0] =	vst v23;
	vm6 =	vgt.f32 v23, v19  }
0xdf: {  	s10 =	simm.s32 $0x6430;
	s21 =	simm.s32 $0x2830;
	s18 =	simm.s32 $0x4;
	vm5 =	vgt.f32 v23, v17;
	v21 =	vld [tilespmem:s9+$0xFFFFFFF0];
	v19 =	vsel vm6, v23, v19;
	v18 =	vsel vm6, s3, v18  }
0xe0: {  	s5 =	simm.s32 $0x50;
	s6 =	simm.s32 $0x6450;
	s4 =	simm.s32 $0x5050;
	v22 =	vld [tilespmem:s21+$0xFFFFFFF0];
	v19 =	vsel vm5, v17, v19;
	v18 =	vsel vm5, v20, v18;
	v17 =	vsel vm5, v23, v17  }
.LBB2_11:
0xe1: {  	v23 =	vld [tilespmem:s11+$0xFFFFFFF0];
	s14 =	sadd.s32 $0x20, s14;
	s21 =	sadd.s32 $0x20, s21;
	s13 =	sadd.s32 $0x20, s13;
	v20 =	vsel vm5, s3, v20  }
0xe2: {  	p2 =	slt.u32 s18, $0x136;
	s15 =	smov.u32 s18;
	s18 =	sadd.s32 $0x2, s18;
	v24 =	vld [tilespmem:s31+$0xFFFFFFF0]  }
0xe3: {  	_ =	sdelay $0x1  }
0xe4: {  	v25 =	vmax.f32 v22, v10;
	v22 =	vmax.f32 v22, v9  }
0xe5: {  	v28 =	vmin.f32 v21, v14;
	v21 =	vmin.f32 v21, v12;
	v26 =	vld [tilespmem:s10+$0xFFFFFFF0];
	v27 =	vmax.f32 v23, v13  }
0xe6: {  	v25 =	vsub.f32 v28, v25;
	v21 =	vsub.f32 v21, v22;
	v29 =	vmin.f32 v24, v16  }
0xe7: {  	v23 =	vmax.f32 v23, v11;
	v24 =	vmin.f32 v24, v15;
	v22 =	vsub.f32 v29, v27  }
0xe8: {  	v23 =	vsub.f32 v24, v23  }
0xe9: {  	v24 =	vmax.f32 v25, $0.0e+00;
	v21 =	vmax.f32 v21, $0.0e+00;
	v22 =	vmax.f32 v22, $0.0e+00  }
0xea: {  	v23 =	vmax.f32 v23, $0.0e+00;
	v22 =	vmul.f32 v24, v22;
	v24 =	vadd.f32 v26, v7  }
0xeb: {  	v21 =	vmul.f32 v21, v23;
	v23 =	vadd.f32 v26, v8  }
0xec: {  	v24 =	vsub.f32 v24, v22;
	v22 =	vadd.f32 v22, v22  }
0xed: {  	v23 =	vsub.f32 v23, v21;
	v21 =	vadd.f32 v21, v21  }
0xee: {  	v25 =	vld [tilespmem:s8+$0xFFFFFFF0];
	v22 =	vsub.f32 v22, v24;
	v24 =	vmul.f32 $5.960464480e-08, v24  }
0xef: {  	v21 =	vsub.f32 v21, v23;
	v23 =	vmul.f32 $5.960464480e-08, v23  }
0xf0: {  	vm5 =	vgt.f32 v22, v24  }
0xf1: {  	vm6 =	vgt.f32 v21, v23  }
0xf2: {  	vm5 =	vmor vm5, vm6  }
0xf3: {  	v21 =	vsel vm5, v6, v25  }
0xf4: {  	[tilespmem:s8+$0xFFFFFFF0] =	vst v21;
	vm5 =	vgt.f32 v21, v19  }
0xf5: {  	v19 =	vsel vm5, v21, v19;
	v18 =	vsel vm5, s7, v18;
	v22 =	vld [tilespmem:s31+$0x0];
	s31 =	smov.u32 s13  }
0xf6: {  	v23 =	vld [tilespmem:s11+$0x0];
	s11 =	smov.u32 s14  }
0xf7: {  	v24 =	vld [tilespmem:s12+$0x0];
	s12 =	smov.u32 s21  }
0xf8: {  	v25 =	vld [tilespmem:s9+$0x0];
	s9 =	smov.u32 s4;
	_ =	sdelay $0x1  }
0xf9: {  	v26 =	vmin.f32 v22, v16;
	v22 =	vmin.f32 v22, v15  }
0xfa: {  	v27 =	vmax.f32 v23, v13;
	v23 =	vmax.f32 v23, v11  }
0xfb: {  	v28 =	vld [tilespmem:s10+$0x0];
	v26 =	vsub.f32 v26, v27;
	v27 =	vmax.f32 v24, v10;
	v22 =	vsub.f32 v22, v23;
	s10 =	smov.u32 s6  }
0xfc: {  	v24 =	vmax.f32 v24, v9;
	v23 =	vmin.f32 v25, v14;
	v25 =	vmin.f32 v25, v12  }
0xfd: {  	v23 =	vsub.f32 v23, v27;
	v24 =	vsub.f32 v25, v24  }
0xfe: {  	v22 =	vmax.f32 v22, $0.0e+00  }
0xff: {  	v25 =	vmax.f32 v26, $0.0e+00;
	v23 =	vmax.f32 v23, $0.0e+00;
	v24 =	vmax.f32 v24, $0.0e+00  }
0x100: {  	v23 =	vmul.f32 v23, v25;
	v22 =	vmul.f32 v24, v22;
	v24 =	vadd.f32 v28, v8  }
0x101: {  	v25 =	vadd.f32 v28, v7  }
0x102: {  	v24 =	vsub.f32 v24, v22;
	v22 =	vadd.f32 v22, v22  }
0x103: {  	v25 =	vsub.f32 v25, v23;
	v23 =	vadd.f32 v23, v23  }
0x104: {  	v26 =	vld [tilespmem:s8+$0x0];
	v22 =	vsub.f32 v22, v24;
	v24 =	vmul.f32 $5.960464480e-08, v24  }
0x105: {  	v23 =	vsub.f32 v23, v25;
	v25 =	vmul.f32 $5.960464480e-08, v25  }
0x106: {  	vm5 =	vgt.f32 v22, v24  }
0x107: {  	vm6 =	vgt.f32 v23, v25  }
.Ltmp7:
0x108: {  	vm7 =	vgt.f32 v21, v17;
	vm5 =	vmor vm6, vm5;
	(pc) =	sbr.rel @p2 .LBB2_11-.Ltmp7, $4  }
0x109: {  	v19 =	vsel vm7, v17, v19;
	v18 =	vsel vm7, v20, v18;
	v23 =	vsel vm5, v6, v26  }
0x10a: {  	s3 =	sadd.s32 $0x1, s7;
	v17 =	vsel vm7, v21, v17;
	v20 =	vsel vm7, s7, v20;
	s7 =	smov.u32 s15;
	[tilespmem:s8+$0x0] =	vst v23;
	vm6 =	vgt.f32 v23, v19;
	s8 =	smov.u32 s5  }
0x10b: {  	vm5 =	vgt.f32 v23, v17;
	v21 =	vld [tilespmem:s4+$0xFFFFFFF0];
	v19 =	vsel vm6, v23, v19;
	v18 =	vsel vm6, s3, v18  }
0x10c: {  	s6 =	sadd.s32 $0x20, s6;
	s5 =	sadd.s32 $0x20, s5;
	s4 =	sadd.s32 $0x20, s4;
	v22 =	vld [tilespmem:s21+$0xFFFFFFF0];
	v19 =	vsel vm5, v17, v19;
	v18 =	vsel vm5, v20, v18;
	v17 =	vsel vm5, v23, v17  }
0x10d: {  	v23 =	vld [tilespmem:s11+$0xFFFFFFF0]  }
0x10e: {  	v24 =	vld [tilespmem:s31+$0xFFFFFFF0];
	_ =	sdelay $0x2  }
0x10f: {  	v26 =	vld [tilespmem:s10+$0xFFFFFFF0];
	v28 =	vmin.f32 v21, v14  }
0x110: {  	v42 =	vmin.f32 v21, v12;
	v25 =	vmax.f32 v22, v10;
	v41 =	vmax.f32 v22, v9  }
0x111: {  	v27 =	vmax.f32 v23, v13;
	v25 =	vsub.f32 v28, v25;
	v43 =	vmin.f32 v24, v16  }
0x112: {  	v24 =	vmin.f32 v24, v15;
	v23 =	vmax.f32 v23, v11;
	v44 =	vsub.f32 v43, v27  }
0x113: {  	v21 =	vsub.f32 v42, v41;
	v23 =	vsub.f32 v24, v23  }
0x114: {  	v46 =	vadd.f32 v26, v7;
	v45 =	vmax.f32 v25, $0.0e+00;
	v22 =	vmax.f32 v44, $0.0e+00  }
0x115: {  	v21 =	vmax.f32 v21, $0.0e+00;
	v23 =	vmax.f32 v23, $0.0e+00;
	v22 =	vmul.f32 v45, v22  }
0x116: {  	v47 =	vadd.f32 v26, v8;
	v21 =	vmul.f32 v21, v23  }
0x117: {  	v24 =	vsub.f32 v46, v22;
	v22 =	vadd.f32 v22, v22  }
0x118: {  	v23 =	vsub.f32 v47, v21;
	v21 =	vadd.f32 v21, v21  }
0x119: {  	v48 =	vld [tilespmem:s8+$0xFFFFFFF0];
	v22 =	vsub.f32 v22, v24  }
0x11a: {  	v24 =	vmul.f32 $5.960464480e-08, v24;
	v21 =	vsub.f32 v21, v23;
	v23 =	vmul.f32 $5.960464480e-08, v23;
	_ =	sdelay $0x1  }
0x11b: {  	vm6 =	vgt.f32 v22, v24;
	vm7 =	vgt.f32 v21, v23  }
0x11c: {  	vm6 =	vmor vm6, vm7  }
0x11d: {  	v21 =	vsel vm6, v6, v48  }
0x11e: {  	[tilespmem:s8+$0xFFFFFFF0] =	vst v21  }
0x11f: {  	v49 =	vld [tilespmem:s31+$0x0]  }
0x120: {  	v50 =	vld [tilespmem:s11+$0x0]  }
0x121: {  	v51 =	vld [tilespmem:s12+$0x0]  }
0x122: {  	v52 =	vld [tilespmem:s9+$0x0];
	_ =	sdelay $0x2  }
0x123: {  	v55 =	vld [tilespmem:s10+$0x0];
	v53 =	vmin.f32 v49, v16  }
0x124: {  	v54 =	vmax.f32 v50, v13;
	v22 =	vmin.f32 v49, v15;
	v23 =	vmax.f32 v50, v11  }
0x125: {  	v56 =	vmin.f32 v52, v12;
	v57 =	vmax.f32 v51, v9;
	v24 =	vmax.f32 v51, v10  }
0x126: {  	v25 =	vmin.f32 v52, v14;
	v22 =	vsub.f32 v22, v23;
	v23 =	vsub.f32 v56, v57  }
0x127: {  	v26 =	vsub.f32 v53, v54;
	v24 =	vsub.f32 v25, v24  }
0x128: {  	v59 =	vadd.f32 v55, v8;
	v22 =	vmax.f32 v22, $0.0e+00;
	v23 =	vmax.f32 v23, $0.0e+00  }
0x129: {  	v58 =	vmax.f32 v26, $0.0e+00;
	v24 =	vmax.f32 v24, $0.0e+00;
	v22 =	vmul.f32 v23, v22  }
0x12a: {  	v60 =	vadd.f32 v55, v7;
	v24 =	vmul.f32 v24, v58  }
0x12b: {  	v23 =	vsub.f32 v59, v22;
	v22 =	vadd.f32 v22, v22  }
0x12c: {  	v25 =	vsub.f32 v60, v24;
	v24 =	vadd.f32 v24, v24  }
0x12d: {  	v61 =	vld [tilespmem:s8+$0x0];
	v22 =	vsub.f32 v22, v23  }
0x12e: {  	v23 =	vmul.f32 $5.960464480e-08, v23;
	v24 =	vsub.f32 v24, v25;
	v25 =	vmul.f32 $5.960464480e-08, v25;
	_ =	sdelay $0x1  }
0x12f: {  	vm6 =	vgt.f32 v22, v23;
	vm7 =	vgt.f32 v24, v25  }
0x130: {  	vm6 =	vmor vm7, vm6  }
0x131: {  	v62 =	vsel vm6, v6, v61  }
0x132: {  	[tilespmem:s8+$0x0] =	vst v62  }
0x133: {  	v63 =	vld [tilespmem:$0x2780]  }
0x134: {  	v28 =	vld [tilespmem:$0x4F80]  }
0x135: {  	v29 =	vld [tilespmem:$0x3B80]  }
0x136: {  	v30 =	vld [tilespmem:$0x6380];
	_ =	sdelay $0x3  }
0x137: {  	v33 =	vld [tilespmem:$0x7780];
	v31 =	vmin.f32 v28, v16  }
0x138: {  	v32 =	vmax.f32 v63, v13;
	v34 =	vmin.f32 v30, v14;
	v35 =	vmax.f32 v29, v10  }
0x139: {  	v36 =	vmin.f32 v28, v15;
	v37 =	vmax.f32 v63, v11;
	v38 =	vmin.f32 v30, v12  }
0x13a: {  	v39 =	vmax.f32 v29, v9;
	v13 =	vsub.f32 v31, v32;
	v10 =	vsub.f32 v34, v35  }
0x13b: {  	v11 =	vsub.f32 v36, v37;
	v9 =	vsub.f32 v38, v39  }
0x13c: {  	v7 =	vadd.f32 v33, v7;
	v13 =	vmax.f32 v13, $0.0e+00;
	v10 =	vmax.f32 v10, $0.0e+00  }
0x13d: {  	v11 =	vmax.f32 v11, $0.0e+00;
	v9 =	vmax.f32 v9, $0.0e+00;
	v10 =	vmul.f32 v10, v13  }
0x13e: {  	v8 =	vadd.f32 v33, v8;
	v9 =	vmul.f32 v9, v11  }
0x13f: {  	v7 =	vsub.f32 v7, v10;
	v10 =	vadd.f32 v10, v10  }
0x140: {  	v8 =	vsub.f32 v8, v9;
	v9 =	vadd.f32 v9, v9  }
0x141: {  	v40 =	vld [tilespmem:$0x1380];
	v10 =	vsub.f32 v10, v7  }
0x142: {  	v7 =	vmul.f32 $5.960464480e-08, v7;
	v9 =	vsub.f32 v9, v8;
	v8 =	vmul.f32 $5.960464480e-08, v8  }
0x143: {  	vm6 =	vgt.f32 v21, v17  }
0x144: {  	v41 =	vsel vm6, v21, v17;
	vm8 =	vgt.f32 v10, v7;
	vm9 =	vgt.f32 v9, v8  }
0x145: {  	vm7 =	vgt.f32 v62, v41;
	vm8 =	vmor vm8, vm9  }
0x146: {  	v7 =	vsel vm7, v62, v41;
	v8 =	vsel vm8, v6, v40  }
0x147: {  	vm8 =	vgt.f32 v8, v7  }
0x148: {  	v42 =	vsel vm8, v8, v7  }
0x149: {  	(xrf0) =	vmax.scan.msk.f32 $0xffff, v42;
	_ =	sdelay $0x2  }
0x14a: {  	v43 =	vsel vm5, s3, v20  }
0x14b: {  	s18 =	sadd.s32 $0x1, s7;
	v44 =	vsel vm6, s7, v43  }
0x14c: {  	v45 =	vsel vm7, s18, v44  }
0x14d: {  	v47 =	vshll.u32 v45, $0x4;
	v46, _, _ =	vpop (xrf0)  }
0x14e: {  	v48 =	vor.u32 $0x1380, v1;
	v15 =	vor.u32 v1, v47;
	v49 =	vbroadcast v46, $0xF  }
0x14f: {  	v15 =	vsel vm8, v48, v15  }
0x150: {  	v16 =	vxor.u32 $0x80000000, v15;
	vm5 =	veq.f32 v42, v49  }
0x151: {  	v16 =	vnsel vm5, $0xFFFFFFFF, v16  }
0x152: {  	(xrf0) =	vmin.scan.msk.u32 $0xffff, v16;
	_ =	sdelay $0x5  }
0x153: {  	(v2sf) =	vpush v46, $0xF;
	v50, _, _ =	vpop (xrf0)  }
0x154: {  	(v2sf) =	vpush v50, $0xF;
	_ =	sdelay $0x9  }
0x155: {  	vm5 =	vgt.f32 v21, v19  }
0x156: {  	v51 =	vsel vm5, v21, v19  }
0x157: {  	v14 =	vsel vm6, v17, v51  }
0x158: {  	vm15 =	vgt.f32 v62, v14  }
0x159: {  	v14 =	vsel vm15, v62, v14;
	s9 =	spop (v2sf)  }
0x15a: {  	v12 =	vsel vm7, v41, v14;
	s4 =	spop (v2sf)  }
0x15b: {  	vm10 =	vgt.f32 v8, v12;
	s5 =	sand.u32 $0xF, s4  }
0x15c: {  	v12 =	vsel vm10, v8, v12;
	v52 =	vmov s5  }
0x15d: {  	v7 =	vsel vm8, v7, v12;
	vm11 =	veq.s32 v52, v1  }
0x15e: {  	v7 =	vsel vm11, v7, v42  }
0x15f: {  	v53 =	vsel vm5, s7, v18;
	(xrf0) =	vmax.scan.msk.f32 $0xffff, v7  }
0x160: {  	v9 =	vsel vm6, v43, v53  }
0x161: {  	v9 =	vsel vm15, s18, v9  }
0x162: {  	v9 =	vsel vm7, v44, v9  }
0x163: {  	v9 =	vsel vm10, $0x138, v9  }
0x164: {  	v9 =	vsel vm8, v45, v9  }
0x165: {  	v9 =	vshll.u32 v9, $0x4;
	v54, _, _ =	vpop (xrf0)  }
0x166: {  	v9 =	vor.u32 v1, v9;
	v55 =	vbroadcast v54, $0xF  }
0x167: {  	v9 =	vsel vm11, v9, v15  }
0x168: {  	vm5 =	veq.f32 v7, v55;
	v7 =	vxor.u32 $0x80000000, v9  }
0x169: {  	v7 =	vnsel vm5, $0xFFFFFFFF, v7  }
0x16a: {  	(xrf0) =	vmin.scan.msk.u32 $0xffff, v7;
	_ =	sdelay $0x5  }
0x16b: {  	(v2sf) =	vpush v54, $0xF;
	v7, _, _ =	vpop (xrf0)  }
0x16c: {  	(v2sf) =	vpush v7, $0xF;
	_ =	sdelay $0xb  }
0x16d: {  	s7 =	sxor.u32 $0x80000000, s4  }
0x16e: {  	v7 =	vmov s7  }
0x16f: {  	s8 =	spop (v2sf)  }
0x170: {  	s21 =	spop (v2sf)  }
0x171: {  	s10 =	sxor.u32 $0x80000000, s21  }
0x172: {  	[tilespmem:$0x1380] =	vst v8;
	v8 =	vmov s10  }
0x173: {  	v56 =	vld.idx.msk [tilespmem:v7+s23+$0x0], $0xffff  }
0x174: {  	v57 =	vld.idx.msk [tilespmem:v7+s24+$0x0], $0xffff  }
0x175: {  	v58 =	vld.idx.msk [tilespmem:v7+s25+$0x0], $0xffff  }
0x176: {  	v59 =	vld.idx.msk [tilespmem:v7+s26+$0x0], $0xffff  }
0x177: {  	v60 =	vld.idx.msk [tilespmem:v8+s23+$0x0], $0xffff  }
0x178: {  	v61 =	vld.idx.msk [tilespmem:v8+s24+$0x0], $0xffff  }
0x179: {  	v62 =	vld.idx.msk [tilespmem:v8+s25+$0x0], $0xffff  }
0x17a: {  	v63 =	vld.idx.msk [tilespmem:v8+s26+$0x0], $0xffff;
	_ =	sdelay $0x2  }
0x17b: {  	v7 =	vld.idx.msk [tilespmem:v7+s30+$0x0], $0xffff  }
0x17c: {  	v8 =	vld.idx.msk [tilespmem:v8+s30+$0x0], $0xffff;
	v11 =	vmin.f32 v58, v62  }
0x17d: {  	v9 =	vmax.f32 v56, v60;
	v12 =	vmin.f32 v59, v63;
	v10 =	vmax.f32 v57, v61  }
0x17e: {  	v9 =	vsub.f32 v11, v9;
	v10 =	vsub.f32 v12, v10;
	_ =	sdelay $0x1  }
0x17f: {  	v9 =	vmax.f32 v9, $0.0e+00;
	v10 =	vmax.f32 v10, $0.0e+00  }
0x180: {  	v7 =	vadd.f32 v8, v7;
	v9 =	vmul.f32 v10, v9;
	_ =	sdelay $0x1  }
0x181: {  	v7 =	vsub.f32 v7, v9;
	v8 =	vadd.f32 v9, v9;
	_ =	sdelay $0x1  }
0x182: {  	v8 =	vsub.f32 v8, v7;
	v7 =	vmul.f32 $5.960464480e-08, v7;
	_ =	sdelay $0x1  }
0x183: {  	vm5 =	vgt.f32 v8, v7  }
0x184: {  	v7 =	vsel vm5, $0x1, v0  }
0x185: {  	v7 =	vor.u32 $0x80000000, v7  }
0x186: {  	(xrf0) =	vmax.scan.msk.u32 $0xffff, v7;
	_ =	sdelay $0x5  }
0x187: {  	v7, _, _ =	vpop (xrf0)  }
0x188: {  	(v2sf) =	vpush v7, $0xF;
	_ =	sdelay $0xb  }
0x189: {  	s11 =	sadd.s32 s20, s17  }
0x18a: {  	p3 =	sge.s32 s11, s1  }
0x18b: {  	p5 =	sgt.f32 @!p3 s9, s22  }
0x18c: {  	p2 =	sgt.f32 s8, s22;
	s31 =	spop (v2sf)  }
0x18d: {  	p4 =	seq.s32 s31, $0x80000000  }
0x18e: {  	p2 =	por !p4, !p2;
	p4 =	por p3, !p5  }
.Ltmp8:
0x18f: {  	_ = 	snop;
	(pc) =	sbr.rel @!p4 .LBB2_10-.Ltmp8, $3  }
0x190: {  	_ =	sdelay $0x1  }
0x191: {  	s17 =	simm.s32 $0x1;
	p2 =	por !p2, !p2  }
0x192: {  	s17 =	simm.s32 @!p2 $0x0  }
.Ltmp9:
0x193: {  	(pc) =	sbr.rel .LBB2_14-.Ltmp9, $4  }
0x194: {  	_ = 	snop  }
0x195: {  	p2 =	sgt.f32 s9, s22;
	s11 =	smov.u32 @p3 s11  }
0x196: {  	s9 =	smov.u32 @p3 s9;
	s7 =	smov.u32 @p3 s7;
	s8 =	smov.u32 @p3 s8  }
0x197: {  	s10 =	smov.u32 @p3 s10;
	s17 =	smov.u32 @p3 s17;
	p2 =	por @!p3 p2, p2  }
.LBB2_9:
0x198: {  	p2 =	sgt.f32 s9, s22;
	s11 =	smov.u32 @p3 s11  }
0x199: {  	s9 =	smov.u32 @p3 s9;
	s7 =	smov.u32 @p3 s7;
	s8 =	smov.u32 @p3 s8  }
0x19a: {  	s10 =	smov.u32 @p3 s10;
	s17 =	smov.u32 @p3 s17;
	p2 =	por @!p3 p2, p2  }
.LBB2_14:
0x19b: {  	s1 =	rddreg [dreg:$0xe]  }
0x19c: {  	[spmem:s1] =	stream.linear.scatter [tilespmem:s28], [sflag:$0x1], $0x80, $0x38;
	[tilespmem:$0x9990] =	vst v63  }
0x19d: {  	_ =	swait.ge [sflag:s19], $0x80  }
0x19e: {  	[sflag:s19] =	ssyncset.done $0x0  }
0x19f: {  	v8 =	vimm.s32 $0x0;
	s15 =	rddreg [dreg:$0xf];
	[sflag:s19] =	ssyncadd.s32 $0xFFFFFF80  }
0x1a0: {  	[spmem:s15] =	stream.linear.scatter [tilespmem:s29], [sflag:$0x1], $0x80, $0x38;
	[tilespmem:$0x9990] =	vst v63  }
0x1a1: {  	_ =	swait.ge [sflag:s19], $0x80  }
0x1a2: {  	p2 =	por !p2, !p2;
	s1 =	simm.s32 $0x1;
	[sflag:s19] =	ssyncset.done $0x0  }
0x1a3: {  	v7 =	vmov s11;
	s3 =	simm.s32 $0x7900;
	s1 =	simm.s32 @!p2 $0x0;
	[sflag:s19] =	ssyncadd.s32 $0xFFFFFF80  }
0x1a4: {  	[tilespmem:v8+s3+$0x0] =	vst.idx.msk $0x1, v7;
	v7 =	vmov s1  }
0x1a5: {  	s18 =	rddreg [dreg:$0x10];
	[tilespmem:v4+s3+$0x0] =	vst.idx.msk $0x1, v7  }
0x1a6: {  	[spmem:s18] =	stream.linear.scatter [tilespmem:s3], [sflag:$0x1], $0x80, $0x38;
	[tilespmem:$0x9990] =	vst v63  }
0x1a7: {  	_ =	swait.ge [sflag:s19], $0x80  }
0x1a8: {  	[sflag:s19] =	ssyncset.done $0x0  }
0x1a9: {  	[sflag:s19] =	ssyncadd.s32 $0xFFFFFF80  }
0x1aa: {  	[bflag:$0x0] =	sbarrier.arrive $0xFFFF  }
0x1ab: {  	s20 =	rddreg [dreg:$0x11]  }
0x1ac: {  	[tilespmem:s0], [sflag:$0x1] =	stream.linear.gather [spmem:s20], $0x800, $0x38;
	[tilespmem:$0x9990] =	vst v63  }
0x1ad: {  	_ =	swait.ge [sflag:s19], $0x800  }
0x1ae: {  	[sflag:s19] =	ssyncset.done $0x0  }
0x1af: {  	s31 =	simm.s32 $0x8980;
	v7 =	vmul.u32 $0x80, v1;
	s21 =	rddreg [dreg:$0x12];
	[sflag:s19] =	ssyncadd.s32 $0xFFFFF800  }
0x1b0: {  	[tilespmem:s31], [sflag:$0x1] =	stream.linear.gather [spmem:s21], $0x800, $0x38;
	[tilespmem:$0x9990] =	vst v63  }
0x1b1: {  	v10 =	vor.u32 $0x1, v7;
	_ =	swait.ge [sflag:s19], $0x800  }
0x1b2: {  	[sflag:s19] =	ssyncset.done $0x0  }
0x1b3: {  	[sflag:s19] =	ssyncadd.s32 $0xFFFFF800  }
0x1b4: {  	[bflag:$0x0] =	sbarrier.arrive $0xFFFF  }
0x1b5: {  	v9 =	vld.idx.msk [tilespmem:v7+s31+$0x0], $0xffff  }
0x1b6: {  	s1 =	simm.s32 $0x63;
	v11 =	vadd.s32 v7, v8;
	v10 =	vld.idx.msk [tilespmem:v10+s31+$0x0], $0xffff  }
.LBB2_15:
0x1b7: {  	p2 =	sne.s32 s1, $0x1;
	_ =	sdelay $0x3  }
0x1b8: {  	v11 =	vld.idx.msk [tilespmem:v11+s0+$0x0], $0xffff;
	_ =	sdelay $0x5  }
0x1b9: {  	(xrf0) =	vmax.scan.msk.f32 $0xffff, v11;
	_ =	sdelay $0x5  }
0x1ba: {  	v12, _, _ =	vpop (xrf0)  }
0x1bb: {  	v13 =	vbroadcast v12, $0xF;
	_ =	sdelay $0x1  }
0x1bc: {  	vm5 =	veq.f32 v11, v13  }
0x1bd: {  	v11 =	vnsel vm5, $0xFFFFFFFF, v2  }
0x1be: {  	(xrf0) =	vmin.scan.msk.u32 $0xffff, v11;
	_ =	sdelay $0x5  }
0x1bf: {  	v11, _, _ =	vpop (xrf0)  }
0x1c0: {  	(v2sf) =	vpush v11, $0xF;
	_ =	sdelay $0x1  }
0x1c1: {  	(v2sf) =	vpush v12, $0xF;
	_ =	sdelay $0xc  }
0x1c2: {  	s3 =	spop (v2sf)  }
0x1c3: {  	s3 =	sxor.u32 $0x80000000, s3  }
0x1c4: {  	p3 =	slt.s32 s3, $0xF;
	s4 =	spop (v2sf)  }
0x1c5: {  	p4 =	sgt.f32 s4, s22;
	s3 =	simm.s32 @!p3 $0xF  }
0x1c6: {  	vm6 =	vmmov vm1;
	v11 =	vmov s3  }
.Ltmp10:
0x1c7: {  	vm5 =	veq.s32 v11, v1;
	vm6 =	vmneg @p4 vm6;
	(pc) =	sbr.rel @p2 .LBB2_15-.Ltmp10, $4  }
0x1c8: {  	vm5 =	vmand vm6, vm5  }
0x1c9: {  	v11 =	vsel vm5, $0x1, v0  }
0x1ca: {  	v8 =	vadd.s32 v11, v8  }
0x1cb: {  	s1 =	sadd.s32 $0xFFFFFFFF, s1;
	v11 =	vadd.s32 v7, v8  }
0x1cc: {  	_ =	sdelay $0x3  }
0x1cd: {  	v11 =	vld.idx.msk [tilespmem:v11+s0+$0x0], $0xffff;
	_ =	sdelay $0x4  }
0x1ce: {  	(xrf0) =	vmax.scan.msk.f32 $0xffff, v11;
	_ =	sdelay $0x5  }
0x1cf: {  	v12, _, _ =	vpop (xrf0)  }
0x1d0: {  	v13 =	vbroadcast v12, $0xF;
	_ =	sdelay $0x1  }
0x1d1: {  	vm5 =	veq.f32 v11, v13  }
0x1d2: {  	v11 =	vnsel vm5, $0xFFFFFFFF, v2  }
0x1d3: {  	(xrf0) =	vmin.scan.msk.u32 $0xffff, v11;
	_ =	sdelay $0x5  }
0x1d4: {  	v11, _, _ =	vpop (xrf0)  }
0x1d5: {  	(v2sf) =	vpush v11, $0xF;
	_ =	sdelay $0x1  }
0x1d6: {  	(v2sf) =	vpush v12, $0xF;
	_ =	sdelay $0xc  }
0x1d7: {  	s1 =	spop (v2sf)  }
0x1d8: {  	s1 =	sxor.u32 $0x80000000, s1  }
0x1d9: {  	s3 =	spop (v2sf);
	p2 =	slt.s32 s1, $0xF  }
0x1da: {  	p3 =	sgt.f32 s3, s22;
	s1 =	simm.s32 @!p2 $0xF  }
0x1db: {  	vm5 =	vmmov vm1;
	v62 =	vmov s1  }
0x1dc: {  	vm5 =	vmneg @p3 vm5;
	vm6 =	veq.s32 v62, v1  }
0x1dd: {  	vm5 =	vmand vm5, vm6  }
0x1de: {  	v63 =	vsel vm5, $0x1, v0  }
0x1df: {  	v8 =	vadd.s32 v63, v8  }
0x1e0: {  	vm6 =	veq.s32 v10, $0x0;
	vm5 =	veq.s32 v8, v9  }
0x1e1: {  	vm5 =	vmand vm6, vm5;
	vm6 =	vlt.s32 v9, $0x64  }
0x1e2: {  	vm5 =	vmand vm6, vm5  }
0x1e3: {  	v8 =	vsel vm5, $0x3F800000, v5  }
0x1e4: {  	(xrf0) =	vmax.scan.msk.f32 $0xffff, v8  }
0x1e5: {  	vm5 =	vmand vm2, vm5  }
0x1e6: {  	v8 =	vsel vm5, $0x1, v0  }
0x1e7: {  	v8 =	vor.u32 $0x80000000, v8;
	_ =	sdelay $0x2  }
0x1e8: {  	(xrf0) =	vmax.scan.msk.u32 $0xffff, v8;
	v8, _, _ =	vpop (xrf0)  }
0x1e9: {  	(v2sf) =	vpush v8, $0xF;
	_ =	sdelay $0x5  }
0x1ea: {  	v8, _, _ =	vpop (xrf0)  }
0x1eb: {  	(v2sf) =	vpush v8, $0xF;
	_ =	sdelay $0x7  }
0x1ec: {  	s21 =	spop (v2sf)  }
0x1ed: {  	s1 =	sadd.s32 $0x18, s11;
	p2 =	sgt.f32 s21, $0.0e+00  }
0x1ee: {  	p3 =	slt.s32 s1, $0x64  }
0x1ef: {  	s1 =	simm.s32 @!p3 $0x64;
	p3 =	slt.u32 @p2 s2, $0x7  }
0x1f0: {  	p2 =	por !p2, !p3  }
.Ltmp11:
0x1f1: {  	_ = 	snop;
	(pc) =	sbr.rel @!p2 .LBB2_8-.Ltmp11, $4  }
0x1f2: {  	_ = 	snop  }
0x1f3: {  	s31 =	spop (v2sf)  }
0x1f4: {  	p4 =	sgt.u32 s31, $0x80000000  }
0x1f5: {  	s2 =	sadd.s32 $0x1, s2;
	s1 =	simm.s32 @!p4 $0x0  }
.Ltmp12:
0x1f6: {  	(pc) =	sbr.rel @p1 .LBB2_27-.Ltmp12, $3  }
0x1f7: {  	_ =	sdelay $0x1  }
0x1f8: {  	s14 =	simm.s32 $0x0;
	s6 =	simm.s32 $0x8180;
	s8 =	simm.s32 $0x9180  }
0x1f9: {  	s9 =	simm.s32 $0x9200;
	s10 =	simm.s32 $0x9300;
	s2 =	rddreg [dreg:$0x18]  }
0x1fa: {  	s1 =	rddreg [dreg:$0x13]  }
0x1fb: {  	[tilespmem:s6], [sflag:$0x1] =	stream.linear.gather [spmem:s1], $0x800, $0x38;
	[tilespmem:$0x9990] =	vst v63  }
0x1fc: {  	_ =	swait.ge [sflag:s19], $0x800  }
0x1fd: {  	[sflag:s19] =	ssyncset.done $0x0  }
0x1fe: {  	[sflag:s19] =	ssyncadd.s32 $0xFFFFF800  }
0x1ff: {  	[tilespmem:$0x9400] =	vst v5  }
0x200: {  	[tilespmem:$0x9410] =	vst v5  }
0x201: {  	[tilespmem:$0x9420] =	vst v5  }
0x202: {  	[tilespmem:$0x9430] =	vst v5  }
0x203: {  	[tilespmem:$0x9440] =	vst v5  }
0x204: {  	[tilespmem:$0x9450] =	vst v5  }
0x205: {  	[tilespmem:$0x9460] =	vst v5  }
0x206: {  	[tilespmem:$0x9470] =	vst v5  }
0x207: {  	[tilespmem:$0x9480] =	vst v5  }
0x208: {  	[tilespmem:$0x9490] =	vst v5  }
0x209: {  	[tilespmem:$0x94A0] =	vst v5  }
0x20a: {  	[tilespmem:$0x94B0] =	vst v5  }
0x20b: {  	[tilespmem:$0x94C0] =	vst v5  }
0x20c: {  	[tilespmem:$0x94D0] =	vst v5  }
0x20d: {  	[tilespmem:$0x94E0] =	vst v5  }
0x20e: {  	[tilespmem:$0x94F0] =	vst v5  }
0x20f: {  	[tilespmem:$0x9500] =	vst v5  }
0x210: {  	[tilespmem:$0x9510] =	vst v5  }
0x211: {  	[tilespmem:$0x9520] =	vst v5  }
0x212: {  	[tilespmem:$0x9530] =	vst v5  }
0x213: {  	[tilespmem:$0x9540] =	vst v5  }
0x214: {  	[tilespmem:$0x9550] =	vst v5  }
0x215: {  	[tilespmem:$0x9560] =	vst v5  }
0x216: {  	[tilespmem:$0x9570] =	vst v5  }
0x217: {  	[tilespmem:$0x9580] =	vst v5  }
0x218: {  	[tilespmem:$0x9590] =	vst v5  }
0x219: {  	[tilespmem:$0x95A0] =	vst v5  }
0x21a: {  	[tilespmem:$0x95B0] =	vst v5  }
0x21b: {  	[tilespmem:$0x95C0] =	vst v5  }
0x21c: {  	[tilespmem:$0x95D0] =	vst v5  }
0x21d: {  	[tilespmem:$0x95E0] =	vst v5  }
0x21e: {  	[tilespmem:$0x95F0] =	vst v5  }
0x21f: {  	v6 =	vimm.s32 $0x0;
	[tilespmem:$0x9600] =	vst v5  }
0x220: {  	[tilespmem:$0x9680] =	vst v6  }
0x221: {  	[tilespmem:$0x9300] =	vst v6  }
0x222: {  	[tilespmem:$0x9280] =	vst v6  }
0x223: {  	[tilespmem:$0x9610] =	vst v5  }
0x224: {  	[tilespmem:$0x9690] =	vst v6  }
0x225: {  	[tilespmem:$0x9310] =	vst v6  }
0x226: {  	[tilespmem:$0x9290] =	vst v6  }
0x227: {  	[tilespmem:$0x9620] =	vst v5  }
0x228: {  	[tilespmem:$0x96A0] =	vst v6  }
0x229: {  	[tilespmem:$0x9320] =	vst v6  }
0x22a: {  	[tilespmem:$0x92A0] =	vst v6  }
0x22b: {  	[tilespmem:$0x9630] =	vst v5  }
0x22c: {  	[tilespmem:$0x96B0] =	vst v6  }
0x22d: {  	[tilespmem:$0x9330] =	vst v6  }
0x22e: {  	[tilespmem:$0x92B0] =	vst v6  }
0x22f: {  	[tilespmem:$0x9640] =	vst v5  }
0x230: {  	[tilespmem:$0x96C0] =	vst v6  }
0x231: {  	[tilespmem:$0x9340] =	vst v6  }
0x232: {  	[tilespmem:$0x92C0] =	vst v6  }
0x233: {  	[tilespmem:$0x9650] =	vst v5  }
0x234: {  	[tilespmem:$0x96D0] =	vst v6  }
0x235: {  	[tilespmem:$0x9350] =	vst v6  }
0x236: {  	[tilespmem:$0x92D0] =	vst v6  }
0x237: {  	[tilespmem:$0x9660] =	vst v5  }
0x238: {  	[tilespmem:$0x96E0] =	vst v6  }
0x239: {  	[tilespmem:$0x9360] =	vst v6  }
0x23a: {  	v8 =	vadd.s32 v7, v6;
	[tilespmem:$0x92E0] =	vst v6  }
0x23b: {  	[tilespmem:$0x9670] =	vst v5  }
0x23c: {  	[tilespmem:$0x96F0] =	vst v6  }
0x23d: {  	[tilespmem:$0x9370] =	vst v6  }
0x23e: {  	[tilespmem:$0x92F0] =	vst v6  }
0x23f: {  	v8 =	vld.idx.msk [tilespmem:v8+s0+$0x0], $0xffff;
	_ =	sdelay $0x4  }
0x240: {  	(xrf0) =	vmax.scan.msk.f32 $0xffff, v8;
	_ =	sdelay $0x5  }
0x241: {  	v9, _, _ =	vpop (xrf0)  }
0x242: {  	v10 =	vbroadcast v9, $0xF;
	_ =	sdelay $0x1  }
0x243: {  	vm5 =	veq.f32 v8, v10  }
0x244: {  	v8 =	vnsel vm5, $0xFFFFFFFF, v2  }
0x245: {  	(xrf0) =	vmin.scan.msk.u32 $0xffff, v8;
	_ =	sdelay $0x5  }
0x246: {  	(v2sf) =	vpush v9, $0xF;
	v8, _, _ =	vpop (xrf0)  }
0x247: {  	(v2sf) =	vpush v8, $0xF;
	_ =	sdelay $0xd  }
0x248: {  	s2 =	spop (v2sf)  }
0x249: {  	s20 =	spop (v2sf)  }
0x24a: {  	s1 =	sxor.u32 $0x80000000, s20  }
0x24b: {  	p2 =	slt.s32 s1, $0xF  }
0x24c: {  	s1 =	simm.s32 @!p2 $0xF  }
0x24d: {  	v9 =	vmov s1  }
0x24e: {  	v8 =	vxor.u32 $0x80000000, v6;
	vm5 =	veq.s32 v9, v1  }
0x24f: {  	v8 =	vnsel vm5, $0x80000000, v8  }
0x250: {  	(xrf0) =	vmax.scan.msk.u32 $0xffff, v8;
	_ =	sdelay $0x5  }
0x251: {  	v8, _, _ =	vpop (xrf0)  }
0x252: {  	(v2sf) =	vpush v8, $0xF;
	_ =	sdelay $0xe  }
0x253: {  	s21 =	spop (v2sf)  }
0x254: {  	s1 =	sxor.u32 $0x80000000, s21  }
0x255: {  	v8 =	vmov s1  }
0x256: {  	v12 =	vshll.u32 v9, $0x7;
	v11 =	vand.u32 $0xFFFFFF80, v8  }
0x257: {  	v8 =	vand.u32 $0x7F, v8;
	v11 =	vadd.s32 v12, v11  }
0x258: {  	v8 =	vor.u32 v8, v11;
	_ =	sdelay $0x4  }
0x259: {  	v8 =	vld.idx.msk [tilespmem:v8+s6+$0x0], $0xffff;
	_ =	sdelay $0x4  }
0x25a: {  	v8 =	vxor.u32 $0x80000000, v8  }
0x25b: {  	(xrf0) =	vmax.scan.msk.u32 $0xffff, v8;
	_ =	sdelay $0x5  }
0x25c: {  	v8, _, _ =	vpop (xrf0)  }
0x25d: {  	(v2sf) =	vpush v8, $0xF;
	_ =	sdelay $0x7  }
0x25e: {  	s1 =	simm.s32 $0x0  }
0x25f: {  	p2 =	sgt.f32 s2, s22;
	v8 =	vmov s1  }
0x260: {  	vm6 =	vmmov vm1  }
0x261: {  	vm6 =	vmneg @p2 vm6  }
0x262: {  	vm5 =	vmand vm6, vm5  }
0x263: {  	v11 =	vsel vm5, $0x1, v0  }
0x264: {  	v6 =	vadd.s32 v11, v6;
	[tilespmem:v8+s8+$0x0] =	vst.idx.msk $0x1, v10  }
0x265: {  	[tilespmem:v8+s9+$0x0] =	vst.idx.msk $0x1, v9;
	v9 =	vadd.s32 v7, v6;
	s31 =	spop (v2sf)  }
0x266: {  	s3 =	simm.s32 $0x1;
	s2 =	sxor.u32 $0x80000000, s31  }
0x267: {  	s3 =	simm.s32 @!p2 $0x0;
	v10 =	vmov s2  }
0x268: {  	s7 =	simm.s32 $0x2;
	s2 =	simm.s32 $0x1;
	[tilespmem:v8+s16+$0x0] =	vst.idx.msk $0x1, v10;
	v10 =	vmov s3  }
.LBB2_19:
0x269: {  	p2 =	sne.s32 s7, $0x63;
	[tilespmem:v8+s10+$0x0] =	vst.idx.msk $0x1, v10;
	s3 =	smov.u32 s7;
	s7 =	sadd.s32 $0x1, s7  }
0x26a: {  	v8 =	vld.idx.msk [tilespmem:v9+s0+$0x0], $0xffff;
	_ =	sdelay $0x5  }
0x26b: {  	(xrf0) =	vmax.scan.msk.f32 $0xffff, v8;
	_ =	sdelay $0x5  }
0x26c: {  	v9, _, _ =	vpop (xrf0)  }
0x26d: {  	v10 =	vbroadcast v9, $0xF;
	(v2sf) =	vpush v9, $0xF;
	_ =	sdelay $0x1  }
0x26e: {  	vm5 =	veq.f32 v8, v10  }
0x26f: {  	v8 =	vnsel vm5, $0xFFFFFFFF, v2  }
0x270: {  	(xrf0) =	vmin.scan.msk.u32 $0xffff, v8;
	_ =	sdelay $0x5  }
0x271: {  	v8, _, _ =	vpop (xrf0)  }
0x272: {  	(v2sf) =	vpush v8, $0xF;
	_ =	sdelay $0x3  }
0x273: {  	s4 =	spop (v2sf);
	_ =	sdelay $0xa  }
0x274: {  	s5 =	spop (v2sf)  }
0x275: {  	s5 =	sxor.u32 $0x80000000, s5  }
0x276: {  	p3 =	slt.s32 s5, $0xF  }
0x277: {  	p4 =	sgt.f32 s4, s22;
	s5 =	simm.s32 @!p3 $0xF  }
0x278: {  	vm6 =	vmmov vm1;
	s4 =	simm.s32 $0x1;
	v9 =	vmov s5  }
0x279: {  	v8 =	vxor.u32 $0x80000000, v6;
	s4 =	simm.s32 @!p4 $0x0;
	vm6 =	vmneg @p4 vm6;
	vm5 =	veq.s32 v9, v1  }
0x27a: {  	v8 =	vnsel vm5, $0x80000000, v8;
	vm5 =	vmand vm6, vm5  }
0x27b: {  	v11 =	vsel vm5, $0x1, v0;
	(xrf0) =	vmax.scan.msk.u32 $0xffff, v8  }
0x27c: {  	v6 =	vadd.s32 v11, v6;
	_ =	sdelay $0x4  }
0x27d: {  	v8, _, _ =	vpop (xrf0)  }
0x27e: {  	(v2sf) =	vpush v8, $0xF;
	_ =	sdelay $0xe  }
0x27f: {  	s5 =	spop (v2sf)  }
0x280: {  	s5 =	sxor.u32 $0x80000000, s5  }
0x281: {  	v8 =	vmov s5  }
0x282: {  	v12 =	vshll.u32 v9, $0x7;
	v11 =	vand.u32 $0xFFFFFF80, v8  }
0x283: {  	v8 =	vand.u32 $0x7F, v8;
	v11 =	vadd.s32 v12, v11  }
0x284: {  	v11 =	vor.u32 v8, v11  }
0x285: {  	v8 =	vmov s2;
	s2 =	smov.u32 s3;
	_ =	sdelay $0x3  }
0x286: {  	v11 =	vld.idx.msk [tilespmem:v11+s6+$0x0], $0xffff  }
0x287: {  	[tilespmem:v8+s8+$0x0] =	vst.idx.msk $0x1, v10  }
0x288: {  	[tilespmem:v8+s9+$0x0] =	vst.idx.msk $0x1, v9;
	_ =	sdelay $0x3  }
0x289: {  	v9 =	vxor.u32 $0x80000000, v11  }
0x28a: {  	(xrf0) =	vmax.scan.msk.u32 $0xffff, v9;
	_ =	sdelay $0x5  }
0x28b: {  	v9, _, _ =	vpop (xrf0)  }
0x28c: {  	(v2sf) =	vpush v9, $0xF;
	_ =	sdelay $0xd  }
.Ltmp13:
0x28d: {  	(pc) =	sbr.rel @p2 .LBB2_19-.Ltmp13, $4  }
0x28e: {  	v9 =	vadd.s32 v7, v6;
	s3 =	spop (v2sf)  }
0x28f: {  	s3 =	sxor.u32 $0x80000000, s3  }
0x290: {  	v10 =	vmov s3  }
0x291: {  	[tilespmem:v8+s16+$0x0] =	vst.idx.msk $0x1, v10;
	v10 =	vmov s4  }
0x292: {  	_ =	sdelay $0x3  }
0x293: {  	[tilespmem:v8+s10+$0x0] =	vst.idx.msk $0x1, v10  }
0x294: {  	v7 =	vld.idx.msk [tilespmem:v9+s0+$0x0], $0xffff;
	_ =	sdelay $0x4  }
0x295: {  	(xrf0) =	vmax.scan.msk.f32 $0xffff, v7;
	_ =	sdelay $0x5  }
0x296: {  	v60, _, _ =	vpop (xrf0)  }
0x297: {  	v61 =	vbroadcast v60, $0xF;
	_ =	sdelay $0x1  }
0x298: {  	vm5 =	veq.f32 v7, v61  }
0x299: {  	v7 =	vnsel vm5, $0xFFFFFFFF, v2  }
0x29a: {  	(xrf0) =	vmin.scan.msk.u32 $0xffff, v7;
	_ =	sdelay $0x5  }
0x29b: {  	(v2sf) =	vpush v60, $0xF;
	v7, _, _ =	vpop (xrf0)  }
0x29c: {  	(v2sf) =	vpush v7, $0xF;
	_ =	sdelay $0xd  }
0x29d: {  	s3 =	spop (v2sf)  }
0x29e: {  	s4 =	spop (v2sf)  }
0x29f: {  	s4 =	sxor.u32 $0x80000000, s4  }
0x2a0: {  	p2 =	slt.s32 s4, $0xF  }
0x2a1: {  	s4 =	simm.s32 @!p2 $0xF  }
0x2a2: {  	v7 =	vmov s4  }
0x2a3: {  	v6 =	vxor.u32 $0x80000000, v6;
	vm5 =	veq.s32 v7, v1  }
0x2a4: {  	v6 =	vnsel vm5, $0x80000000, v6  }
0x2a5: {  	(xrf0) =	vmax.scan.msk.u32 $0xffff, v6;
	_ =	sdelay $0x5  }
0x2a6: {  	v6, _, _ =	vpop (xrf0)  }
0x2a7: {  	(v2sf) =	vpush v6, $0xF;
	_ =	sdelay $0xe  }
0x2a8: {  	s21 =	spop (v2sf)  }
0x2a9: {  	s4 =	sxor.u32 $0x80000000, s21  }
0x2aa: {  	v6 =	vmov s4  }
0x2ab: {  	v63 =	vshll.u32 v7, $0x7;
	v62 =	vand.u32 $0xFFFFFF80, v6  }
0x2ac: {  	v6 =	vand.u32 $0x7F, v6;
	v8 =	vadd.s32 v63, v62  }
0x2ad: {  	v6 =	vor.u32 v6, v8;
	_ =	sdelay $0x4  }
0x2ae: {  	v6 =	vld.idx.msk [tilespmem:v6+s6+$0x0], $0xffff;
	_ =	sdelay $0x4  }
0x2af: {  	v6 =	vxor.u32 $0x80000000, v6  }
0x2b0: {  	(xrf0) =	vmax.scan.msk.u32 $0xffff, v6;
	_ =	sdelay $0x5  }
0x2b1: {  	v6, _, _ =	vpop (xrf0)  }
0x2b2: {  	(v2sf) =	vpush v6, $0xF;
	_ =	sdelay $0xa  }
0x2b3: {  	v6 =	vmov s2;
	_ =	sdelay $0x3  }
0x2b4: {  	p2 =	sgt.f32 s3, s22;
	s31 =	spop (v2sf)  }
0x2b5: {  	s3 =	simm.s32 $0x1;
	[tilespmem:v6+s8+$0x0] =	vst.idx.msk $0x1, v61;
	s2 =	sxor.u32 $0x80000000, s31  }
0x2b6: {  	s3 =	simm.s32 @!p2 $0x0;
	[tilespmem:v6+s9+$0x0] =	vst.idx.msk $0x1, v7;
	v7 =	vmov s2  }
0x2b7: {  	s11 =	simm.s32 $0x9600;
	[tilespmem:v6+s16+$0x0] =	vst.idx.msk $0x1, v7;
	v7 =	vmov s3  }
0x2b8: {  	s12 =	simm.s32 $0x9680;
	s13 =	simm.s32 $0x9400;
	[tilespmem:v6+s10+$0x0] =	vst.idx.msk $0x1, v7;
	s10 =	simm.s32 $0x9380  }
.LBB2_21:
0x2b9: {  	v6 =	vmov s1;
	_ =	sdelay $0x3  }
0x2ba: {  	s2 =	simm.s32 $0x9280  }
0x2bb: {  	v7 =	vld.idx.msk [tilespmem:v6+s2+$0x0], $0xffff;
	_ =	sdelay $0x4  }
0x2bc: {  	v7 =	vxor.u32 $0x80000000, v7  }
0x2bd: {  	(xrf0) =	vmax.scan.msk.u32 $0xffff, v7;
	_ =	sdelay $0x5  }
0x2be: {  	v7, _, _ =	vpop (xrf0)  }
0x2bf: {  	(v2sf) =	vpush v7, $0xF;
	_ =	sdelay $0x8  }
0x2c0: {  	s3 =	simm.s32 $0x9300  }
0x2c1: {  	v9 =	vld [tilespmem:s3+$0x0];
	_ =	sdelay $0x1  }
0x2c2: {  	s31 =	simm.s32 $0x9290;
	v8 =	vld [tilespmem:s2+$0x0]  }
0x2c3: {  	s5 =	simm.s32 $0x9310;
	v10 =	vld [tilespmem:s31+$0x0]  }
0x2c4: {  	s15 =	simm.s32 $0x9320;
	v11 =	vld [tilespmem:s5+$0x0]  }
0x2c5: {  	vm6 =	vgt.s32 v9, $0x0;
	v9 =	vld [tilespmem:s15+$0x0];
	s4 =	spop (v2sf)  }
0x2c6: {  	s6 =	simm.s32 $0x92A0;
	s4 =	sxor.u32 $0x80000000, s4  }
0x2c7: {  	s7 =	simm.s32 $0x0;
	v12 =	vld [tilespmem:s6+$0x0];
	v7 =	vmov s4  }
0x2c8: {  	vm5 =	veq.s32 v8, v7;
	v8 =	vor.u32 s7, v1  }
0x2c9: {  	vm7 =	vgt.s32 v11, $0x0;
	vm5 =	vmand vm5, vm6;
	vm6 =	vlt.u32 v8, v6  }
0x2ca: {  	s17 =	simm.s32 $0x10;
	vm8 =	vgt.s32 v9, $0x0;
	vm5 =	vmand vm6, vm5;
	vm6 =	veq.s32 v10, v7  }
0x2cb: {  	s18 =	simm.s32 $0x20;
	v8 =	vor.u32 s17, v1;
	v10 =	vsel vm5, $0x3F800000, v5;
	vm5 =	vmand vm6, vm7  }
0x2cc: {  	vm6 =	vlt.u32 v8, v6;
	v8 =	vor.u32 s18, v1;
	vm7 =	veq.s32 v12, v7  }
0x2cd: {  	s20 =	simm.s32 $0x92B0;
	vm5 =	vmand vm6, vm5;
	vm6 =	vmand vm7, vm8;
	vm7 =	vlt.u32 v8, v6;
	(xrf0) =	vmax.scan.msk.f32 $0xffff, v10  }
0x2ce: {  	v9 =	vld [tilespmem:s20+$0x0];
	v8 =	vsel vm5, $0x3F800000, v5;
	vm5 =	vmand vm7, vm6  }
0x2cf: {  	(xrf0) =	vmax.scan.msk.f32 $0xffff, v8;
	v8 =	vsel vm5, $0x3F800000, v5  }
0x2d0: {  	(xrf0) =	vmax.scan.msk.f32 $0xffff, v8;
	_ =	sdelay $0x2  }
0x2d1: {  	vm5 =	veq.s32 v9, v7;
	v9, _, _ =	vpop (xrf0)  }
0x2d2: {  	(v2sf) =	vpush v9, $0xF  }
0x2d3: {  	s21 =	simm.s32 $0x9330;
	v9, _, _ =	vpop (xrf0)  }
0x2d4: {  	v10 =	vld [tilespmem:s21+$0x0];
	(v2sf) =	vpush v9, $0xF;
	v63, _, _ =	vpop (xrf0)  }
0x2d5: {  	(v2sf) =	vpush v63, $0xF;
	_ =	sdelay $0x2  }
0x2d6: {  	s22 =	simm.s32 $0x30;
	s2 =	simm.s32 $0x9340  }
0x2d7: {  	s31 =	simm.s32 $0x92C0;
	v8 =	vor.u32 s22, v1;
	vm6 =	vgt.s32 v10, $0x0;
	v10 =	vld [tilespmem:s2+$0x0]  }
0x2d8: {  	vm5 =	vmand vm5, vm6;
	vm6 =	vlt.u32 v8, v6;
	v9 =	vld [tilespmem:s31+$0x0]  }
0x2d9: {  	vm5 =	vmand vm6, vm5  }
0x2da: {  	v11 =	vsel vm5, $0x3F800000, v5  }
0x2db: {  	p2 =	por $0x0, $0x0;
	(xrf0) =	vmax.scan.msk.f32 $0xffff, v11  }
0x2dc: {  	s5 =	simm.s32 $0x92D0;
	s4 =	simm.s32 $0x40;
	v8 =	vld.idx.msk [tilespmem:v6+s3+$0x0], $0xffff;
	s3 =	simm.s32 $0x50  }
.LBB2_22:
0x2dd: {  	v11 =	vor.u32 s4, v1;
	vm5 =	veq.s32 v9, v7;
	v9 =	vld [tilespmem:s5+$0x0];
	vm6 =	vgt.s32 v10, $0x0;
	s2 =	sadd.s32 $0x10, s2;
	s4 =	smov.u32 s3;
	p3 =	sne.s32 s3, $0x70  }
.Ltmp14:
0x2de: {  	s3 =	sadd.s32 $0x10, s3;
	v10 =	vld [tilespmem:s2+$0x0];
	vm5 =	vmand vm5, vm6;
	vm6 =	vlt.u32 v11, v6;
	(pc) =	sbr.rel @p3 .LBB2_22-.Ltmp14, $4  }
0x2df: {  	vm5 =	vmand vm6, vm5;
	s6 =	spop (v2sf)  }
0x2e0: {  	v12 =	vsel vm5, $0x3F800000, v5;
	p4 =	sgt.f32 s6, $0.0e+00  }
0x2e1: {  	(xrf0) =	vmax.scan.msk.f32 $0xffff, v12;
	v11, _, _ =	vpop (xrf0)  }
0x2e2: {  	s5 =	sadd.s32 $0x10, s5;
	(v2sf) =	vpush v11, $0xF;
	p2 =	por p2, p4  }
0x2e3: {  	v11 =	vor.u32 s4, v1;
	vm5 =	veq.s32 v9, v7;
	vm6 =	vgt.s32 v10, $0x0  }
0x2e4: {  	vm5 =	vmand vm5, vm6;
	vm6 =	vlt.u32 v11, v6  }
0x2e5: {  	vm5 =	vmand vm6, vm5  }
0x2e6: {  	v7 =	vsel vm5, $0x3F800000, v5  }
0x2e7: {  	(xrf0) =	vmax.scan.msk.f32 $0xffff, v7;
	_ =	sdelay $0x1  }
0x2e8: {  	v7 =	vxor.u32 $0x80000000, v8  }
0x2e9: {  	(xrf0) =	vmax.scan.msk.u32 $0xffff, v7;
	_ =	sdelay $0x1  }
0x2ea: {  	v7, _, _ =	vpop (xrf0)  }
0x2eb: {  	(v2sf) =	vpush v7, $0xF;
	v7, _, _ =	vpop (xrf0)  }
0x2ec: {  	(v2sf) =	vpush v7, $0xF;
	_ =	sdelay $0x1  }
0x2ed: {  	v7, _, _ =	vpop (xrf0)  }
0x2ee: {  	(v2sf) =	vpush v7, $0xF;
	_ =	sdelay $0x7  }
0x2ef: {  	s2 =	spop (v2sf)  }
0x2f0: {  	p3 =	sgt.f32 s2, $0.0e+00;
	s18 =	spop (v2sf)  }
0x2f1: {  	p4 =	sgt.f32 s18, $0.0e+00;
	s20 =	spop (v2sf)  }
0x2f2: {  	p2 =	por p2, p3;
	p5 =	sgt.f32 s20, $0.0e+00;
	s21 =	spop (v2sf)  }
0x2f3: {  	p2 =	por p2, p4;
	p6 =	sgt.f32 s21, $0.0e+00;
	s22 =	spop (v2sf)  }
0x2f4: {  	p2 =	por p2, p5;
	p5 =	sgt.f32 s22, $0.0e+00  }
0x2f5: {  	p2 =	por p2, p6  }
0x2f6: {  	s31 =	spop (v2sf);
	p2 =	por p2, p5  }
0x2f7: {  	p6 =	sgt.u32 s31, $0x80000000;
	p2 =	por !p2, !p2  }
0x2f8: {  	p2 =	por !p6, !p2  }
0x2f9: {  	s1 =	sadd.s32 $0x1, s1;
	s2 =	simm.s32 $0x1;
	p2 =	por !p2, !p2  }
0x2fa: {  	s2 =	simm.s32 @!p2 $0x0;
	p2 =	sne.s32 s1, $0x64  }
.Ltmp15:
0x2fb: {  	_ = 	snop;
	(pc) =	sbr.rel @p2 .LBB2_21-.Ltmp15, $3  }
0x2fc: {  	_ =	sdelay $0x1  }
0x2fd: {  	v7 =	vmov s2  }
0x2fe: {  	[tilespmem:v6+s10+$0x0] =	vst.idx.msk $0x1, v7  }
0x2ff: {  	s1 =	simm.s32 $0x0  }
0x300: {  	v6 =	vmov s1;
	_ =	sdelay $0x4  }
0x301: {  	v7 =	vld.idx.msk [tilespmem:v6+s10+$0x0], $0xffff;
	_ =	sdelay $0x3  }
0x302: {  	v8 =	vld.idx.msk [tilespmem:v6+s16+$0x0], $0xffff  }
0x303: {  	v7 =	vxor.u32 $0x80000000, v7  }
0x304: {  	(xrf0) =	vmax.scan.msk.u32 $0xffff, v7  }
0x305: {  	v7 =	vld.idx.msk [tilespmem:v6+s9+$0x0], $0xffff;
	_ =	sdelay $0x1  }
0x306: {  	v8 =	vxor.u32 $0x80000000, v8  }
0x307: {  	(xrf0) =	vmax.scan.msk.u32 $0xffff, v8;
	_ =	sdelay $0x1  }
0x308: {  	v7 =	vxor.u32 $0x80000000, v7;
	v8, _, _ =	vpop (xrf0)  }
0x309: {  	(xrf0) =	vmax.scan.msk.u32 $0xffff, v7;
	(v2sf) =	vpush v8, $0xF;
	_ =	sdelay $0x2  }
0x30a: {  	v7, _, _ =	vpop (xrf0)  }
0x30b: {  	(v2sf) =	vpush v7, $0xF;
	_ =	sdelay $0x1  }
0x30c: {  	v7, _, _ =	vpop (xrf0)  }
0x30d: {  	(v2sf) =	vpush v7, $0xF;
	_ =	sdelay $0x2  }
0x30e: {  	v7 =	vld.idx.msk [tilespmem:v6+s8+$0x0], $0xffff;
	_ =	sdelay $0x4  }
0x30f: {  	(xrf0) =	vmax.scan.msk.f32 $0xffff, v7;
	s21 =	spop (v2sf)  }
0x310: {  	vm6 =	vmmov vm1;
	p2 =	sgt.u32 s21, $0x80000000  }
0x311: {  	vm6 =	vmneg @p2 vm6  }
0x312: {  	vm5 =	vmand vm6, vm0  }
0x313: {  	s22 =	spop (v2sf)  }
0x314: {  	s1 =	sxor.u32 $0x80000000, s22  }
0x315: {  	v7, _, _ =	vpop (xrf0);
	v8 =	vmov s1  }
0x316: {  	v7 =	vbroadcast v7, $0xF;
	s31 =	spop (v2sf)  }
0x317: {  	s1 =	sxor.u32 $0x80000000, s31  }
0x318: {  	[tilespmem:v6+s11+$0x0] =	vst.idx.msk vm5, v7;
	v7 =	vmov s1  }
0x319: {  	[tilespmem:v6+s12+$0x0] =	vst.idx.msk vm5, v7  }
0x31a: {  	v10 =	vld.idx.msk [tilespmem:v8+s25+$0x0], $0xffff  }
0x31b: {  	v11 =	vld.idx.msk [tilespmem:v8+s26+$0x0], $0xffff  }
0x31c: {  	vm5 =	vmmov $0xf;
	v7 =	vld.idx.msk [tilespmem:v8+s24+$0x0], $0xffff  }
0x31d: {  	s5 =	simm.s32 $0x0;
	s1 =	simm.s32 $0x1;
	vm6 =	vmand vm6, vm5;
	v8 =	vld.idx.msk [tilespmem:v8+s23+$0x0], $0xffff  }
0x31e: {  	s2 =	simm.s32 $0x1;
	v9 =	vadd.s32 s5, v1;
	s1 =	simm.s32 @!p2 $0x0  }
0x31f: {  	v6 =	vmov s2;
	s3 =	sadd.s32 $0x0, s1  }
0x320: {  	s4 =	simm.s32 $0x2;
	s1 =	sshll.u32 s3, $0x2;
	s2 =	smov.u32 s3;
	v10 =	vsel vm3, v11, v10  }
.LBB2_25:
0x321: {  	p2 =	sne.s32 s4, $0x63;
	v7 =	vsel vm4, v10, v7;
	s5 =	smov.u32 s4;
	s4 =	sadd.s32 $0x1, s4  }
0x322: {  	v7 =	vsel vm0, v8, v7  }
0x323: {  	[tilespmem:v9+s13+$0x0] =	vst.idx.msk vm6, v7  }
0x324: {  	v7 =	vld.idx.msk [tilespmem:v6+s10+$0x0], $0xffff;
	_ =	sdelay $0x3  }
0x325: {  	v8 =	vld.idx.msk [tilespmem:v6+s16+$0x0], $0xffff;
	_ =	sdelay $0x1  }
0x326: {  	v7 =	vxor.u32 $0x80000000, v7  }
0x327: {  	v9 =	vld.idx.msk [tilespmem:v6+s9+$0x0], $0xffff;
	(xrf0) =	vmax.scan.msk.u32 $0xffff, v7;
	_ =	sdelay $0x2  }
0x328: {  	v7 =	vxor.u32 $0x80000000, v8  }
0x329: {  	(xrf0) =	vmax.scan.msk.u32 $0xffff, v7;
	_ =	sdelay $0x1  }
0x32a: {  	v7 =	vxor.u32 $0x80000000, v9;
	v8, _, _ =	vpop (xrf0)  }
0x32b: {  	(v2sf) =	vpush v8, $0xF;
	(xrf0) =	vmax.scan.msk.u32 $0xffff, v7;
	_ =	sdelay $0x2  }
0x32c: {  	v7, _, _ =	vpop (xrf0)  }
0x32d: {  	(v2sf) =	vpush v7, $0xF;
	_ =	sdelay $0x1  }
0x32e: {  	v7, _, _ =	vpop (xrf0)  }
0x32f: {  	(v2sf) =	vpush v7, $0xF;
	_ =	sdelay $0x1  }
0x330: {  	v6 =	vld.idx.msk [tilespmem:v6+s8+$0x0], $0xffff;
	_ =	sdelay $0x5  }
0x331: {  	s6 =	spop (v2sf);
	(xrf0) =	vmax.scan.msk.f32 $0xffff, v6  }
0x332: {  	vm6 =	vmmov vm1;
	p3 =	sgt.u32 s6, $0x80000000;
	s6 =	simm.s32 $0x1  }
0x333: {  	vm6 =	vmneg @p3 vm6;
	s6 =	simm.s32 @!p3 $0x0  }
0x334: {  	vm7 =	vmand vm6, vm0;
	s3 =	sadd.s32 s6, s3  }
0x335: {  	v6 =	vmov s2;
	s6 =	sshll.u32 s3, $0x2;
	s7 =	spop (v2sf);
	s2 =	smov.u32 s3  }
0x336: {  	s7 =	sxor.u32 $0x80000000, s7  }
0x337: {  	v8 =	vmov s7;
	v7, _, _ =	vpop (xrf0)  }
0x338: {  	v7 =	vbroadcast v7, $0xF;
	s7 =	spop (v2sf)  }
0x339: {  	s7 =	sxor.u32 $0x80000000, s7  }
0x33a: {  	[tilespmem:v6+s11+$0x0] =	vst.idx.msk vm7, v7;
	v7 =	vmov s7  }
0x33b: {  	[tilespmem:v6+s12+$0x0] =	vst.idx.msk vm7, v7  }
0x33c: {  	v7 =	vld.idx.msk [tilespmem:v8+s24+$0x0], $0xffff  }
0x33d: {  	v10 =	vld.idx.msk [tilespmem:v8+s25+$0x0], $0xffff  }
0x33e: {  	v11 =	vld.idx.msk [tilespmem:v8+s26+$0x0], $0xffff  }
0x33f: {  	v8 =	vld.idx.msk [tilespmem:v8+s23+$0x0], $0xffff  }
.Ltmp16:
0x340: {  	vm6 =	vmand vm6, vm5;
	(pc) =	sbr.rel @p2 .LBB2_25-.Ltmp16, $3  }
0x341: {  	v9 =	vadd.s32 s1, v1;
	s1 =	smov.u32 s6;
	_ =	sdelay $0x1  }
0x342: {  	v6 =	vmov s5  }
0x343: {  	v10 =	vsel vm3, v11, v10  }
0x344: {  	_ =	sdelay $0x2  }
0x345: {  	v7 =	vsel vm4, v10, v7  }
0x346: {  	v7 =	vsel vm0, v8, v7  }
0x347: {  	[tilespmem:v9+s13+$0x0] =	vst.idx.msk vm6, v7  }
0x348: {  	v7 =	vld.idx.msk [tilespmem:v6+s10+$0x0], $0xffff;
	_ =	sdelay $0x3  }
0x349: {  	v59 =	vld.idx.msk [tilespmem:v6+s16+$0x0], $0xffff  }
0x34a: {  	v7 =	vxor.u32 $0x80000000, v7  }
0x34b: {  	(xrf0) =	vmax.scan.msk.u32 $0xffff, v7  }
0x34c: {  	v7 =	vld.idx.msk [tilespmem:v6+s9+$0x0], $0xffff;
	_ =	sdelay $0x1  }
0x34d: {  	v8 =	vxor.u32 $0x80000000, v59  }
0x34e: {  	(xrf0) =	vmax.scan.msk.u32 $0xffff, v8;
	_ =	sdelay $0x1  }
0x34f: {  	v7 =	vxor.u32 $0x80000000, v7;
	v60, _, _ =	vpop (xrf0)  }
0x350: {  	(xrf0) =	vmax.scan.msk.u32 $0xffff, v7;
	(v2sf) =	vpush v60, $0xF;
	_ =	sdelay $0x2  }
0x351: {  	v7, _, _ =	vpop (xrf0)  }
0x352: {  	(v2sf) =	vpush v7, $0xF;
	_ =	sdelay $0x1  }
0x353: {  	v7, _, _ =	vpop (xrf0)  }
0x354: {  	(v2sf) =	vpush v7, $0xF;
	_ =	sdelay $0x2  }
0x355: {  	v6 =	vld.idx.msk [tilespmem:v6+s8+$0x0], $0xffff;
	_ =	sdelay $0x4  }
0x356: {  	(xrf0) =	vmax.scan.msk.f32 $0xffff, v6;
	s3 =	spop (v2sf)  }
0x357: {  	vm6 =	vmmov vm1;
	p2 =	sgt.u32 s3, $0x80000000  }
0x358: {  	vm6 =	vmneg @p2 vm6  }
0x359: {  	vm7 =	vmand vm6, vm0  }
0x35a: {  	v6 =	vmov s2;
	s15 =	spop (v2sf)  }
0x35b: {  	s2 =	sxor.u32 $0x80000000, s15  }
0x35c: {  	v61, _, _ =	vpop (xrf0);
	v7 =	vmov s2  }
0x35d: {  	v8 =	vbroadcast v61, $0xF;
	s17 =	spop (v2sf)  }
0x35e: {  	s2 =	sxor.u32 $0x80000000, s17  }
0x35f: {  	v62 =	vmov s2;
	[tilespmem:v6+s11+$0x0] =	vst.idx.msk vm7, v8  }
0x360: {  	[tilespmem:v6+s12+$0x0] =	vst.idx.msk vm7, v62  }
0x361: {  	v6 =	vld.idx.msk [tilespmem:v7+s25+$0x0], $0xffff  }
0x362: {  	v8 =	vld.idx.msk [tilespmem:v7+s26+$0x0], $0xffff  }
0x363: {  	v9 =	vld.idx.msk [tilespmem:v7+s24+$0x0], $0xffff  }
0x364: {  	vm5 =	vmand vm6, vm5;
	v7 =	vld.idx.msk [tilespmem:v7+s23+$0x0], $0xffff  }
0x365: {  	v63 =	vadd.s32 s1, v1;
	_ =	sdelay $0x1  }
0x366: {  	v6 =	vsel vm3, v8, v6  }
0x367: {  	v6 =	vsel vm4, v6, v9  }
0x368: {  	v6 =	vsel vm0, v7, v6  }
0x369: {  	s18 =	rddreg [dreg:$0x14];
	s20 =	simm.s32 $0x80;
	s21 =	simm.s32 $0x100;
	[tilespmem:v63+s13+$0x0] =	vst.idx.msk vm5, v6  }
0x36a: {  	[hbm4b:s18+s20] =	stream.strided.scatter [tilespmem:s13], [sflag:$0x1], $0x200, s21, s20, $0x38;
	[tilespmem:$0x9990] =	vst v63  }
0x36b: {  	_ =	swait.ge [sflag:s19], $0x200  }
0x36c: {  	[sflag:s19] =	ssyncset.done $0x0  }
0x36d: {  	s22 =	rddreg [dreg:$0x15];
	[sflag:s19] =	ssyncadd.s32 $0xFFFFFE00  }
0x36e: {  	[hbm4b:s22+s14] =	stream.linear.scatter [tilespmem:s11], [sflag:$0x1], $0x80, $0x38;
	[tilespmem:$0x9990] =	vst v63  }
0x36f: {  	_ =	swait.ge [sflag:s19], $0x80  }
0x370: {  	[sflag:s19] =	ssyncset.done $0x0  }
.Ltmp17:
0x371: {  	s31 =	rddreg [dreg:$0x16];
	[sflag:s19] =	ssyncadd.s32 $0xFFFFFF80;
	(pc) =	sbr.rel .LBB2_27-.Ltmp17, $4  }
0x372: {  	[hbm4b:s31+s14] =	stream.linear.scatter [tilespmem:s12], [sflag:$0x1], $0x80, $0x38;
	[tilespmem:$0x9990] =	vst v63  }
0x373: {  	_ =	swait.ge [sflag:s19], $0x80  }
0x374: {  	[sflag:s19] =	ssyncset.done $0x0  }
0x375: {  	s2 =	rddreg [dreg:$0x18];
	[sflag:s19] =	ssyncadd.s32 $0xFFFFFF80  }
.LBB2_28:
0x376: {  	_ =	sfence.sel $0x180000  }
0x377: {  	[bflag:$0x0] =	sbarrier.arrive $0xFFFF  }
0x378: {  	_ =	strace $0x90000047  }
0x379: {  	[bflag:$0x2] =	sbarrier.arrive $0xFFFF  }
0x37a: {  	s0 =	rddreg [dreg:$0x7]  }
0x37b: {  	s0 =	sadd.s32 @!p1 $0x100000, s0  }
0x37c: {  	[sflag:s0] =	ssyncadd.tile.s32 @!p1 $0x1;
	_ =	shalt  }
.Lfunc_end2:
_tile_overlayer_lowered:
.L_overlay_start_2:
0x37d: {  	(tag) =	ssettag $0x2  }
0x37e: {  	s0 =	rddreg [dreg:$0x0];
	s2 =	stileid.u32  }
0x37f: {  	s1 =	rddreg [dreg:$0x1];
	p0 =	sne.s32 s2, $0x0  }
0x380: {  	s3 =	rddreg [dreg:$0x2];
	[bflag:$0x3] =	sbarrier.arrive $0xFFFF;
	s2 =	simm.s32 @!p0 $0x1C01  }
0x381: {  	[timem:s3], [sflag:s2] =	dma.local @!p0 [hbm:s0], s1  }
0x382: {  	s0 =	simm.s32 @!p0 $0x1  }
0x383: {  	_ =	swait.ge @!p0 [sflag:s0], s1  }
0x384: {  	s1 =	ssub.s32 @!p0 $0x0, s1;
	[sflag:s0] =	ssyncset.done @!p0 $0x0  }
0x385: {  	[sflag:s0] =	ssyncadd.s32 @!p0 s1  }
0x386: {  	[bflag:$0x3] =	sbarrier.arrive $0xFFFF  }
0x387: {  	_ =	shalt  }

</sc_bundles>
